<compile_context>
chip_gen: v7x
topology: tpu7x:2x2x1
jax: 0.10.2.dev20260603
libtpu: 0.0.44.dev20260713+nightly
codegen_flags: <defaults>
</compile_context>

<pallas_src>
import functools

import jax
import jax.numpy as jnp
from jax import lax
from jax.experimental import pallas as pl
from jax.experimental.pallas import tpu as pltpu
from jax.experimental.pallas import tpu_sc as plsc

N = 10000
E = 320000
D = 128
NCLS = 16

NC = 2
NS = 16
NW = NC * NS

CH = 128
RB = 2
BB = 8
NB = 10
CPT = NB * BB
E_PAD = NW * CPT * CH
N_PAD = N + 112

_MESH = plsc.VectorSubcoreMesh(core_axis_name="core", subcore_axis_name="subcore")


@functools.partial(
    pl.kernel,
    out_type=jax.ShapeDtypeStruct((NW, 2, N_PAD), jnp.float32),
    mesh=_MESH,
    scratch_types=[
        pltpu.VMEM((CPT, CH), jnp.int32),
        pltpu.VMEM((CPT, CH), jnp.int32),
        pltpu.VMEM((N_PAD,), jnp.float32),
        pltpu.VMEM((N_PAD,), jnp.float32),
    ],
    compiler_params=pltpu.CompilerParams(needs_layout_passes=False),
)
def _sc_degrees(src_hbm, dst_hbm, z1_hbm, deg_out,
                src_v, dst_v, og_v, ig_v):
    c = lax.axis_index("core")
    s = lax.axis_index("subcore")
    wid = s * NC + c

    pltpu.sync_copy(z1_hbm, og_v)
    pltpu.sync_copy(z1_hbm, ig_v)
    pltpu.sync_copy(src_hbm.at[wid], src_v)
    pltpu.sync_copy(dst_hbm.at[wid], dst_v)

    ones16 = jnp.ones((16,), jnp.float32)

    @pl.loop(0, CPT)
    def _(j):
        for k in range(CH // 16):
            sl = pl.ds(k * 16, 16)
            plsc.addupdate_scatter(og_v, [src_v[j, sl]], ones16)
            plsc.addupdate_scatter(ig_v, [dst_v[j, sl]], ones16)

    pltpu.sync_copy(og_v, deg_out.at[wid, 0])
    pltpu.sync_copy(ig_v, deg_out.at[wid, 1])


def _tc_prep_body(x_ref, w1_ref, degp_ref, h_ref, on_ref, inn_ref):
    deg = jnp.sum(degp_ref[...], axis=0)
    on = lax.rsqrt(jnp.maximum(deg[0], 1.0))
    inn = lax.rsqrt(jnp.maximum(deg[1], 1.0))
    on_ref[0, :] = on
    inn_ref[0, :] = inn
    h = jnp.dot(x_ref[...], w1_ref[...], preferred_element_type=jnp.float32)
    h_ref[pl.ds(0, N), :] = h * on[:N, None]
    h_ref[pl.ds(N, N_PAD - N), :] = jnp.zeros((N_PAD - N, D), jnp.float32)


_tc_prep = pl.pallas_call(
    _tc_prep_body,
    out_shape=(
        jax.ShapeDtypeStruct((N_PAD, D), jnp.float32),
        jax.ShapeDtypeStruct((1, N_PAD), jnp.float32),
        jax.ShapeDtypeStruct((1, N_PAD), jnp.float32),
    ),
)


@functools.partial(
    pl.kernel,
    out_type=(
        jax.ShapeDtypeStruct((NC, N_PAD, D), jnp.float32),
        jax.ShapeDtypeStruct((NC, N_PAD), jnp.float32),
    ),
    mesh=_MESH,
    scratch_types=[
        pltpu.VMEM((CPT, CH), jnp.int32),
        pltpu.VMEM((2, BB, CH), jnp.int32),
        pltpu.VMEM((CH, D), jnp.float32),
        pltpu.VMEM((CH, D), jnp.float32),
        pltpu.VMEM((CH,), jnp.float32),
        pltpu.VMEM_SHARED((N_PAD, D), jnp.float32),
        pltpu.VMEM_SHARED((N_PAD,), jnp.float32),
        [pltpu.SemaphoreType.DMA] * 2,
        [pltpu.SemaphoreType.DMA] * 2,
    ],
)
def _sc_edges(h_hbm, src_hbm, dst_hbm, innorm_hbm, zmat_hbm, z1_hbm,
              agg_out, c_out, src_v, dst_b, r0, r1, val_v,
              acc_sh, c_sh, gsem, bsem):
    c = lax.axis_index("core")
    s = lax.axis_index("subcore")
    wid = s * NC + c
    rows = (r0, r1)

    rpt0 = N_PAD // NS
    pltpu.sync_copy(zmat_hbm.at[pl.ds(s * rpt0, rpt0)],
                    acc_sh.at[pl.ds(s * rpt0, rpt0)])

    @pl.when(s == 0)
    def _():
        pltpu.sync_copy(z1_hbm, c_sh)

    pltpu.sync_copy(src_hbm.at[wid], src_v)
    for p in range(2):
        pltpu.async_copy(dst_hbm.at[wid, p], dst_b.at[p], bsem[p])
    plsc.subcore_barrier()

    for b in range(RB):
        pltpu.async_copy(h_hbm.at[src_v.at[b]], rows[b], gsem[b])

    def block_body(blk, p):
        pltpu.make_async_copy(dst_hbm.at[wid, blk], dst_b.at[p],
                              bsem[p]).wait()

        for i in range(BB):
            j = blk * BB + i
            q = i % 2
            pltpu.make_async_copy(h_hbm.at[src_v.at[j]], rows[q],
                                  gsem[q]).wait()
            pltpu.sync_copy(rows[q], acc_sh.at[dst_b.at[p, i]], add=True)

            @pl.when(j + RB < CPT)
            def _():
                pltpu.async_copy(h_hbm.at[src_v.at[j + RB]], rows[q], gsem[q])

            pltpu.sync_copy(innorm_hbm.at[dst_b.at[p, i]], val_v)
            pltpu.sync_copy(val_v, c_sh.at[src_v.at[j]], add=True)

        @pl.when(blk + 2 < NB)
        def _():
            pltpu.async_copy(dst_hbm.at[wid, blk + 2], dst_b.at[p], bsem[p])

    @pl.loop(0, NB, step=2)
    def _(kb):
        for p in range(2):
            block_body(kb + p, p)

    plsc.subcore_barrier()
    rpt = N_PAD // NS
    pltpu.sync_copy(acc_sh.at[pl.ds(s * rpt, rpt)],
                    agg_out.at[c, pl.ds(s * rpt, rpt)])

    @pl.when(s == 0)
    def _():
        pltpu.sync_copy(c_sh, c_out.at[c])


def _tc_final_body(aggp_ref, cp_ref, on_ref, inn_ref, b1_ref, w2_ref, b2_ref,
                   out_ref):
    agg = aggp_ref[0, pl.ds(0, N), :] + aggp_ref[1, pl.ds(0, N), :]
    cvec = cp_ref[0, pl.ds(0, N)] + cp_ref[1, pl.ds(0, N)]
    inn = inn_ref[0, pl.ds(0, N)]
    on = on_ref[0, pl.ds(0, N)]
    h1 = jnp.maximum(agg * inn[:, None] + b1_ref[0, :][None, :], 0.0)
    wn = on * cvec
    s = jnp.dot(wn[None, :], h1, preferred_element_type=jnp.float32)
    out = jnp.dot(s, w2_ref[...], preferred_element_type=jnp.float32)
    out_ref[...] = out * (1.0 / N) + b2_ref[0, :][None, :]


_tc_final = pl.pallas_call(
    _tc_final_body,
    out_shape=jax.ShapeDtypeStruct((1, NCLS), jnp.float32),
)


def kernel(in_feat, edge_index, W1, b1, W2, b2):
    src = edge_index[0]
    dst = edge_index[1]
    pad = E_PAD - E
    padv = N + (jnp.arange(pad, dtype=jnp.int32) % (N_PAD - N))
    src3 = jnp.concatenate([src, padv]).reshape(NW, CPT, CH)
    dst3 = jnp.concatenate([dst, padv]).reshape(NW, CPT, CH)
    dst4 = dst3.reshape(NW, NB, BB, CH)

    z1 = jnp.zeros((N_PAD,), jnp.float32)
    zmat = jnp.zeros((N_PAD, D), jnp.float32)

    degp = _sc_degrees(src3, dst3, z1)
    h, on2, inn2 = _tc_prep(in_feat, W1, degp)
    aggp, cp = _sc_edges(h, src3, dst4, inn2.reshape(N_PAD), zmat, z1)
    out = _tc_final(aggp, cp, on2, inn2, b1.reshape(1, D),
                    W2, b2.reshape(1, NCLS))
    return out

# --- scband reference (transcript-rebuilt; emitter-appended) ---
"""Pipeline reference for scband-gcn-824633720920 (READ-ONLY COPY).

The authoritative reference and input builder live on the scoring server;
editing this copy changes nothing except your own understanding.
"""

import jax, jax.numpy as jnp
import numpy as np

N_NODES = 10000
N_EDGES = 320000
D_IN = 128
D_H = 128
N_CLS = 16


def setup_inputs(seed: int = 0) -> dict:
    key = jax.random.key(seed)
    k1, k2, k3, k4, k5, k6 = jax.random.split(key, 6)
    in_feat = jax.random.normal(k1, (N_NODES, D_IN), dtype=jnp.float32)
    edge_index = jax.random.randint(k2, (2, N_EDGES), 0, N_NODES, dtype=jnp.int32)
    W1 = jax.random.normal(k3, (D_IN, D_H), dtype=jnp.float32) * 0.05
    b1 = jnp.zeros((D_H,), dtype=jnp.float32)
    W2 = jax.random.normal(k4, (D_H, N_CLS), dtype=jnp.float32) * 0.05
    b2 = jnp.zeros((N_CLS,), dtype=jnp.float32)
    return {"in_feat": in_feat, "edge_index": edge_index, "W1": W1, "b1": b1, "W2": W2, "b2": b2}


def _graph_conv(x, src, dst, W, b, n_nodes):
    # DGL GraphConv with norm='both': h = D_in^{-1/2} A (D_out^{-1/2} x) W + b
    ones = jnp.ones((src.shape[0],), dtype=x.dtype)
    out_deg = jax.ops.segment_sum(ones, src, num_segments=n_nodes)
    in_deg = jax.ops.segment_sum(ones, dst, num_segments=n_nodes)
    out_norm = jnp.power(jnp.clip(out_deg, 1.0, None), -0.5)
    in_norm = jnp.power(jnp.clip(in_deg, 1.0, None), -0.5)
    h = x * out_norm[:, None]
    h = h @ W
    msgs = jnp.take(h, src, axis=0)
    agg = jnp.zeros((n_nodes, h.shape[1]), dtype=h.dtype).at[dst].add(msgs)
    agg = agg * in_norm[:, None]
    return agg + b


def reference(in_feat, edge_index, W1, b1, W2, b2):
    src = edge_index[0]
    dst = edge_index[1]
    h = _graph_conv(in_feat, src, dst, W1, b1, N_NODES)
    h = jax.nn.relu(h)
    h = _graph_conv(h, src, dst, W2, b2, N_NODES)
    # dgl.mean_nodes over a single graph -> mean over all nodes, shape [1, num_classes]
    return jnp.mean(h, axis=0, keepdims=True)

if __name__ == "__main__":
    import jax
    _d = setup_inputs()
    print(jax.jit(kernel)(*tuple(_d.values())))

</pallas_src>

<mosaic_0001>
#map = affine_map<(d0, d1) -> (0, 0, 0)>
#map1 = affine_map<(d0, d1) -> (0)>
module attributes {stable_mosaic.version = 14 : i64} {
  func.func @_sc_degrees(%arg0: i32, %arg1: i32, %arg2: memref<32x80x128xi32, #tpu.memory_space<hbm>>, %arg3: memref<32x80x128xi32, #tpu.memory_space<hbm>>, %arg4: memref<10112xf32, #tpu.memory_space<hbm>>, %arg5: memref<32x2x10112xf32, #tpu.memory_space<hbm>>, %arg6: memref<80x128xi32, #tpu.memory_space<vmem>>, %arg7: memref<80x128xi32, #tpu.memory_space<vmem>>, %arg8: memref<10112xf32, #tpu.memory_space<vmem>>, %arg9: memref<10112xf32, #tpu.memory_space<vmem>>) attributes {dimension_semantics = [#tpu.dimension_semantics<core_parallel>, #tpu.dimension_semantics<subcore_parallel>], iteration_bounds = array<i64: 2, 16>, scalar_prefetch = 0 : i64, scratch_operands = 4 : i64, tpu.core_type = #tpu.core_type<sc_vector_subcore>, window_params = [{transform_indices = #map}, {transform_indices = #map}, {transform_indices = #map1}, {transform_indices = #map}]} {
    %mul3A = arith.constant 2 : i32
    %mul3A_0 = arith.muli %arg1, %mul3A : i32
    %add3A = arith.addi %mul3A_0, %arg0 : i32
    "tpu.region"() ({
      %run_scoped3A_7 = tpu.sem_alloc : memref<!tpu.dma_semaphore, #tpu.memory_space<semaphore_mem>>
      tpu.enqueue_dma source(%arg4 : memref<10112xf32, #tpu.memory_space<hbm>>) target(%arg8 : memref<10112xf32, #tpu.memory_space<vmem>>) target_semaphore(%run_scoped3A_7 : memref<!tpu.dma_semaphore, #tpu.memory_space<semaphore_mem>>)
      tpu.wait_dma2 semaphore(%run_scoped3A_7 : memref<!tpu.dma_semaphore, #tpu.memory_space<semaphore_mem>>) src(%arg4 : memref<10112xf32, #tpu.memory_space<hbm>>) dst(%arg8 : memref<10112xf32, #tpu.memory_space<vmem>>)
      tpu.yield
    }) : () -> ()
    "tpu.region"() ({
      %run_scoped3A_7 = tpu.sem_alloc : memref<!tpu.dma_semaphore, #tpu.memory_space<semaphore_mem>>
      tpu.enqueue_dma source(%arg4 : memref<10112xf32, #tpu.memory_space<hbm>>) target(%arg9 : memref<10112xf32, #tpu.memory_space<vmem>>) target_semaphore(%run_scoped3A_7 : memref<!tpu.dma_semaphore, #tpu.memory_space<semaphore_mem>>)
      tpu.wait_dma2 semaphore(%run_scoped3A_7 : memref<!tpu.dma_semaphore, #tpu.memory_space<semaphore_mem>>) src(%arg4 : memref<10112xf32, #tpu.memory_space<hbm>>) dst(%arg9 : memref<10112xf32, #tpu.memory_space<vmem>>)
      tpu.yield
    }) : () -> ()
    "tpu.region"() ({
      %run_scoped3A_7 = tpu.sem_alloc : memref<!tpu.dma_semaphore, #tpu.memory_space<semaphore_mem>>
      %dma_start3A = arith.constant 0 : i32
      %dma_start3A_8 = arith.constant 0 : i32
      %dma_start3A_9 = tpu.memref_slice %arg2[%add3A, %dma_start3A, %dma_start3A_8] : memref<32x80x128xi32, #tpu.memory_space<hbm>> -> memref<1x80x128xi32, #tpu.memory_space<hbm>>
      %dma_start3A_10 = tpu.memref_squeeze %dma_start3A_9 : memref<1x80x128xi32, #tpu.memory_space<hbm>> -> memref<80x128xi32, #tpu.memory_space<hbm>>
      %dma_start3A_11 = arith.constant 0 : i32
      %dma_start3A_12 = arith.constant 0 : i32
      %dma_start3A_13 = tpu.memref_slice %arg2[%add3A, %dma_start3A_11, %dma_start3A_12] : memref<32x80x128xi32, #tpu.memory_space<hbm>> -> memref<1x80x128xi32, #tpu.memory_space<hbm>>
      %dma_start3A_14 = tpu.memref_squeeze %dma_start3A_13 : memref<1x80x128xi32, #tpu.memory_space<hbm>> -> memref<80x128xi32, #tpu.memory_space<hbm>>
      tpu.enqueue_dma source(%dma_start3A_14 : memref<80x128xi32, #tpu.memory_space<hbm>>) target(%arg6 : memref<80x128xi32, #tpu.memory_space<vmem>>) target_semaphore(%run_scoped3A_7 : memref<!tpu.dma_semaphore, #tpu.memory_space<semaphore_mem>>)
      %dma_wait3A = arith.constant 0 : i32
      %dma_wait3A_15 = arith.constant 0 : i32
      %dma_wait3A_16 = tpu.memref_slice %arg2[%add3A, %dma_wait3A, %dma_wait3A_15] : memref<32x80x128xi32, #tpu.memory_space<hbm>> -> memref<1x80x128xi32, #tpu.memory_space<hbm>>
      %dma_wait3A_17 = tpu.memref_squeeze %dma_wait3A_16 : memref<1x80x128xi32, #tpu.memory_space<hbm>> -> memref<80x128xi32, #tpu.memory_space<hbm>>
      %dma_wait3A_18 = arith.constant 0 : i32
      %dma_wait3A_19 = arith.constant 0 : i32
      %dma_wait3A_20 = tpu.memref_slice %arg2[%add3A, %dma_wait3A_18, %dma_wait3A_19] : memref<32x80x128xi32, #tpu.memory_space<hbm>> -> memref<1x80x128xi32, #tpu.memory_space<hbm>>
      %dma_wait3A_21 = tpu.memref_squeeze %dma_wait3A_20 : memref<1x80x128xi32, #tpu.memory_space<hbm>> -> memref<80x128xi32, #tpu.memory_space<hbm>>
      tpu.wait_dma2 semaphore(%run_scoped3A_7 : memref<!tpu.dma_semaphore, #tpu.memory_space<semaphore_mem>>) src(%dma_wait3A_21 : memref<80x128xi32, #tpu.memory_space<hbm>>) dst(%arg6 : memref<80x128xi32, #tpu.memory_space<vmem>>)
      tpu.yield
    }) : () -> ()
    "tpu.region"() ({
      %run_scoped3A_7 = tpu.sem_alloc : memref<!tpu.dma_semaphore, #tpu.memory_space<semaphore_mem>>
      %dma_start3A = arith.constant 0 : i32
      %dma_start3A_8 = arith.constant 0 : i32
      %dma_start3A_9 = tpu.memref_slice %arg3[%add3A, %dma_start3A, %dma_start3A_8] : memref<32x80x128xi32, #tpu.memory_space<hbm>> -> memref<1x80x128xi32, #tpu.memory_space<hbm>>
      %dma_start3A_10 = tpu.memref_squeeze %dma_start3A_9 : memref<1x80x128xi32, #tpu.memory_space<hbm>> -> memref<80x128xi32, #tpu.memory_space<hbm>>
      %dma_start3A_11 = arith.constant 0 : i32
      %dma_start3A_12 = arith.constant 0 : i32
      %dma_start3A_13 = tpu.memref_slice %arg3[%add3A, %dma_start3A_11, %dma_start3A_12] : memref<32x80x128xi32, #tpu.memory_space<hbm>> -> memref<1x80x128xi32, #tpu.memory_space<hbm>>
      %dma_start3A_14 = tpu.memref_squeeze %dma_start3A_13 : memref<1x80x128xi32, #tpu.memory_space<hbm>> -> memref<80x128xi32, #tpu.memory_space<hbm>>
      tpu.enqueue_dma source(%dma_start3A_14 : memref<80x128xi32, #tpu.memory_space<hbm>>) target(%arg7 : memref<80x128xi32, #tpu.memory_space<vmem>>) target_semaphore(%run_scoped3A_7 : memref<!tpu.dma_semaphore, #tpu.memory_space<semaphore_mem>>)
      %dma_wait3A = arith.constant 0 : i32
      %dma_wait3A_15 = arith.constant 0 : i32
      %dma_wait3A_16 = tpu.memref_slice %arg3[%add3A, %dma_wait3A, %dma_wait3A_15] : memref<32x80x128xi32, #tpu.memory_space<hbm>> -> memref<1x80x128xi32, #tpu.memory_space<hbm>>
      %dma_wait3A_17 = tpu.memref_squeeze %dma_wait3A_16 : memref<1x80x128xi32, #tpu.memory_space<hbm>> -> memref<80x128xi32, #tpu.memory_space<hbm>>
      %dma_wait3A_18 = arith.constant 0 : i32
      %dma_wait3A_19 = arith.constant 0 : i32
      %dma_wait3A_20 = tpu.memref_slice %arg3[%add3A, %dma_wait3A_18, %dma_wait3A_19] : memref<32x80x128xi32, #tpu.memory_space<hbm>> -> memref<1x80x128xi32, #tpu.memory_space<hbm>>
      %dma_wait3A_21 = tpu.memref_squeeze %dma_wait3A_20 : memref<1x80x128xi32, #tpu.memory_space<hbm>> -> memref<80x128xi32, #tpu.memory_space<hbm>>
      tpu.wait_dma2 semaphore(%run_scoped3A_7 : memref<!tpu.dma_semaphore, #tpu.memory_space<semaphore_mem>>) src(%dma_wait3A_21 : memref<80x128xi32, #tpu.memory_space<hbm>>) dst(%arg7 : memref<80x128xi32, #tpu.memory_space<vmem>>)
      tpu.yield
    }) : () -> ()
    %broadcast_in_dim3A = arith.constant 1.000000e+00 : f32
    %broadcast_in_dim3A_1 = vector.broadcast %broadcast_in_dim3A : f32 to vector<16xf32>
    %scan3A = arith.constant 0 : i32
    %scan3A_2 = arith.constant 80 : i32
    %scan3A_3 = arith.addi %scan3A, %scan3A_2 : i32
    %scan3A_4 = arith.constant 1 : i32
    scf.for %scan3A_7 = %scan3A to %scan3A_3 step %scan3A_4  : i32 {
      %mul3A_8 = arith.constant 1 : i32
      %mul3A_9 = arith.muli %scan3A_7, %mul3A_8 : i32
      %add3A_10 = arith.constant 0 : i32
      %add3A_11 = arith.addi %add3A_10, %mul3A_9 : i32
      %get3A = arith.index_cast %add3A_11 : i32 to index
      %get3A_12 = arith.constant 0 : index
      %get3A_13 = tpu.vector_load %arg6[%get3A, %get3A_12] {strides = array<i32>} : memref<80x128xi32, #tpu.memory_space<vmem>>, vector<16xi32>,
      tpu.vector_store_idx %arg8[%get3A_13], %broadcast_in_dim3A_1 {add = true} : memref<10112xf32, #tpu.memory_space<vmem>>[vector<16xi32>], vector<16xf32>,
      %get3A_14 = arith.index_cast %add3A_11 : i32 to index
      %get3A_15 = arith.constant 0 : index
      %get3A_16 = tpu.vector_load %arg7[%get3A_14, %get3A_15] {strides = array<i32>} : memref<80x128xi32, #tpu.memory_space<vmem>>, vector<16xi32>,
      tpu.vector_store_idx %arg9[%get3A_16], %broadcast_in_dim3A_1 {add = true} : memref<10112xf32, #tpu.memory_space<vmem>>[vector<16xi32>], vector<16xf32>,
      %get3A_17 = arith.index_cast %add3A_11 : i32 to index
      %get3A_18 = arith.constant 16 : index
      %get3A_19 = tpu.vector_load %arg6[%get3A_17, %get3A_18] {strides = array<i32>} : memref<80x128xi32, #tpu.memory_space<vmem>>, vector<16xi32>,
      tpu.vector_store_idx %arg8[%get3A_19], %broadcast_in_dim3A_1 {add = true} : memref<10112xf32, #tpu.memory_space<vmem>>[vector<16xi32>], vector<16xf32>,
      %get3A_20 = arith.index_cast %add3A_11 : i32 to index
      %get3A_21 = arith.constant 16 : index
      %get3A_22 = tpu.vector_load %arg7[%get3A_20, %get3A_21] {strides = array<i32>} : memref<80x128xi32, #tpu.memory_space<vmem>>, vector<16xi32>,
      tpu.vector_store_idx %arg9[%get3A_22], %broadcast_in_dim3A_1 {add = true} : memref<10112xf32, #tpu.memory_space<vmem>>[vector<16xi32>], vector<16xf32>,
      %get3A_23 = arith.index_cast %add3A_11 : i32 to index
      %get3A_24 = arith.constant 32 : index
      %get3A_25 = tpu.vector_load %arg6[%get3A_23, %get3A_24] {strides = array<i32>} : memref<80x128xi32, #tpu.memory_space<vmem>>, vector<16xi32>,
      tpu.vector_store_idx %arg8[%get3A_25], %broadcast_in_dim3A_1 {add = true} : memref<10112xf32, #tpu.memory_space<vmem>>[vector<16xi32>], vector<16xf32>,
      %get3A_26 = arith.index_cast %add3A_11 : i32 to index
      %get3A_27 = arith.constant 32 : index
      %get3A_28 = tpu.vector_load %arg7[%get3A_26, %get3A_27] {strides = array<i32>} : memref<80x128xi32, #tpu.memory_space<vmem>>, vector<16xi32>,
      tpu.vector_store_idx %arg9[%get3A_28], %broadcast_in_dim3A_1 {add = true} : memref<10112xf32, #tpu.memory_space<vmem>>[vector<16xi32>], vector<16xf32>,
      %get3A_29 = arith.index_cast %add3A_11 : i32 to index
      %get3A_30 = arith.constant 48 : index
      %get3A_31 = tpu.vector_load %arg6[%get3A_29, %get3A_30] {strides = array<i32>} : memref<80x128xi32, #tpu.memory_space<vmem>>, vector<16xi32>,
      tpu.vector_store_idx %arg8[%get3A_31], %broadcast_in_dim3A_1 {add = true} : memref<10112xf32, #tpu.memory_space<vmem>>[vector<16xi32>], vector<16xf32>,
      %get3A_32 = arith.index_cast %add3A_11 : i32 to index
      %get3A_33 = arith.constant 48 : index
      %get3A_34 = tpu.vector_load %arg7[%get3A_32, %get3A_33] {strides = array<i32>} : memref<80x128xi32, #tpu.memory_space<vmem>>, vector<16xi32>,
      tpu.vector_store_idx %arg9[%get3A_34], %broadcast_in_dim3A_1 {add = true} : memref<10112xf32, #tpu.memory_space<vmem>>[vector<16xi32>], vector<16xf32>,
      %get3A_35 = arith.index_cast %add3A_11 : i32 to index
      %get3A_36 = arith.constant 64 : index
      %get3A_37 = tpu.vector_load %arg6[%get3A_35, %get3A_36] {strides = array<i32>} : memref<80x128xi32, #tpu.memory_space<vmem>>, vector<16xi32>,
      tpu.vector_store_idx %arg8[%get3A_37], %broadcast_in_dim3A_1 {add = true} : memref<10112xf32, #tpu.memory_space<vmem>>[vector<16xi32>], vector<16xf32>,
      %get3A_38 = arith.index_cast %add3A_11 : i32 to index
      %get3A_39 = arith.constant 64 : index
      %get3A_40 = tpu.vector_load %arg7[%get3A_38, %get3A_39] {strides = array<i32>} : memref<80x128xi32, #tpu.memory_space<vmem>>, vector<16xi32>,
      tpu.vector_store_idx %arg9[%get3A_40], %broadcast_in_dim3A_1 {add = true} : memref<10112xf32, #tpu.memory_space<vmem>>[vector<16xi32>], vector<16xf32>,
      %get3A_41 = arith.index_cast %add3A_11 : i32 to index
      %get3A_42 = arith.constant 80 : index
      %get3A_43 = tpu.vector_load %arg6[%get3A_41, %get3A_42] {strides = array<i32>} : memref<80x128xi32, #tpu.memory_space<vmem>>, vector<16xi32>,
      tpu.vector_store_idx %arg8[%get3A_43], %broadcast_in_dim3A_1 {add = true} : memref<10112xf32, #tpu.memory_space<vmem>>[vector<16xi32>], vector<16xf32>,
      %get3A_44 = arith.index_cast %add3A_11 : i32 to index
      %get3A_45 = arith.constant 80 : index
      %get3A_46 = tpu.vector_load %arg7[%get3A_44, %get3A_45] {strides = array<i32>} : memref<80x128xi32, #tpu.memory_space<vmem>>, vector<16xi32>,
      tpu.vector_store_idx %arg9[%get3A_46], %broadcast_in_dim3A_1 {add = true} : memref<10112xf32, #tpu.memory_space<vmem>>[vector<16xi32>], vector<16xf32>,
      %get3A_47 = arith.index_cast %add3A_11 : i32 to index
      %get3A_48 = arith.constant 96 : index
      %get3A_49 = tpu.vector_load %arg6[%get3A_47, %get3A_48] {strides = array<i32>} : memref<80x128xi32, #tpu.memory_space<vmem>>, vector<16xi32>,
      tpu.vector_store_idx %arg8[%get3A_49], %broadcast_in_dim3A_1 {add = true} : memref<10112xf32, #tpu.memory_space<vmem>>[vector<16xi32>], vector<16xf32>,
      %get3A_50 = arith.index_cast %add3A_11 : i32 to index
      %get3A_51 = arith.constant 96 : index
      %get3A_52 = tpu.vector_load %arg7[%get3A_50, %get3A_51] {strides = array<i32>} : memref<80x128xi32, #tpu.memory_space<vmem>>, vector<16xi32>,
      tpu.vector_store_idx %arg9[%get3A_52], %broadcast_in_dim3A_1 {add = true} : memref<10112xf32, #tpu.memory_space<vmem>>[vector<16xi32>], vector<16xf32>,
      %get3A_53 = arith.index_cast %add3A_11 : i32 to index
      %get3A_54 = arith.constant 112 : index
      %get3A_55 = tpu.vector_load %arg6[%get3A_53, %get3A_54] {strides = array<i32>} : memref<80x128xi32, #tpu.memory_space<vmem>>, vector<16xi32>,
      tpu.vector_store_idx %arg8[%get3A_55], %broadcast_in_dim3A_1 {add = true} : memref<10112xf32, #tpu.memory_space<vmem>>[vector<16xi32>], vector<16xf32>,
      %get3A_56 = arith.index_cast %add3A_11 : i32 to index
      %get3A_57 = arith.constant 112 : index
      %get3A_58 = tpu.vector_load %arg7[%get3A_56, %get3A_57] {strides = array<i32>} : memref<80x128xi32, #tpu.memory_space<vmem>>, vector<16xi32>,
      tpu.vector_store_idx %arg9[%get3A_58], %broadcast_in_dim3A_1 {add = true} : memref<10112xf32, #tpu.memory_space<vmem>>[vector<16xi32>], vector<16xf32>,
    }
    %scan3A_5 = arith.constant 80 : i32
    %run_scoped3A = arith.constant 0 : i32
    "tpu.region"() ({
      %run_scoped3A_7 = tpu.sem_alloc : memref<!tpu.dma_semaphore, #tpu.memory_space<semaphore_mem>>
      %dma_start3A = arith.constant 0 : i32
      %dma_start3A_8 = tpu.memref_slice %arg5[%add3A, %run_scoped3A, %dma_start3A] : memref<32x2x10112xf32, #tpu.memory_space<hbm>> -> memref<1x1x10112xf32, #tpu.memory_space<hbm>>
      %dma_start3A_9 = tpu.memref_squeeze %dma_start3A_8 : memref<1x1x10112xf32, #tpu.memory_space<hbm>> -> memref<10112xf32, #tpu.memory_space<hbm>>
      %dma_start3A_10 = arith.constant 0 : i32
      %dma_start3A_11 = tpu.memref_slice %arg5[%add3A, %run_scoped3A, %dma_start3A_10] : memref<32x2x10112xf32, #tpu.memory_space<hbm>> -> memref<1x1x10112xf32, #tpu.memory_space<hbm>>
      %dma_start3A_12 = tpu.memref_squeeze %dma_start3A_11 : memref<1x1x10112xf32, #tpu.memory_space<hbm>> -> memref<10112xf32, #tpu.memory_space<hbm>>
      tpu.enqueue_dma source(%arg8 : memref<10112xf32, #tpu.memory_space<vmem>>) target(%dma_start3A_12 : memref<10112xf32, #tpu.memory_space<hbm>>) target_semaphore(%run_scoped3A_7 : memref<!tpu.dma_semaphore, #tpu.memory_space<semaphore_mem>>)
      %dma_wait3A = arith.constant 0 : i32
      %dma_wait3A_13 = tpu.memref_slice %arg5[%add3A, %run_scoped3A, %dma_wait3A] : memref<32x2x10112xf32, #tpu.memory_space<hbm>> -> memref<1x1x10112xf32, #tpu.memory_space<hbm>>
      %dma_wait3A_14 = tpu.memref_squeeze %dma_wait3A_13 : memref<1x1x10112xf32, #tpu.memory_space<hbm>> -> memref<10112xf32, #tpu.memory_space<hbm>>
      %dma_wait3A_15 = arith.constant 0 : i32
      %dma_wait3A_16 = tpu.memref_slice %arg5[%add3A, %run_scoped3A, %dma_wait3A_15] : memref<32x2x10112xf32, #tpu.memory_space<hbm>> -> memref<1x1x10112xf32, #tpu.memory_space<hbm>>
      %dma_wait3A_17 = tpu.memref_squeeze %dma_wait3A_16 : memref<1x1x10112xf32, #tpu.memory_space<hbm>> -> memref<10112xf32, #tpu.memory_space<hbm>>
      tpu.wait_dma2 semaphore(%run_scoped3A_7 : memref<!tpu.dma_semaphore, #tpu.memory_space<semaphore_mem>>) src(%arg8 : memref<10112xf32, #tpu.memory_space<vmem>>) dst(%dma_wait3A_17 : memref<10112xf32, #tpu.memory_space<hbm>>)
      tpu.yield
    }) : () -> ()
    %run_scoped3A_6 = arith.constant 1 : i32
    "tpu.region"() ({
      %run_scoped3A_7 = tpu.sem_alloc : memref<!tpu.dma_semaphore, #tpu.memory_space<semaphore_mem>>
      %dma_start3A = arith.constant 0 : i32
      %dma_start3A_8 = tpu.memref_slice %arg5[%add3A, %run_scoped3A_6, %dma_start3A] : memref<32x2x10112xf32, #tpu.memory_space<hbm>> -> memref<1x1x10112xf32, #tpu.memory_space<hbm>>
      %dma_start3A_9 = tpu.memref_squeeze %dma_start3A_8 : memref<1x1x10112xf32, #tpu.memory_space<hbm>> -> memref<10112xf32, #tpu.memory_space<hbm>>
      %dma_start3A_10 = arith.constant 0 : i32
      %dma_start3A_11 = tpu.memref_slice %arg5[%add3A, %run_scoped3A_6, %dma_start3A_10] : memref<32x2x10112xf32, #tpu.memory_space<hbm>> -> memref<1x1x10112xf32, #tpu.memory_space<hbm>>
      %dma_start3A_12 = tpu.memref_squeeze %dma_start3A_11 : memref<1x1x10112xf32, #tpu.memory_space<hbm>> -> memref<10112xf32, #tpu.memory_space<hbm>>
      tpu.enqueue_dma source(%arg9 : memref<10112xf32, #tpu.memory_space<vmem>>) target(%dma_start3A_12 : memref<10112xf32, #tpu.memory_space<hbm>>) target_semaphore(%run_scoped3A_7 : memref<!tpu.dma_semaphore, #tpu.memory_space<semaphore_mem>>)
      %dma_wait3A = arith.constant 0 : i32
      %dma_wait3A_13 = tpu.memref_slice %arg5[%add3A, %run_scoped3A_6, %dma_wait3A] : memref<32x2x10112xf32, #tpu.memory_space<hbm>> -> memref<1x1x10112xf32, #tpu.memory_space<hbm>>
      %dma_wait3A_14 = tpu.memref_squeeze %dma_wait3A_13 : memref<1x1x10112xf32, #tpu.memory_space<hbm>> -> memref<10112xf32, #tpu.memory_space<hbm>>
      %dma_wait3A_15 = arith.constant 0 : i32
      %dma_wait3A_16 = tpu.memref_slice %arg5[%add3A, %run_scoped3A_6, %dma_wait3A_15] : memref<32x2x10112xf32, #tpu.memory_space<hbm>> -> memref<1x1x10112xf32, #tpu.memory_space<hbm>>
      %dma_wait3A_17 = tpu.memref_squeeze %dma_wait3A_16 : memref<1x1x10112xf32, #tpu.memory_space<hbm>> -> memref<10112xf32, #tpu.memory_space<hbm>>
      tpu.wait_dma2 semaphore(%run_scoped3A_7 : memref<!tpu.dma_semaphore, #tpu.memory_space<semaphore_mem>>) src(%arg9 : memref<10112xf32, #tpu.memory_space<vmem>>) dst(%dma_wait3A_17 : memref<10112xf32, #tpu.memory_space<hbm>>)
      tpu.yield
    }) : () -> ()
    return
  }
}

#map = affine_map<(d0, d1) -> (0, 0)>
#map1 = affine_map<(d0, d1) -> (0, 0, 0)>
#map2 = affine_map<(d0, d1) -> (0, 0, 0, 0)>
#map3 = affine_map<(d0, d1) -> (0)>
module attributes {stable_mosaic.version = 14 : i64} {
  func.func @_sc_edges(%arg0: i32, %arg1: i32, %arg2: memref<10112x128xf32, #tpu.memory_space<hbm>>, %arg3: memref<32x80x128xi32, #tpu.memory_space<hbm>>, %arg4: memref<32x10x8x128xi32, #tpu.memory_space<hbm>>, %arg5: memref<10112xf32, #tpu.memory_space<hbm>>, %arg6: memref<10112x128xf32, #tpu.memory_space<hbm>>, %arg7: memref<10112xf32, #tpu.memory_space<hbm>>, %arg8: memref<2x10112x128xf32, #tpu.memory_space<hbm>>, %arg9: memref<2x10112xf32, #tpu.memory_space<hbm>>, %arg10: memref<80x128xi32, #tpu.memory_space<vmem>>, %arg11: memref<2x8x128xi32, #tpu.memory_space<vmem>>, %arg12: memref<128x128xf32, #tpu.memory_space<vmem>>, %arg13: memref<128x128xf32, #tpu.memory_space<vmem>>, %arg14: memref<128xf32, #tpu.memory_space<vmem>>, %arg15: memref<10112x128xf32, #tpu.memory_space<vmem_shared>>, %arg16: memref<10112xf32, #tpu.memory_space<vmem_shared>>, %arg17: memref<!tpu.dma_semaphore, #tpu.memory_space<semaphore_mem>>, %arg18: memref<!tpu.dma_semaphore, #tpu.memory_space<semaphore_mem>>, %arg19: memref<!tpu.dma_semaphore, #tpu.memory_space<semaphore_mem>>, %arg20: memref<!tpu.dma_semaphore, #tpu.memory_space<semaphore_mem>>) attributes {dimension_semantics = [#tpu.dimension_semantics<core_parallel>, #tpu.dimension_semantics<subcore_parallel>], iteration_bounds = array<i64: 2, 16>, scalar_prefetch = 0 : i64, scratch_operands = 11 : i64, tpu.core_type = #tpu.core_type<sc_vector_subcore>, window_params = [{transform_indices = #map}, {transform_indices = #map1}, {transform_indices = #map2}, {transform_indices = #map3}, {transform_indices = #map}, {transform_indices = #map3}, {transform_indices = #map1}, {transform_indices = #map}]} {
    %mul3A = arith.constant 2 : i32
    %mul3A_0 = arith.muli %arg1, %mul3A : i32
    %add3A = arith.addi %mul3A_0, %arg0 : i32
    %mul3A_1 = arith.constant 632 : i32
    %mul3A_2 = arith.muli %arg1, %mul3A_1 : i32
    %mul3A_3 = arith.constant 632 : i32
    %mul3A_4 = arith.muli %arg1, %mul3A_3 : i32
    "tpu.region"() ({
      %run_scoped3A = tpu.sem_alloc : memref<!tpu.dma_semaphore, #tpu.memory_space<semaphore_mem>>
      %dma_start3A_70 = arith.constant 0 : i32
      %dma_start3A_71 = tpu.memref_slice %arg15[%mul3A_4, %dma_start3A_70] : memref<10112x128xf32, #tpu.memory_space<vmem_shared>> -> memref<632x128xf32, #tpu.memory_space<vmem_shared>>
      %dma_start3A_72 = arith.constant 0 : i32
      %dma_start3A_73 = tpu.memref_slice %arg6[%mul3A_2, %dma_start3A_72] : memref<10112x128xf32, #tpu.memory_space<hbm>> -> memref<632x128xf32, #tpu.memory_space<hbm>>
      tpu.enqueue_dma source(%dma_start3A_73 : memref<632x128xf32, #tpu.memory_space<hbm>>) target(%dma_start3A_71 : memref<632x128xf32, #tpu.memory_space<vmem_shared>>) target_semaphore(%run_scoped3A : memref<!tpu.dma_semaphore, #tpu.memory_space<semaphore_mem>>)
      %dma_wait3A = arith.constant 0 : i32
      %dma_wait3A_74 = tpu.memref_slice %arg15[%mul3A_4, %dma_wait3A] : memref<10112x128xf32, #tpu.memory_space<vmem_shared>> -> memref<632x128xf32, #tpu.memory_space<vmem_shared>>
      %dma_wait3A_75 = arith.constant 0 : i32
      %dma_wait3A_76 = tpu.memref_slice %arg6[%mul3A_2, %dma_wait3A_75] : memref<10112x128xf32, #tpu.memory_space<hbm>> -> memref<632x128xf32, #tpu.memory_space<hbm>>
      tpu.wait_dma2 semaphore(%run_scoped3A : memref<!tpu.dma_semaphore, #tpu.memory_space<semaphore_mem>>) src(%dma_wait3A_76 : memref<632x128xf32, #tpu.memory_space<hbm>>) dst(%dma_wait3A_74 : memref<632x128xf32, #tpu.memory_space<vmem_shared>>)
      tpu.yield
    }) : () -> ()
    %eq3A = arith.constant 0 : i32
    %eq3A_5 = arith.cmpi eq, %arg1, %eq3A : i32
    %convert_element_type3A = arith.extui %eq3A_5 : i1 to i32
    %cond3A = arith.constant 0 : i32
    %cond3A_6 = arith.cmpi ne, %convert_element_type3A, %cond3A : i32
    scf.if %cond3A_6 {
      "tpu.region"() ({
        %run_scoped3A = tpu.sem_alloc : memref<!tpu.dma_semaphore, #tpu.memory_space<semaphore_mem>>
        tpu.enqueue_dma source(%arg7 : memref<10112xf32, #tpu.memory_space<hbm>>) target(%arg16 : memref<10112xf32, #tpu.memory_space<vmem_shared>>) target_semaphore(%run_scoped3A : memref<!tpu.dma_semaphore, #tpu.memory_space<semaphore_mem>>)
        tpu.wait_dma2 semaphore(%run_scoped3A : memref<!tpu.dma_semaphore, #tpu.memory_space<semaphore_mem>>) src(%arg7 : memref<10112xf32, #tpu.memory_space<hbm>>) dst(%arg16 : memref<10112xf32, #tpu.memory_space<vmem_shared>>)
        tpu.yield
      }) : () -> ()
    } else {
    }
    "tpu.region"() ({
      %run_scoped3A = tpu.sem_alloc : memref<!tpu.dma_semaphore, #tpu.memory_space<semaphore_mem>>
      %dma_start3A_70 = arith.constant 0 : i32
      %dma_start3A_71 = arith.constant 0 : i32
      %dma_start3A_72 = tpu.memref_slice %arg3[%add3A, %dma_start3A_70, %dma_start3A_71] : memref<32x80x128xi32, #tpu.memory_space<hbm>> -> memref<1x80x128xi32, #tpu.memory_space<hbm>>
      %dma_start3A_73 = tpu.memref_squeeze %dma_start3A_72 : memref<1x80x128xi32, #tpu.memory_space<hbm>> -> memref<80x128xi32, #tpu.memory_space<hbm>>
      %dma_start3A_74 = arith.constant 0 : i32
      %dma_start3A_75 = arith.constant 0 : i32
      %dma_start3A_76 = tpu.memref_slice %arg3[%add3A, %dma_start3A_74, %dma_start3A_75] : memref<32x80x128xi32, #tpu.memory_space<hbm>> -> memref<1x80x128xi32, #tpu.memory_space<hbm>>
      %dma_start3A_77 = tpu.memref_squeeze %dma_start3A_76 : memref<1x80x128xi32, #tpu.memory_space<hbm>> -> memref<80x128xi32, #tpu.memory_space<hbm>>
      tpu.enqueue_dma source(%dma_start3A_77 : memref<80x128xi32, #tpu.memory_space<hbm>>) target(%arg10 : memref<80x128xi32, #tpu.memory_space<vmem>>) target_semaphore(%run_scoped3A : memref<!tpu.dma_semaphore, #tpu.memory_space<semaphore_mem>>)
      %dma_wait3A = arith.constant 0 : i32
      %dma_wait3A_78 = arith.constant 0 : i32
      %dma_wait3A_79 = tpu.memref_slice %arg3[%add3A, %dma_wait3A, %dma_wait3A_78] : memref<32x80x128xi32, #tpu.memory_space<hbm>> -> memref<1x80x128xi32, #tpu.memory_space<hbm>>
      %dma_wait3A_80 = tpu.memref_squeeze %dma_wait3A_79 : memref<1x80x128xi32, #tpu.memory_space<hbm>> -> memref<80x128xi32, #tpu.memory_space<hbm>>
      %dma_wait3A_81 = arith.constant 0 : i32
      %dma_wait3A_82 = arith.constant 0 : i32
      %dma_wait3A_83 = tpu.memref_slice %arg3[%add3A, %dma_wait3A_81, %dma_wait3A_82] : memref<32x80x128xi32, #tpu.memory_space<hbm>> -> memref<1x80x128xi32, #tpu.memory_space<hbm>>
      %dma_wait3A_84 = tpu.memref_squeeze %dma_wait3A_83 : memref<1x80x128xi32, #tpu.memory_space<hbm>> -> memref<80x128xi32, #tpu.memory_space<hbm>>
      tpu.wait_dma2 semaphore(%run_scoped3A : memref<!tpu.dma_semaphore, #tpu.memory_space<semaphore_mem>>) src(%dma_wait3A_84 : memref<80x128xi32, #tpu.memory_space<hbm>>) dst(%arg10 : memref<80x128xi32, #tpu.memory_space<vmem>>)
      tpu.yield
    }) : () -> ()
    %dma_start3A = arith.constant 0 : i32
    %dma_start3A_7 = arith.constant 0 : i32
    %dma_start3A_8 = arith.constant 0 : i32
    %dma_start3A_9 = arith.constant 0 : i32
    %dma_start3A_10 = tpu.memref_slice %arg11[%dma_start3A_7, %dma_start3A_8, %dma_start3A_9] : memref<2x8x128xi32, #tpu.memory_space<vmem>> -> memref<1x8x128xi32, #tpu.memory_space<vmem>>
    %dma_start3A_11 = tpu.memref_squeeze %dma_start3A_10 : memref<1x8x128xi32, #tpu.memory_space<vmem>> -> memref<8x128xi32, #tpu.memory_space<vmem>>
    %dma_start3A_12 = arith.constant 0 : i32
    %dma_start3A_13 = arith.constant 0 : i32
    %dma_start3A_14 = tpu.memref_slice %arg4[%add3A, %dma_start3A, %dma_start3A_12, %dma_start3A_13] : memref<32x10x8x128xi32, #tpu.memory_space<hbm>> -> memref<1x1x8x128xi32, #tpu.memory_space<hbm>>
    %dma_start3A_15 = tpu.memref_squeeze %dma_start3A_14 : memref<1x1x8x128xi32, #tpu.memory_space<hbm>> -> memref<8x128xi32, #tpu.memory_space<hbm>>
    %dma_start3A_16 = arith.constant 0 : i32
    %dma_start3A_17 = arith.constant 0 : i32
    %dma_start3A_18 = tpu.memref_slice %arg11[%dma_start3A_7, %dma_start3A_16, %dma_start3A_17] : memref<2x8x128xi32, #tpu.memory_space<vmem>> -> memref<1x8x128xi32, #tpu.memory_space<vmem>>
    %dma_start3A_19 = tpu.memref_squeeze %dma_start3A_18 : memref<1x8x128xi32, #tpu.memory_space<vmem>> -> memref<8x128xi32, #tpu.memory_space<vmem>>
    %dma_start3A_20 = arith.constant 0 : i32
    %dma_start3A_21 = arith.constant 0 : i32
    %dma_start3A_22 = tpu.memref_slice %arg4[%add3A, %dma_start3A, %dma_start3A_20, %dma_start3A_21] : memref<32x10x8x128xi32, #tpu.memory_space<hbm>> -> memref<1x1x8x128xi32, #tpu.memory_space<hbm>>
    %dma_start3A_23 = tpu.memref_squeeze %dma_start3A_22 : memref<1x1x8x128xi32, #tpu.memory_space<hbm>> -> memref<8x128xi32, #tpu.memory_space<hbm>>
    tpu.enqueue_dma source(%dma_start3A_23 : memref<8x128xi32, #tpu.memory_space<hbm>>) target(%dma_start3A_19 : memref<8x128xi32, #tpu.memory_space<vmem>>) target_semaphore(%arg19 : memref<!tpu.dma_semaphore, #tpu.memory_space<semaphore_mem>>)
    %dma_start3A_24 = arith.constant 1 : i32
    %dma_start3A_25 = arith.constant 1 : i32
    %dma_start3A_26 = arith.constant 0 : i32
    %dma_start3A_27 = arith.constant 0 : i32
    %dma_start3A_28 = tpu.memref_slice %arg11[%dma_start3A_25, %dma_start3A_26, %dma_start3A_27] : memref<2x8x128xi32, #tpu.memory_space<vmem>> -> memref<1x8x128xi32, #tpu.memory_space<vmem>>
    %dma_start3A_29 = tpu.memref_squeeze %dma_start3A_28 : memref<1x8x128xi32, #tpu.memory_space<vmem>> -> memref<8x128xi32, #tpu.memory_space<vmem>>
    %dma_start3A_30 = arith.constant 0 : i32
    %dma_start3A_31 = arith.constant 0 : i32
    %dma_start3A_32 = tpu.memref_slice %arg4[%add3A, %dma_start3A_24, %dma_start3A_30, %dma_start3A_31] : memref<32x10x8x128xi32, #tpu.memory_space<hbm>> -> memref<1x1x8x128xi32, #tpu.memory_space<hbm>>
    %dma_start3A_33 = tpu.memref_squeeze %dma_start3A_32 : memref<1x1x8x128xi32, #tpu.memory_space<hbm>> -> memref<8x128xi32, #tpu.memory_space<hbm>>
    %dma_start3A_34 = arith.constant 0 : i32
    %dma_start3A_35 = arith.constant 0 : i32
    %dma_start3A_36 = tpu.memref_slice %arg11[%dma_start3A_25, %dma_start3A_34, %dma_start3A_35] : memref<2x8x128xi32, #tpu.memory_space<vmem>> -> memref<1x8x128xi32, #tpu.memory_space<vmem>>
    %dma_start3A_37 = tpu.memref_squeeze %dma_start3A_36 : memref<1x8x128xi32, #tpu.memory_space<vmem>> -> memref<8x128xi32, #tpu.memory_space<vmem>>
    %dma_start3A_38 = arith.constant 0 : i32
    %dma_start3A_39 = arith.constant 0 : i32
    %dma_start3A_40 = tpu.memref_slice %arg4[%add3A, %dma_start3A_24, %dma_start3A_38, %dma_start3A_39] : memref<32x10x8x128xi32, #tpu.memory_space<hbm>> -> memref<1x1x8x128xi32, #tpu.memory_space<hbm>>
    %dma_start3A_41 = tpu.memref_squeeze %dma_start3A_40 : memref<1x1x8x128xi32, #tpu.memory_space<hbm>> -> memref<8x128xi32, #tpu.memory_space<hbm>>
    tpu.enqueue_dma source(%dma_start3A_41 : memref<8x128xi32, #tpu.memory_space<hbm>>) target(%dma_start3A_37 : memref<8x128xi32, #tpu.memory_space<vmem>>) target_semaphore(%arg20 : memref<!tpu.dma_semaphore, #tpu.memory_space<semaphore_mem>>)
    %barrier3A = arith.constant 0 : index
    tpu.barrier barrier_id(%barrier3A)
    %dma_start3A_42 = arith.constant 0 : i32
    %dma_start3A_43 = arith.constant 0 : i32
    %dma_start3A_44 = tpu.memref_slice %arg10[%dma_start3A_42, %dma_start3A_43] : memref<80x128xi32, #tpu.memory_space<vmem>> -> memref<1x128xi32, #tpu.memory_space<vmem>>
    %dma_start3A_45 = tpu.memref_squeeze %dma_start3A_44 : memref<1x128xi32, #tpu.memory_space<vmem>> -> memref<128xi32, #tpu.memory_space<vmem>>
    %dma_start3A_46 = arith.constant 0 : i32
    %dma_start3A_47 = arith.constant 0 : i32
    %dma_start3A_48 = tpu.memref_slice %arg2[%dma_start3A_46, %dma_start3A_47] : memref<10112x128xf32, #tpu.memory_space<hbm>> -> memref<10112x128xf32, #tpu.memory_space<hbm>>
    tpu.enqueue_indirect_dma source(%dma_start3A_48 : memref<10112x128xf32, #tpu.memory_space<hbm>>) target(%arg12 : memref<128x128xf32, #tpu.memory_space<vmem>>) offsets(%dma_start3A_45 : memref<128xi32, #tpu.memory_space<vmem>>) semaphore(%arg17 : memref<!tpu.dma_semaphore, #tpu.memory_space<semaphore_mem>>)
    %dma_start3A_49 = arith.constant 1 : i32
    %dma_start3A_50 = arith.constant 0 : i32
    %dma_start3A_51 = tpu.memref_slice %arg10[%dma_start3A_49, %dma_start3A_50] : memref<80x128xi32, #tpu.memory_space<vmem>> -> memref<1x128xi32, #tpu.memory_space<vmem>>
    %dma_start3A_52 = tpu.memref_squeeze %dma_start3A_51 : memref<1x128xi32, #tpu.memory_space<vmem>> -> memref<128xi32, #tpu.memory_space<vmem>>
    %dma_start3A_53 = arith.constant 0 : i32
    %dma_start3A_54 = arith.constant 0 : i32
    %dma_start3A_55 = tpu.memref_slice %arg2[%dma_start3A_53, %dma_start3A_54] : memref<10112x128xf32, #tpu.memory_space<hbm>> -> memref<10112x128xf32, #tpu.memory_space<hbm>>
    tpu.enqueue_indirect_dma source(%dma_start3A_55 : memref<10112x128xf32, #tpu.memory_space<hbm>>) target(%arg13 : memref<128x128xf32, #tpu.memory_space<vmem>>) offsets(%dma_start3A_52 : memref<128xi32, #tpu.memory_space<vmem>>) semaphore(%arg18 : memref<!tpu.dma_semaphore, #tpu.memory_space<semaphore_mem>>)
    %scan3A = arith.constant 0 : i32
    %scan3A_56 = arith.constant 5 : i32
    %scan3A_57 = arith.addi %scan3A, %scan3A_56 : i32
    %scan3A_58 = arith.constant 1 : i32
    scf.for %scan3A_70 = %scan3A to %scan3A_57 step %scan3A_58  : i32 {
      %mul3A_71 = arith.constant 2 : i32
      %mul3A_72 = arith.muli %scan3A_70, %mul3A_71 : i32
      %add3A_73 = arith.constant 0 : i32
      %add3A_74 = arith.addi %add3A_73, %mul3A_72 : i32
      %add3A_75 = arith.constant 0 : i32
      %add3A_76 = arith.addi %add3A_74, %add3A_75 : i32
      %dma_wait3A = arith.constant 0 : i32
      %dma_wait3A_77 = arith.constant 0 : i32
      %dma_wait3A_78 = arith.constant 0 : i32
      %dma_wait3A_79 = tpu.memref_slice %arg11[%dma_wait3A, %dma_wait3A_77, %dma_wait3A_78] : memref<2x8x128xi32, #tpu.memory_space<vmem>> -> memref<1x8x128xi32, #tpu.memory_space<vmem>>
      %dma_wait3A_80 = tpu.memref_squeeze %dma_wait3A_79 : memref<1x8x128xi32, #tpu.memory_space<vmem>> -> memref<8x128xi32, #tpu.memory_space<vmem>>
      %dma_wait3A_81 = arith.constant 0 : i32
      %dma_wait3A_82 = arith.constant 0 : i32
      %dma_wait3A_83 = tpu.memref_slice %arg4[%add3A, %add3A_76, %dma_wait3A_81, %dma_wait3A_82] : memref<32x10x8x128xi32, #tpu.memory_space<hbm>> -> memref<1x1x8x128xi32, #tpu.memory_space<hbm>>
      %dma_wait3A_84 = tpu.memref_squeeze %dma_wait3A_83 : memref<1x1x8x128xi32, #tpu.memory_space<hbm>> -> memref<8x128xi32, #tpu.memory_space<hbm>>
      %dma_wait3A_85 = arith.constant 0 : i32
      %dma_wait3A_86 = arith.constant 0 : i32
      %dma_wait3A_87 = tpu.memref_slice %arg11[%dma_wait3A, %dma_wait3A_85, %dma_wait3A_86] : memref<2x8x128xi32, #tpu.memory_space<vmem>> -> memref<1x8x128xi32, #tpu.memory_space<vmem>>
      %dma_wait3A_88 = tpu.memref_squeeze %dma_wait3A_87 : memref<1x8x128xi32, #tpu.memory_space<vmem>> -> memref<8x128xi32, #tpu.memory_space<vmem>>
      %dma_wait3A_89 = arith.constant 0 : i32
      %dma_wait3A_90 = arith.constant 0 : i32
      %dma_wait3A_91 = tpu.memref_slice %arg4[%add3A, %add3A_76, %dma_wait3A_89, %dma_wait3A_90] : memref<32x10x8x128xi32, #tpu.memory_space<hbm>> -> memref<1x1x8x128xi32, #tpu.memory_space<hbm>>
      %dma_wait3A_92 = tpu.memref_squeeze %dma_wait3A_91 : memref<1x1x8x128xi32, #tpu.memory_space<hbm>> -> memref<8x128xi32, #tpu.memory_space<hbm>>
      tpu.wait_dma2 semaphore(%arg19 : memref<!tpu.dma_semaphore, #tpu.memory_space<semaphore_mem>>) src(%dma_wait3A_92 : memref<8x128xi32, #tpu.memory_space<hbm>>) dst(%dma_wait3A_88 : memref<8x128xi32, #tpu.memory_space<vmem>>)
      %mul3A_93 = arith.constant 8 : i32
      %mul3A_94 = arith.muli %add3A_76, %mul3A_93 : i32
      %add3A_95 = arith.constant 0 : i32
      %add3A_96 = arith.addi %mul3A_94, %add3A_95 : i32
      %dma_wait3A_97 = arith.constant 0 : i32
      %dma_wait3A_98 = tpu.memref_slice %arg10[%add3A_96, %dma_wait3A_97] : memref<80x128xi32, #tpu.memory_space<vmem>> -> memref<1x128xi32, #tpu.memory_space<vmem>>
      %dma_wait3A_99 = tpu.memref_squeeze %dma_wait3A_98 : memref<1x128xi32, #tpu.memory_space<vmem>> -> memref<128xi32, #tpu.memory_space<vmem>>
      %dma_wait3A_100 = arith.constant 0 : i32
      %dma_wait3A_101 = arith.constant 0 : i32
      %dma_wait3A_102 = tpu.memref_slice %arg2[%dma_wait3A_100, %dma_wait3A_101] : memref<10112x128xf32, #tpu.memory_space<hbm>> -> memref<10112x128xf32, #tpu.memory_space<hbm>>
      tpu.wait_indirect_dma semaphore(%arg17 : memref<!tpu.dma_semaphore, #tpu.memory_space<semaphore_mem>>) src(%dma_wait3A_102 : memref<10112x128xf32, #tpu.memory_space<hbm>>) dst(%arg12 : memref<128x128xf32, #tpu.memory_space<vmem>>)
      %run_scoped3A = arith.constant 0 : i32
      %run_scoped3A_103 = arith.constant 0 : i32
      "tpu.region"() ({
        %run_scoped3A_460 = tpu.sem_alloc : memref<!tpu.dma_semaphore, #tpu.memory_space<semaphore_mem>>
        %dma_start3A_461 = arith.constant 0 : i32
        %dma_start3A_462 = tpu.memref_slice %arg11[%run_scoped3A, %run_scoped3A_103, %dma_start3A_461] : memref<2x8x128xi32, #tpu.memory_space<vmem>> -> memref<1x1x128xi32, #tpu.memory_space<vmem>>
        %dma_start3A_463 = tpu.memref_squeeze %dma_start3A_462 : memref<1x1x128xi32, #tpu.memory_space<vmem>> -> memref<128xi32, #tpu.memory_space<vmem>>
        %dma_start3A_464 = arith.constant 0 : i32
        %dma_start3A_465 = arith.constant 0 : i32
        %dma_start3A_466 = tpu.memref_slice %arg15[%dma_start3A_464, %dma_start3A_465] : memref<10112x128xf32, #tpu.memory_space<vmem_shared>> -> memref<10112x128xf32, #tpu.memory_space<vmem_shared>>
        tpu.enqueue_indirect_dma source(%arg12 : memref<128x128xf32, #tpu.memory_space<vmem>>) target(%dma_start3A_466 : memref<10112x128xf32, #tpu.memory_space<vmem_shared>>) offsets(%dma_start3A_463 : memref<128xi32, #tpu.memory_space<vmem>>) semaphore(%run_scoped3A_460 : memref<!tpu.dma_semaphore, #tpu.memory_space<semaphore_mem>>) {add = true}
        %dma_wait3A_467 = arith.constant 0 : i32
        %dma_wait3A_468 = tpu.memref_slice %arg11[%run_scoped3A, %run_scoped3A_103, %dma_wait3A_467] : memref<2x8x128xi32, #tpu.memory_space<vmem>> -> memref<1x1x128xi32, #tpu.memory_space<vmem>>
        %dma_wait3A_469 = tpu.memref_squeeze %dma_wait3A_468 : memref<1x1x128xi32, #tpu.memory_space<vmem>> -> memref<128xi32, #tpu.memory_space<vmem>>
        %dma_wait3A_470 = arith.constant 0 : i32
        %dma_wait3A_471 = arith.constant 0 : i32
        %dma_wait3A_472 = tpu.memref_slice %arg15[%dma_wait3A_470, %dma_wait3A_471] : memref<10112x128xf32, #tpu.memory_space<vmem_shared>> -> memref<10112x128xf32, #tpu.memory_space<vmem_shared>>
        tpu.wait_indirect_dma semaphore(%run_scoped3A_460 : memref<!tpu.dma_semaphore, #tpu.memory_space<semaphore_mem>>) src(%arg12 : memref<128x128xf32, #tpu.memory_space<vmem>>) dst(%dma_wait3A_472 : memref<10112x128xf32, #tpu.memory_space<vmem_shared>>)
        tpu.yield
      }) : () -> ()
      %add3A_104 = arith.constant 2 : i32
      %add3A_105 = arith.addi %add3A_96, %add3A_104 : i32
      %lt3A = arith.constant 80 : i32
      %lt3A_106 = arith.cmpi slt, %add3A_105, %lt3A : i32
      %convert_element_type3A_107 = arith.extui %lt3A_106 : i1 to i32
      %cond3A_108 = arith.constant 0 : i32
      %cond3A_109 = arith.cmpi ne, %convert_element_type3A_107, %cond3A_108 : i32
      scf.if %cond3A_109 {
        %add3A_460 = arith.constant 2 : i32
        %add3A_461 = arith.addi %add3A_96, %add3A_460 : i32
        %dma_start3A_462 = arith.constant 0 : i32
        %dma_start3A_463 = tpu.memref_slice %arg10[%add3A_461, %dma_start3A_462] : memref<80x128xi32, #tpu.memory_space<vmem>> -> memref<1x128xi32, #tpu.memory_space<vmem>>
        %dma_start3A_464 = tpu.memref_squeeze %dma_start3A_463 : memref<1x128xi32, #tpu.memory_space<vmem>> -> memref<128xi32, #tpu.memory_space<vmem>>
        %dma_start3A_465 = arith.constant 0 : i32
        %dma_start3A_466 = arith.constant 0 : i32
        %dma_start3A_467 = tpu.memref_slice %arg2[%dma_start3A_465, %dma_start3A_466] : memref<10112x128xf32, #tpu.memory_space<hbm>> -> memref<10112x128xf32, #tpu.memory_space<hbm>>
        tpu.enqueue_indirect_dma source(%dma_start3A_467 : memref<10112x128xf32, #tpu.memory_space<hbm>>) target(%arg12 : memref<128x128xf32, #tpu.memory_space<vmem>>) offsets(%dma_start3A_464 : memref<128xi32, #tpu.memory_space<vmem>>) semaphore(%arg17 : memref<!tpu.dma_semaphore, #tpu.memory_space<semaphore_mem>>)
      } else {
      }
      %run_scoped3A_110 = arith.constant 0 : i32
      %run_scoped3A_111 = arith.constant 0 : i32
      "tpu.region"() ({
        %run_scoped3A_460 = tpu.sem_alloc : memref<!tpu.dma_semaphore, #tpu.memory_space<semaphore_mem>>
        %dma_start3A_461 = arith.constant 0 : i32
        %dma_start3A_462 = tpu.memref_slice %arg11[%run_scoped3A_110, %run_scoped3A_111, %dma_start3A_461] : memref<2x8x128xi32, #tpu.memory_space<vmem>> -> memref<1x1x128xi32, #tpu.memory_space<vmem>>
        %dma_start3A_463 = tpu.memref_squeeze %dma_start3A_462 : memref<1x1x128xi32, #tpu.memory_space<vmem>> -> memref<128xi32, #tpu.memory_space<vmem>>
        %dma_start3A_464 = arith.constant 0 : i32
        %dma_start3A_465 = tpu.memref_slice %arg5[%dma_start3A_464] : memref<10112xf32, #tpu.memory_space<hbm>> -> memref<10112xf32, #tpu.memory_space<hbm>>
        tpu.enqueue_indirect_dma source(%dma_start3A_465 : memref<10112xf32, #tpu.memory_space<hbm>>) target(%arg14 : memref<128xf32, #tpu.memory_space<vmem>>) offsets(%dma_start3A_463 : memref<128xi32, #tpu.memory_space<vmem>>) semaphore(%run_scoped3A_460 : memref<!tpu.dma_semaphore, #tpu.memory_space<semaphore_mem>>)
        %dma_wait3A_466 = arith.constant 0 : i32
        %dma_wait3A_467 = tpu.memref_slice %arg11[%run_scoped3A_110, %run_scoped3A_111, %dma_wait3A_466] : memref<2x8x128xi32, #tpu.memory_space<vmem>> -> memref<1x1x128xi32, #tpu.memory_space<vmem>>
        %dma_wait3A_468 = tpu.memref_squeeze %dma_wait3A_467 : memref<1x1x128xi32, #tpu.memory_space<vmem>> -> memref<128xi32, #tpu.memory_space<vmem>>
        %dma_wait3A_469 = arith.constant 0 : i32
        %dma_wait3A_470 = tpu.memref_slice %arg5[%dma_wait3A_469] : memref<10112xf32, #tpu.memory_space<hbm>> -> memref<10112xf32, #tpu.memory_space<hbm>>
        tpu.wait_indirect_dma semaphore(%run_scoped3A_460 : memref<!tpu.dma_semaphore, #tpu.memory_space<semaphore_mem>>) src(%dma_wait3A_470 : memref<10112xf32, #tpu.memory_space<hbm>>) dst(%arg14 : memref<128xf32, #tpu.memory_space<vmem>>)
        tpu.yield
      }) : () -> ()
      "tpu.region"() ({
        %run_scoped3A_460 = tpu.sem_alloc : memref<!tpu.dma_semaphore, #tpu.memory_space<semaphore_mem>>
        %dma_start3A_461 = arith.constant 0 : i32
        %dma_start3A_462 = tpu.memref_slice %arg10[%add3A_96, %dma_start3A_461] : memref<80x128xi32, #tpu.memory_space<vmem>> -> memref<1x128xi32, #tpu.memory_space<vmem>>
        %dma_start3A_463 = tpu.memref_squeeze %dma_start3A_462 : memref<1x128xi32, #tpu.memory_space<vmem>> -> memref<128xi32, #tpu.memory_space<vmem>>
        %dma_start3A_464 = arith.constant 0 : i32
        %dma_start3A_465 = tpu.memref_slice %arg16[%dma_start3A_464] : memref<10112xf32, #tpu.memory_space<vmem_shared>> -> memref<10112xf32, #tpu.memory_space<vmem_shared>>
        tpu.enqueue_indirect_dma source(%arg14 : memref<128xf32, #tpu.memory_space<vmem>>) target(%dma_start3A_465 : memref<10112xf32, #tpu.memory_space<vmem_shared>>) offsets(%dma_start3A_463 : memref<128xi32, #tpu.memory_space<vmem>>) semaphore(%run_scoped3A_460 : memref<!tpu.dma_semaphore, #tpu.memory_space<semaphore_mem>>) {add = true}
        %dma_wait3A_466 = arith.constant 0 : i32
        %dma_wait3A_467 = tpu.memref_slice %arg10[%add3A_96, %dma_wait3A_466] : memref<80x128xi32, #tpu.memory_space<vmem>> -> memref<1x128xi32, #tpu.memory_space<vmem>>
        %dma_wait3A_468 = tpu.memref_squeeze %dma_wait3A_467 : memref<1x128xi32, #tpu.memory_space<vmem>> -> memref<128xi32, #tpu.memory_space<vmem>>
        %dma_wait3A_469 = arith.constant 0 : i32
        %dma_wait3A_470 = tpu.memref_slice %arg16[%dma_wait3A_469] : memref<10112xf32, #tpu.memory_space<vmem_shared>> -> memref<10112xf32, #tpu.memory_space<vmem_shared>>
        tpu.wait_indirect_dma semaphore(%run_scoped3A_460 : memref<!tpu.dma_semaphore, #tpu.memory_space<semaphore_mem>>) src(%arg14 : memref<128xf32, #tpu.memory_space<vmem>>) dst(%dma_wait3A_470 : memref<10112xf32, #tpu.memory_space<vmem_shared>>)
        tpu.yield
      }) : () -> ()
      %mul3A_112 = arith.constant 8 : i32
      %mul3A_113 = arith.muli %add3A_76, %mul3A_112 : i32
      %add3A_114 = arith.constant 1 : i32
      %add3A_115 = arith.addi %mul3A_113, %add3A_114 : i32
      %dma_wait3A_116 = arith.constant 0 : i32
      %dma_wait3A_117 = tpu.memref_slice %arg10[%add3A_115, %dma_wait3A_116] : memref<80x128xi32, #tpu.memory_space<vmem>> -> memref<1x128xi32, #tpu.memory_space<vmem>>
      %dma_wait3A_118 = tpu.memref_squeeze %dma_wait3A_117 : memref<1x128xi32, #tpu.memory_space<vmem>> -> memref<128xi32, #tpu.memory_space<vmem>>
      %dma_wait3A_119 = arith.constant 0 : i32
      %dma_wait3A_120 = arith.constant 0 : i32
      %dma_wait3A_121 = tpu.memref_slice %arg2[%dma_wait3A_119, %dma_wait3A_120] : memref<10112x128xf32, #tpu.memory_space<hbm>> -> memref<10112x128xf32, #tpu.memory_space<hbm>>
      tpu.wait_indirect_dma semaphore(%arg18 : memref<!tpu.dma_semaphore, #tpu.memory_space<semaphore_mem>>) src(%dma_wait3A_121 : memref<10112x128xf32, #tpu.memory_space<hbm>>) dst(%arg13 : memref<128x128xf32, #tpu.memory_space<vmem>>)
      %run_scoped3A_122 = arith.constant 0 : i32
      %run_scoped3A_123 = arith.constant 1 : i32
      "tpu.region"() ({
        %run_scoped3A_460 = tpu.sem_alloc : memref<!tpu.dma_semaphore, #tpu.memory_space<semaphore_mem>>
        %dma_start3A_461 = arith.constant 0 : i32
        %dma_start3A_462 = tpu.memref_slice %arg11[%run_scoped3A_122, %run_scoped3A_123, %dma_start3A_461] : memref<2x8x128xi32, #tpu.memory_space<vmem>> -> memref<1x1x128xi32, #tpu.memory_space<vmem>>
        %dma_start3A_463 = tpu.memref_squeeze %dma_start3A_462 : memref<1x1x128xi32, #tpu.memory_space<vmem>> -> memref<128xi32, #tpu.memory_space<vmem>>
        %dma_start3A_464 = arith.constant 0 : i32
        %dma_start3A_465 = arith.constant 0 : i32
        %dma_start3A_466 = tpu.memref_slice %arg15[%dma_start3A_464, %dma_start3A_465] : memref<10112x128xf32, #tpu.memory_space<vmem_shared>> -> memref<10112x128xf32, #tpu.memory_space<vmem_shared>>
        tpu.enqueue_indirect_dma source(%arg13 : memref<128x128xf32, #tpu.memory_space<vmem>>) target(%dma_start3A_466 : memref<10112x128xf32, #tpu.memory_space<vmem_shared>>) offsets(%dma_start3A_463 : memref<128xi32, #tpu.memory_space<vmem>>) semaphore(%run_scoped3A_460 : memref<!tpu.dma_semaphore, #tpu.memory_space<semaphore_mem>>) {add = true}
        %dma_wait3A_467 = arith.constant 0 : i32
        %dma_wait3A_468 = tpu.memref_slice %arg11[%run_scoped3A_122, %run_scoped3A_123, %dma_wait3A_467] : memref<2x8x128xi32, #tpu.memory_space<vmem>> -> memref<1x1x128xi32, #tpu.memory_space<vmem>>
        %dma_wait3A_469 = tpu.memref_squeeze %dma_wait3A_468 : memref<1x1x128xi32, #tpu.memory_space<vmem>> -> memref<128xi32, #tpu.memory_space<vmem>>
        %dma_wait3A_470 = arith.constant 0 : i32
        %dma_wait3A_471 = arith.constant 0 : i32
        %dma_wait3A_472 = tpu.memref_slice %arg15[%dma_wait3A_470, %dma_wait3A_471] : memref<10112x128xf32, #tpu.memory_space<vmem_shared>> -> memref<10112x128xf32, #tpu.memory_space<vmem_shared>>
        tpu.wait_indirect_dma semaphore(%run_scoped3A_460 : memref<!tpu.dma_semaphore, #tpu.memory_space<semaphore_mem>>) src(%arg13 : memref<128x128xf32, #tpu.memory_space<vmem>>) dst(%dma_wait3A_472 : memref<10112x128xf32, #tpu.memory_space<vmem_shared>>)
        tpu.yield
      }) : () -> ()
      %add3A_124 = arith.constant 2 : i32
      %add3A_125 = arith.addi %add3A_115, %add3A_124 : i32
      %lt3A_126 = arith.constant 80 : i32
      %lt3A_127 = arith.cmpi slt, %add3A_125, %lt3A_126 : i32
      %convert_element_type3A_128 = arith.extui %lt3A_127 : i1 to i32
      %cond3A_129 = arith.constant 0 : i32
      %cond3A_130 = arith.cmpi ne, %convert_element_type3A_128, %cond3A_129 : i32
      scf.if %cond3A_130 {
        %add3A_460 = arith.constant 2 : i32
        %add3A_461 = arith.addi %add3A_115, %add3A_460 : i32
        %dma_start3A_462 = arith.constant 0 : i32
        %dma_start3A_463 = tpu.memref_slice %arg10[%add3A_461, %dma_start3A_462] : memref<80x128xi32, #tpu.memory_space<vmem>> -> memref<1x128xi32, #tpu.memory_space<vmem>>
        %dma_start3A_464 = tpu.memref_squeeze %dma_start3A_463 : memref<1x128xi32, #tpu.memory_space<vmem>> -> memref<128xi32, #tpu.memory_space<vmem>>
        %dma_start3A_465 = arith.constant 0 : i32
        %dma_start3A_466 = arith.constant 0 : i32
        %dma_start3A_467 = tpu.memref_slice %arg2[%dma_start3A_465, %dma_start3A_466] : memref<10112x128xf32, #tpu.memory_space<hbm>> -> memref<10112x128xf32, #tpu.memory_space<hbm>>
        tpu.enqueue_indirect_dma source(%dma_start3A_467 : memref<10112x128xf32, #tpu.memory_space<hbm>>) target(%arg13 : memref<128x128xf32, #tpu.memory_space<vmem>>) offsets(%dma_start3A_464 : memref<128xi32, #tpu.memory_space<vmem>>) semaphore(%arg18 : memref<!tpu.dma_semaphore, #tpu.memory_space<semaphore_mem>>)
      } else {
      }
      %run_scoped3A_131 = arith.constant 0 : i32
      %run_scoped3A_132 = arith.constant 1 : i32
      "tpu.region"() ({
        %run_scoped3A_460 = tpu.sem_alloc : memref<!tpu.dma_semaphore, #tpu.memory_space<semaphore_mem>>
        %dma_start3A_461 = arith.constant 0 : i32
        %dma_start3A_462 = tpu.memref_slice %arg11[%run_scoped3A_131, %run_scoped3A_132, %dma_start3A_461] : memref<2x8x128xi32, #tpu.memory_space<vmem>> -> memref<1x1x128xi32, #tpu.memory_space<vmem>>
        %dma_start3A_463 = tpu.memref_squeeze %dma_start3A_462 : memref<1x1x128xi32, #tpu.memory_space<vmem>> -> memref<128xi32, #tpu.memory_space<vmem>>
        %dma_start3A_464 = arith.constant 0 : i32
        %dma_start3A_465 = tpu.memref_slice %arg5[%dma_start3A_464] : memref<10112xf32, #tpu.memory_space<hbm>> -> memref<10112xf32, #tpu.memory_space<hbm>>
        tpu.enqueue_indirect_dma source(%dma_start3A_465 : memref<10112xf32, #tpu.memory_space<hbm>>) target(%arg14 : memref<128xf32, #tpu.memory_space<vmem>>) offsets(%dma_start3A_463 : memref<128xi32, #tpu.memory_space<vmem>>) semaphore(%run_scoped3A_460 : memref<!tpu.dma_semaphore, #tpu.memory_space<semaphore_mem>>)
        %dma_wait3A_466 = arith.constant 0 : i32
        %dma_wait3A_467 = tpu.memref_slice %arg11[%run_scoped3A_131, %run_scoped3A_132, %dma_wait3A_466] : memref<2x8x128xi32, #tpu.memory_space<vmem>> -> memref<1x1x128xi32, #tpu.memory_space<vmem>>
        %dma_wait3A_468 = tpu.memref_squeeze %dma_wait3A_467 : memref<1x1x128xi32, #tpu.memory_space<vmem>> -> memref<128xi32, #tpu.memory_space<vmem>>
        %dma_wait3A_469 = arith.constant 0 : i32
        %dma_wait3A_470 = tpu.memref_slice %arg5[%dma_wait3A_469] : memref<10112xf32, #tpu.memory_space<hbm>> -> memref<10112xf32, #tpu.memory_space<hbm>>
        tpu.wait_indirect_dma semaphore(%run_scoped3A_460 : memref<!tpu.dma_semaphore, #tpu.memory_space<semaphore_mem>>) src(%dma_wait3A_470 : memref<10112xf32, #tpu.memory_space<hbm>>) dst(%arg14 : memref<128xf32, #tpu.memory_space<vmem>>)
        tpu.yield
      }) : () -> ()
      "tpu.region"() ({
        %run_scoped3A_460 = tpu.sem_alloc : memref<!tpu.dma_semaphore, #tpu.memory_space<semaphore_mem>>
        %dma_start3A_461 = arith.constant 0 : i32
        %dma_start3A_462 = tpu.memref_slice %arg10[%add3A_115, %dma_start3A_461] : memref<80x128xi32, #tpu.memory_space<vmem>> -> memref<1x128xi32, #tpu.memory_space<vmem>>
        %dma_start3A_463 = tpu.memref_squeeze %dma_start3A_462 : memref<1x128xi32, #tpu.memory_space<vmem>> -> memref<128xi32, #tpu.memory_space<vmem>>
        %dma_start3A_464 = arith.constant 0 : i32
        %dma_start3A_465 = tpu.memref_slice %arg16[%dma_start3A_464] : memref<10112xf32, #tpu.memory_space<vmem_shared>> -> memref<10112xf32, #tpu.memory_space<vmem_shared>>
        tpu.enqueue_indirect_dma source(%arg14 : memref<128xf32, #tpu.memory_space<vmem>>) target(%dma_start3A_465 : memref<10112xf32, #tpu.memory_space<vmem_shared>>) offsets(%dma_start3A_463 : memref<128xi32, #tpu.memory_space<vmem>>) semaphore(%run_scoped3A_460 : memref<!tpu.dma_semaphore, #tpu.memory_space<semaphore_mem>>) {add = true}
        %dma_wait3A_466 = arith.constant 0 : i32
        %dma_wait3A_467 = tpu.memref_slice %arg10[%add3A_115, %dma_wait3A_466] : memref<80x128xi32, #tpu.memory_space<vmem>> -> memref<1x128xi32, #tpu.memory_space<vmem>>
        %dma_wait3A_468 = tpu.memref_squeeze %dma_wait3A_467 : memref<1x128xi32, #tpu.memory_space<vmem>> -> memref<128xi32, #tpu.memory_space<vmem>>
        %dma_wait3A_469 = arith.constant 0 : i32
        %dma_wait3A_470 = tpu.memref_slice %arg16[%dma_wait3A_469] : memref<10112xf32, #tpu.memory_space<vmem_shared>> -> memref<10112xf32, #tpu.memory_space<vmem_shared>>
        tpu.wait_indirect_dma semaphore(%run_scoped3A_460 : memref<!tpu.dma_semaphore, #tpu.memory_space<semaphore_mem>>) src(%arg14 : memref<128xf32, #tpu.memory_space<vmem>>) dst(%dma_wait3A_470 : memref<10112xf32, #tpu.memory_space<vmem_shared>>)
        tpu.yield
      }) : () -> ()
      %mul3A_133 = arith.constant 8 : i32
      %mul3A_134 = arith.muli %add3A_76, %mul3A_133 : i32
      %add3A_135 = arith.constant 2 : i32
      %add3A_136 = arith.addi %mul3A_134, %add3A_135 : i32
      %dma_wait3A_137 = arith.constant 0 : i32
      %dma_wait3A_138 = tpu.memref_slice %arg10[%add3A_136, %dma_wait3A_137] : memref<80x128xi32, #tpu.memory_space<vmem>> -> memref<1x128xi32, #tpu.memory_space<vmem>>
      %dma_wait3A_139 = tpu.memref_squeeze %dma_wait3A_138 : memref<1x128xi32, #tpu.memory_space<vmem>> -> memref<128xi32, #tpu.memory_space<vmem>>
      %dma_wait3A_140 = arith.constant 0 : i32
      %dma_wait3A_141 = arith.constant 0 : i32
      %dma_wait3A_142 = tpu.memref_slice %arg2[%dma_wait3A_140, %dma_wait3A_141] : memref<10112x128xf32, #tpu.memory_space<hbm>> -> memref<10112x128xf32, #tpu.memory_space<hbm>>
      tpu.wait_indirect_dma semaphore(%arg17 : memref<!tpu.dma_semaphore, #tpu.memory_space<semaphore_mem>>) src(%dma_wait3A_142 : memref<10112x128xf32, #tpu.memory_space<hbm>>) dst(%arg12 : memref<128x128xf32, #tpu.memory_space<vmem>>)
      %run_scoped3A_143 = arith.constant 0 : i32
      %run_scoped3A_144 = arith.constant 2 : i32
      "tpu.region"() ({
        %run_scoped3A_460 = tpu.sem_alloc : memref<!tpu.dma_semaphore, #tpu.memory_space<semaphore_mem>>
        %dma_start3A_461 = arith.constant 0 : i32
        %dma_start3A_462 = tpu.memref_slice %arg11[%run_scoped3A_143, %run_scoped3A_144, %dma_start3A_461] : memref<2x8x128xi32, #tpu.memory_space<vmem>> -> memref<1x1x128xi32, #tpu.memory_space<vmem>>
        %dma_start3A_463 = tpu.memref_squeeze %dma_start3A_462 : memref<1x1x128xi32, #tpu.memory_space<vmem>> -> memref<128xi32, #tpu.memory_space<vmem>>
        %dma_start3A_464 = arith.constant 0 : i32
        %dma_start3A_465 = arith.constant 0 : i32
        %dma_start3A_466 = tpu.memref_slice %arg15[%dma_start3A_464, %dma_start3A_465] : memref<10112x128xf32, #tpu.memory_space<vmem_shared>> -> memref<10112x128xf32, #tpu.memory_space<vmem_shared>>
        tpu.enqueue_indirect_dma source(%arg12 : memref<128x128xf32, #tpu.memory_space<vmem>>) target(%dma_start3A_466 : memref<10112x128xf32, #tpu.memory_space<vmem_shared>>) offsets(%dma_start3A_463 : memref<128xi32, #tpu.memory_space<vmem>>) semaphore(%run_scoped3A_460 : memref<!tpu.dma_semaphore, #tpu.memory_space<semaphore_mem>>) {add = true}
        %dma_wait3A_467 = arith.constant 0 : i32
        %dma_wait3A_468 = tpu.memref_slice %arg11[%run_scoped3A_143, %run_scoped3A_144, %dma_wait3A_467] : memref<2x8x128xi32, #tpu.memory_space<vmem>> -> memref<1x1x128xi32, #tpu.memory_space<vmem>>
        %dma_wait3A_469 = tpu.memref_squeeze %dma_wait3A_468 : memref<1x1x128xi32, #tpu.memory_space<vmem>> -> memref<128xi32, #tpu.memory_space<vmem>>
        %dma_wait3A_470 = arith.constant 0 : i32
        %dma_wait3A_471 = arith.constant 0 : i32
        %dma_wait3A_472 = tpu.memref_slice %arg15[%dma_wait3A_470, %dma_wait3A_471] : memref<10112x128xf32, #tpu.memory_space<vmem_shared>> -> memref<10112x128xf32, #tpu.memory_space<vmem_shared>>
        tpu.wait_indirect_dma semaphore(%run_scoped3A_460 : memref<!tpu.dma_semaphore, #tpu.memory_space<semaphore_mem>>) src(%arg12 : memref<128x128xf32, #tpu.memory_space<vmem>>) dst(%dma_wait3A_472 : memref<10112x128xf32, #tpu.memory_space<vmem_shared>>)
        tpu.yield
      }) : () -> ()
      %add3A_145 = arith.constant 2 : i32
      %add3A_146 = arith.addi %add3A_136, %add3A_145 : i32
      %lt3A_147 = arith.constant 80 : i32
      %lt3A_148 = arith.cmpi slt, %add3A_146, %lt3A_147 : i32
      %convert_element_type3A_149 = arith.extui %lt3A_148 : i1 to i32
      %cond3A_150 = arith.constant 0 : i32
      %cond3A_151 = arith.cmpi ne, %convert_element_type3A_149, %cond3A_150 : i32
      scf.if %cond3A_151 {
        %add3A_460 = arith.constant 2 : i32
        %add3A_461 = arith.addi %add3A_136, %add3A_460 : i32
        %dma_start3A_462 = arith.constant 0 : i32
        %dma_start3A_463 = tpu.memref_slice %arg10[%add3A_461, %dma_start3A_462] : memref<80x128xi32, #tpu.memory_space<vmem>> -> memref<1x128xi32, #tpu.memory_space<vmem>>
        %dma_start3A_464 = tpu.memref_squeeze %dma_start3A_463 : memref<1x128xi32, #tpu.memory_space<vmem>> -> memref<128xi32, #tpu.memory_space<vmem>>
        %dma_start3A_465 = arith.constant 0 : i32
        %dma_start3A_466 = arith.constant 0 : i32
        %dma_start3A_467 = tpu.memref_slice %arg2[%dma_start3A_465, %dma_start3A_466] : memref<10112x128xf32, #tpu.memory_space<hbm>> -> memref<10112x128xf32, #tpu.memory_space<hbm>>
        tpu.enqueue_indirect_dma source(%dma_start3A_467 : memref<10112x128xf32, #tpu.memory_space<hbm>>) target(%arg12 : memref<128x128xf32, #tpu.memory_space<vmem>>) offsets(%dma_start3A_464 : memref<128xi32, #tpu.memory_space<vmem>>) semaphore(%arg17 : memref<!tpu.dma_semaphore, #tpu.memory_space<semaphore_mem>>)
      } else {
      }
      %run_scoped3A_152 = arith.constant 0 : i32
      %run_scoped3A_153 = arith.constant 2 : i32
      "tpu.region"() ({
        %run_scoped3A_460 = tpu.sem_alloc : memref<!tpu.dma_semaphore, #tpu.memory_space<semaphore_mem>>
        %dma_start3A_461 = arith.constant 0 : i32
        %dma_start3A_462 = tpu.memref_slice %arg11[%run_scoped3A_152, %run_scoped3A_153, %dma_start3A_461] : memref<2x8x128xi32, #tpu.memory_space<vmem>> -> memref<1x1x128xi32, #tpu.memory_space<vmem>>
        %dma_start3A_463 = tpu.memref_squeeze %dma_start3A_462 : memref<1x1x128xi32, #tpu.memory_space<vmem>> -> memref<128xi32, #tpu.memory_space<vmem>>
        %dma_start3A_464 = arith.constant 0 : i32
        %dma_start3A_465 = tpu.memref_slice %arg5[%dma_start3A_464] : memref<10112xf32, #tpu.memory_space<hbm>> -> memref<10112xf32, #tpu.memory_space<hbm>>
        tpu.enqueue_indirect_dma source(%dma_start3A_465 : memref<10112xf32, #tpu.memory_space<hbm>>) target(%arg14 : memref<128xf32, #tpu.memory_space<vmem>>) offsets(%dma_start3A_463 : memref<128xi32, #tpu.memory_space<vmem>>) semaphore(%run_scoped3A_460 : memref<!tpu.dma_semaphore, #tpu.memory_space<semaphore_mem>>)
        %dma_wait3A_466 = arith.constant 0 : i32
        %dma_wait3A_467 = tpu.memref_slice %arg11[%run_scoped3A_152, %run_scoped3A_153, %dma_wait3A_466] : memref<2x8x128xi32, #tpu.memory_space<vmem>> -> memref<1x1x128xi32, #tpu.memory_space<vmem>>
        %dma_wait3A_468 = tpu.memref_squeeze %dma_wait3A_467 : memref<1x1x128xi32, #tpu.memory_space<vmem>> -> memref<128xi32, #tpu.memory_space<vmem>>
        %dma_wait3A_469 = arith.constant 0 : i32
        %dma_wait3A_470 = tpu.memref_slice %arg5[%dma_wait3A_469] : memref<10112xf32, #tpu.memory_space<hbm>> -> memref<10112xf32, #tpu.memory_space<hbm>>
        tpu.wait_indirect_dma semaphore(%run_scoped3A_460 : memref<!tpu.dma_semaphore, #tpu.memory_space<semaphore_mem>>) src(%dma_wait3A_470 : memref<10112xf32, #tpu.memory_space<hbm>>) dst(%arg14 : memref<128xf32, #tpu.memory_space<vmem>>)
        tpu.yield
      }) : () -> ()
      "tpu.region"() ({
        %run_scoped3A_460 = tpu.sem_alloc : memref<!tpu.dma_semaphore, #tpu.memory_space<semaphore_mem>>
        %dma_start3A_461 = arith.constant 0 : i32
        %dma_start3A_462 = tpu.memref_slice %arg10[%add3A_136, %dma_start3A_461] : memref<80x128xi32, #tpu.memory_space<vmem>> -> memref<1x128xi32, #tpu.memory_space<vmem>>
        %dma_start3A_463 = tpu.memref_squeeze %dma_start3A_462 : memref<1x128xi32, #tpu.memory_space<vmem>> -> memref<128xi32, #tpu.memory_space<vmem>>
        %dma_start3A_464 = arith.constant 0 : i32
        %dma_start3A_465 = tpu.memref_slice %arg16[%dma_start3A_464] : memref<10112xf32, #tpu.memory_space<vmem_shared>> -> memref<10112xf32, #tpu.memory_space<vmem_shared>>
        tpu.enqueue_indirect_dma source(%arg14 : memref<128xf32, #tpu.memory_space<vmem>>) target(%dma_start3A_465 : memref<10112xf32, #tpu.memory_space<vmem_shared>>) offsets(%dma_start3A_463 : memref<128xi32, #tpu.memory_space<vmem>>) semaphore(%run_scoped3A_460 : memref<!tpu.dma_semaphore, #tpu.memory_space<semaphore_mem>>) {add = true}
        %dma_wait3A_466 = arith.constant 0 : i32
        %dma_wait3A_467 = tpu.memref_slice %arg10[%add3A_136, %dma_wait3A_466] : memref<80x128xi32, #tpu.memory_space<vmem>> -> memref<1x128xi32, #tpu.memory_space<vmem>>
        %dma_wait3A_468 = tpu.memref_squeeze %dma_wait3A_467 : memref<1x128xi32, #tpu.memory_space<vmem>> -> memref<128xi32, #tpu.memory_space<vmem>>
        %dma_wait3A_469 = arith.constant 0 : i32
        %dma_wait3A_470 = tpu.memref_slice %arg16[%dma_wait3A_469] : memref<10112xf32, #tpu.memory_space<vmem_shared>> -> memref<10112xf32, #tpu.memory_space<vmem_shared>>
        tpu.wait_indirect_dma semaphore(%run_scoped3A_460 : memref<!tpu.dma_semaphore, #tpu.memory_space<semaphore_mem>>) src(%arg14 : memref<128xf32, #tpu.memory_space<vmem>>) dst(%dma_wait3A_470 : memref<10112xf32, #tpu.memory_space<vmem_shared>>)
        tpu.yield
      }) : () -> ()
      %mul3A_154 = arith.constant 8 : i32
      %mul3A_155 = arith.muli %add3A_76, %mul3A_154 : i32
      %add3A_156 = arith.constant 3 : i32
      %add3A_157 = arith.addi %mul3A_155, %add3A_156 : i32
      %dma_wait3A_158 = arith.constant 0 : i32
      %dma_wait3A_159 = tpu.memref_slice %arg10[%add3A_157, %dma_wait3A_158] : memref<80x128xi32, #tpu.memory_space<vmem>> -> memref<1x128xi32, #tpu.memory_space<vmem>>
      %dma_wait3A_160 = tpu.memref_squeeze %dma_wait3A_159 : memref<1x128xi32, #tpu.memory_space<vmem>> -> memref<128xi32, #tpu.memory_space<vmem>>
      %dma_wait3A_161 = arith.constant 0 : i32
      %dma_wait3A_162 = arith.constant 0 : i32
      %dma_wait3A_163 = tpu.memref_slice %arg2[%dma_wait3A_161, %dma_wait3A_162] : memref<10112x128xf32, #tpu.memory_space<hbm>> -> memref<10112x128xf32, #tpu.memory_space<hbm>>
      tpu.wait_indirect_dma semaphore(%arg18 : memref<!tpu.dma_semaphore, #tpu.memory_space<semaphore_mem>>) src(%dma_wait3A_163 : memref<10112x128xf32, #tpu.memory_space<hbm>>) dst(%arg13 : memref<128x128xf32, #tpu.memory_space<vmem>>)
      %run_scoped3A_164 = arith.constant 0 : i32
      %run_scoped3A_165 = arith.constant 3 : i32
      "tpu.region"() ({
        %run_scoped3A_460 = tpu.sem_alloc : memref<!tpu.dma_semaphore, #tpu.memory_space<semaphore_mem>>
        %dma_start3A_461 = arith.constant 0 : i32
        %dma_start3A_462 = tpu.memref_slice %arg11[%run_scoped3A_164, %run_scoped3A_165, %dma_start3A_461] : memref<2x8x128xi32, #tpu.memory_space<vmem>> -> memref<1x1x128xi32, #tpu.memory_space<vmem>>
        %dma_start3A_463 = tpu.memref_squeeze %dma_start3A_462 : memref<1x1x128xi32, #tpu.memory_space<vmem>> -> memref<128xi32, #tpu.memory_space<vmem>>
        %dma_start3A_464 = arith.constant 0 : i32
        %dma_start3A_465 = arith.constant 0 : i32
        %dma_start3A_466 = tpu.memref_slice %arg15[%dma_start3A_464, %dma_start3A_465] : memref<10112x128xf32, #tpu.memory_space<vmem_shared>> -> memref<10112x128xf32, #tpu.memory_space<vmem_shared>>
        tpu.enqueue_indirect_dma source(%arg13 : memref<128x128xf32, #tpu.memory_space<vmem>>) target(%dma_start3A_466 : memref<10112x128xf32, #tpu.memory_space<vmem_shared>>) offsets(%dma_start3A_463 : memref<128xi32, #tpu.memory_space<vmem>>) semaphore(%run_scoped3A_460 : memref<!tpu.dma_semaphore, #tpu.memory_space<semaphore_mem>>) {add = true}
        %dma_wait3A_467 = arith.constant 0 : i32
        %dma_wait3A_468 = tpu.memref_slice %arg11[%run_scoped3A_164, %run_scoped3A_165, %dma_wait3A_467] : memref<2x8x128xi32, #tpu.memory_space<vmem>> -> memref<1x1x128xi32, #tpu.memory_space<vmem>>
        %dma_wait3A_469 = tpu.memref_squeeze %dma_wait3A_468 : memref<1x1x128xi32, #tpu.memory_space<vmem>> -> memref<128xi32, #tpu.memory_space<vmem>>
        %dma_wait3A_470 = arith.constant 0 : i32
        %dma_wait3A_471 = arith.constant 0 : i32
        %dma_wait3A_472 = tpu.memref_slice %arg15[%dma_wait3A_470, %dma_wait3A_471] : memref<10112x128xf32, #tpu.memory_space<vmem_shared>> -> memref<10112x128xf32, #tpu.memory_space<vmem_shared>>
        tpu.wait_indirect_dma semaphore(%run_scoped3A_460 : memref<!tpu.dma_semaphore, #tpu.memory_space<semaphore_mem>>) src(%arg13 : memref<128x128xf32, #tpu.memory_space<vmem>>) dst(%dma_wait3A_472 : memref<10112x128xf32, #tpu.memory_space<vmem_shared>>)
        tpu.yield
      }) : () -> ()
      %add3A_166 = arith.constant 2 : i32
      %add3A_167 = arith.addi %add3A_157, %add3A_166 : i32
      %lt3A_168 = arith.constant 80 : i32
      %lt3A_169 = arith.cmpi slt, %add3A_167, %lt3A_168 : i32
      %convert_element_type3A_170 = arith.extui %lt3A_169 : i1 to i32
      %cond3A_171 = arith.constant 0 : i32
      %cond3A_172 = arith.cmpi ne, %convert_element_type3A_170, %cond3A_171 : i32
      scf.if %cond3A_172 {
        %add3A_460 = arith.constant 2 : i32
        %add3A_461 = arith.addi %add3A_157, %add3A_460 : i32
        %dma_start3A_462 = arith.constant 0 : i32
        %dma_start3A_463 = tpu.memref_slice %arg10[%add3A_461, %dma_start3A_462] : memref<80x128xi32, #tpu.memory_space<vmem>> -> memref<1x128xi32, #tpu.memory_space<vmem>>
        %dma_start3A_464 = tpu.memref_squeeze %dma_start3A_463 : memref<1x128xi32, #tpu.memory_space<vmem>> -> memref<128xi32, #tpu.memory_space<vmem>>
        %dma_start3A_465 = arith.constant 0 : i32
        %dma_start3A_466 = arith.constant 0 : i32
        %dma_start3A_467 = tpu.memref_slice %arg2[%dma_start3A_465, %dma_start3A_466] : memref<10112x128xf32, #tpu.memory_space<hbm>> -> memref<10112x128xf32, #tpu.memory_space<hbm>>
        tpu.enqueue_indirect_dma source(%dma_start3A_467 : memref<10112x128xf32, #tpu.memory_space<hbm>>) target(%arg13 : memref<128x128xf32, #tpu.memory_space<vmem>>) offsets(%dma_start3A_464 : memref<128xi32, #tpu.memory_space<vmem>>) semaphore(%arg18 : memref<!tpu.dma_semaphore, #tpu.memory_space<semaphore_mem>>)
      } else {
      }
      %run_scoped3A_173 = arith.constant 0 : i32
      %run_scoped3A_174 = arith.constant 3 : i32
      "tpu.region"() ({
        %run_scoped3A_460 = tpu.sem_alloc : memref<!tpu.dma_semaphore, #tpu.memory_space<semaphore_mem>>
        %dma_start3A_461 = arith.constant 0 : i32
        %dma_start3A_462 = tpu.memref_slice %arg11[%run_scoped3A_173, %run_scoped3A_174, %dma_start3A_461] : memref<2x8x128xi32, #tpu.memory_space<vmem>> -> memref<1x1x128xi32, #tpu.memory_space<vmem>>
        %dma_start3A_463 = tpu.memref_squeeze %dma_start3A_462 : memref<1x1x128xi32, #tpu.memory_space<vmem>> -> memref<128xi32, #tpu.memory_space<vmem>>
        %dma_start3A_464 = arith.constant 0 : i32
        %dma_start3A_465 = tpu.memref_slice %arg5[%dma_start3A_464] : memref<10112xf32, #tpu.memory_space<hbm>> -> memref<10112xf32, #tpu.memory_space<hbm>>
        tpu.enqueue_indirect_dma source(%dma_start3A_465 : memref<10112xf32, #tpu.memory_space<hbm>>) target(%arg14 : memref<128xf32, #tpu.memory_space<vmem>>) offsets(%dma_start3A_463 : memref<128xi32, #tpu.memory_space<vmem>>) semaphore(%run_scoped3A_460 : memref<!tpu.dma_semaphore, #tpu.memory_space<semaphore_mem>>)
        %dma_wait3A_466 = arith.constant 0 : i32
        %dma_wait3A_467 = tpu.memref_slice %arg11[%run_scoped3A_173, %run_scoped3A_174, %dma_wait3A_466] : memref<2x8x128xi32, #tpu.memory_space<vmem>> -> memref<1x1x128xi32, #tpu.memory_space<vmem>>
        %dma_wait3A_468 = tpu.memref_squeeze %dma_wait3A_467 : memref<1x1x128xi32, #tpu.memory_space<vmem>> -> memref<128xi32, #tpu.memory_space<vmem>>
        %dma_wait3A_469 = arith.constant 0 : i32
        %dma_wait3A_470 = tpu.memref_slice %arg5[%dma_wait3A_469] : memref<10112xf32, #tpu.memory_space<hbm>> -> memref<10112xf32, #tpu.memory_space<hbm>>
        tpu.wait_indirect_dma semaphore(%run_scoped3A_460 : memref<!tpu.dma_semaphore, #tpu.memory_space<semaphore_mem>>) src(%dma_wait3A_470 : memref<10112xf32, #tpu.memory_space<hbm>>) dst(%arg14 : memref<128xf32, #tpu.memory_space<vmem>>)
        tpu.yield
      }) : () -> ()
      "tpu.region"() ({
        %run_scoped3A_460 = tpu.sem_alloc : memref<!tpu.dma_semaphore, #tpu.memory_space<semaphore_mem>>
        %dma_start3A_461 = arith.constant 0 : i32
        %dma_start3A_462 = tpu.memref_slice %arg10[%add3A_157, %dma_start3A_461] : memref<80x128xi32, #tpu.memory_space<vmem>> -> memref<1x128xi32, #tpu.memory_space<vmem>>
        %dma_start3A_463 = tpu.memref_squeeze %dma_start3A_462 : memref<1x128xi32, #tpu.memory_space<vmem>> -> memref<128xi32, #tpu.memory_space<vmem>>
        %dma_start3A_464 = arith.constant 0 : i32
        %dma_start3A_465 = tpu.memref_slice %arg16[%dma_start3A_464] : memref<10112xf32, #tpu.memory_space<vmem_shared>> -> memref<10112xf32, #tpu.memory_space<vmem_shared>>
        tpu.enqueue_indirect_dma source(%arg14 : memref<128xf32, #tpu.memory_space<vmem>>) target(%dma_start3A_465 : memref<10112xf32, #tpu.memory_space<vmem_shared>>) offsets(%dma_start3A_463 : memref<128xi32, #tpu.memory_space<vmem>>) semaphore(%run_scoped3A_460 : memref<!tpu.dma_semaphore, #tpu.memory_space<semaphore_mem>>) {add = true}
        %dma_wait3A_466 = arith.constant 0 : i32
        %dma_wait3A_467 = tpu.memref_slice %arg10[%add3A_157, %dma_wait3A_466] : memref<80x128xi32, #tpu.memory_space<vmem>> -> memref<1x128xi32, #tpu.memory_space<vmem>>
        %dma_wait3A_468 = tpu.memref_squeeze %dma_wait3A_467 : memref<1x128xi32, #tpu.memory_space<vmem>> -> memref<128xi32, #tpu.memory_space<vmem>>
        %dma_wait3A_469 = arith.constant 0 : i32
        %dma_wait3A_470 = tpu.memref_slice %arg16[%dma_wait3A_469] : memref<10112xf32, #tpu.memory_space<vmem_shared>> -> memref<10112xf32, #tpu.memory_space<vmem_shared>>
        tpu.wait_indirect_dma semaphore(%run_scoped3A_460 : memref<!tpu.dma_semaphore, #tpu.memory_space<semaphore_mem>>) src(%arg14 : memref<128xf32, #tpu.memory_space<vmem>>) dst(%dma_wait3A_470 : memref<10112xf32, #tpu.memory_space<vmem_shared>>)
        tpu.yield
      }) : () -> ()
      %mul3A_175 = arith.constant 8 : i32
      %mul3A_176 = arith.muli %add3A_76, %mul3A_175 : i32
      %add3A_177 = arith.constant 4 : i32
      %add3A_178 = arith.addi %mul3A_176, %add3A_177 : i32
      %dma_wait3A_179 = arith.constant 0 : i32
      %dma_wait3A_180 = tpu.memref_slice %arg10[%add3A_178, %dma_wait3A_179] : memref<80x128xi32, #tpu.memory_space<vmem>> -> memref<1x128xi32, #tpu.memory_space<vmem>>
      %dma_wait3A_181 = tpu.memref_squeeze %dma_wait3A_180 : memref<1x128xi32, #tpu.memory_space<vmem>> -> memref<128xi32, #tpu.memory_space<vmem>>
      %dma_wait3A_182 = arith.constant 0 : i32
      %dma_wait3A_183 = arith.constant 0 : i32
      %dma_wait3A_184 = tpu.memref_slice %arg2[%dma_wait3A_182, %dma_wait3A_183] : memref<10112x128xf32, #tpu.memory_space<hbm>> -> memref<10112x128xf32, #tpu.memory_space<hbm>>
      tpu.wait_indirect_dma semaphore(%arg17 : memref<!tpu.dma_semaphore, #tpu.memory_space<semaphore_mem>>) src(%dma_wait3A_184 : memref<10112x128xf32, #tpu.memory_space<hbm>>) dst(%arg12 : memref<128x128xf32, #tpu.memory_space<vmem>>)
      %run_scoped3A_185 = arith.constant 0 : i32
      %run_scoped3A_186 = arith.constant 4 : i32
      "tpu.region"() ({
        %run_scoped3A_460 = tpu.sem_alloc : memref<!tpu.dma_semaphore, #tpu.memory_space<semaphore_mem>>
        %dma_start3A_461 = arith.constant 0 : i32
        %dma_start3A_462 = tpu.memref_slice %arg11[%run_scoped3A_185, %run_scoped3A_186, %dma_start3A_461] : memref<2x8x128xi32, #tpu.memory_space<vmem>> -> memref<1x1x128xi32, #tpu.memory_space<vmem>>
        %dma_start3A_463 = tpu.memref_squeeze %dma_start3A_462 : memref<1x1x128xi32, #tpu.memory_space<vmem>> -> memref<128xi32, #tpu.memory_space<vmem>>
        %dma_start3A_464 = arith.constant 0 : i32
        %dma_start3A_465 = arith.constant 0 : i32
        %dma_start3A_466 = tpu.memref_slice %arg15[%dma_start3A_464, %dma_start3A_465] : memref<10112x128xf32, #tpu.memory_space<vmem_shared>> -> memref<10112x128xf32, #tpu.memory_space<vmem_shared>>
        tpu.enqueue_indirect_dma source(%arg12 : memref<128x128xf32, #tpu.memory_space<vmem>>) target(%dma_start3A_466 : memref<10112x128xf32, #tpu.memory_space<vmem_shared>>) offsets(%dma_start3A_463 : memref<128xi32, #tpu.memory_space<vmem>>) semaphore(%run_scoped3A_460 : memref<!tpu.dma_semaphore, #tpu.memory_space<semaphore_mem>>) {add = true}
        %dma_wait3A_467 = arith.constant 0 : i32
        %dma_wait3A_468 = tpu.memref_slice %arg11[%run_scoped3A_185, %run_scoped3A_186, %dma_wait3A_467] : memref<2x8x128xi32, #tpu.memory_space<vmem>> -> memref<1x1x128xi32, #tpu.memory_space<vmem>>
        %dma_wait3A_469 = tpu.memref_squeeze %dma_wait3A_468 : memref<1x1x128xi32, #tpu.memory_space<vmem>> -> memref<128xi32, #tpu.memory_space<vmem>>
        %dma_wait3A_470 = arith.constant 0 : i32
        %dma_wait3A_471 = arith.constant 0 : i32
        %dma_wait3A_472 = tpu.memref_slice %arg15[%dma_wait3A_470, %dma_wait3A_471] : memref<10112x128xf32, #tpu.memory_space<vmem_shared>> -> memref<10112x128xf32, #tpu.memory_space<vmem_shared>>
        tpu.wait_indirect_dma semaphore(%run_scoped3A_460 : memref<!tpu.dma_semaphore, #tpu.memory_space<semaphore_mem>>) src(%arg12 : memref<128x128xf32, #tpu.memory_space<vmem>>) dst(%dma_wait3A_472 : memref<10112x128xf32, #tpu.memory_space<vmem_shared>>)
        tpu.yield
      }) : () -> ()
      %add3A_187 = arith.constant 2 : i32
      %add3A_188 = arith.addi %add3A_178, %add3A_187 : i32
      %lt3A_189 = arith.constant 80 : i32
      %lt3A_190 = arith.cmpi slt, %add3A_188, %lt3A_189 : i32
      %convert_element_type3A_191 = arith.extui %lt3A_190 : i1 to i32
      %cond3A_192 = arith.constant 0 : i32
      %cond3A_193 = arith.cmpi ne, %convert_element_type3A_191, %cond3A_192 : i32
      scf.if %cond3A_193 {
        %add3A_460 = arith.constant 2 : i32
        %add3A_461 = arith.addi %add3A_178, %add3A_460 : i32
        %dma_start3A_462 = arith.constant 0 : i32
        %dma_start3A_463 = tpu.memref_slice %arg10[%add3A_461, %dma_start3A_462] : memref<80x128xi32, #tpu.memory_space<vmem>> -> memref<1x128xi32, #tpu.memory_space<vmem>>
        %dma_start3A_464 = tpu.memref_squeeze %dma_start3A_463 : memref<1x128xi32, #tpu.memory_space<vmem>> -> memref<128xi32, #tpu.memory_space<vmem>>
        %dma_start3A_465 = arith.constant 0 : i32
        %dma_start3A_466 = arith.constant 0 : i32
        %dma_start3A_467 = tpu.memref_slice %arg2[%dma_start3A_465, %dma_start3A_466] : memref<10112x128xf32, #tpu.memory_space<hbm>> -> memref<10112x128xf32, #tpu.memory_space<hbm>>
        tpu.enqueue_indirect_dma source(%dma_start3A_467 : memref<10112x128xf32, #tpu.memory_space<hbm>>) target(%arg12 : memref<128x128xf32, #tpu.memory_space<vmem>>) offsets(%dma_start3A_464 : memref<128xi32, #tpu.memory_space<vmem>>) semaphore(%arg17 : memref<!tpu.dma_semaphore, #tpu.memory_space<semaphore_mem>>)
      } else {
      }
      %run_scoped3A_194 = arith.constant 0 : i32
      %run_scoped3A_195 = arith.constant 4 : i32
      "tpu.region"() ({
        %run_scoped3A_460 = tpu.sem_alloc : memref<!tpu.dma_semaphore, #tpu.memory_space<semaphore_mem>>
        %dma_start3A_461 = arith.constant 0 : i32
        %dma_start3A_462 = tpu.memref_slice %arg11[%run_scoped3A_194, %run_scoped3A_195, %dma_start3A_461] : memref<2x8x128xi32, #tpu.memory_space<vmem>> -> memref<1x1x128xi32, #tpu.memory_space<vmem>>
        %dma_start3A_463 = tpu.memref_squeeze %dma_start3A_462 : memref<1x1x128xi32, #tpu.memory_space<vmem>> -> memref<128xi32, #tpu.memory_space<vmem>>
        %dma_start3A_464 = arith.constant 0 : i32
        %dma_start3A_465 = tpu.memref_slice %arg5[%dma_start3A_464] : memref<10112xf32, #tpu.memory_space<hbm>> -> memref<10112xf32, #tpu.memory_space<hbm>>
        tpu.enqueue_indirect_dma source(%dma_start3A_465 : memref<10112xf32, #tpu.memory_space<hbm>>) target(%arg14 : memref<128xf32, #tpu.memory_space<vmem>>) offsets(%dma_start3A_463 : memref<128xi32, #tpu.memory_space<vmem>>) semaphore(%run_scoped3A_460 : memref<!tpu.dma_semaphore, #tpu.memory_space<semaphore_mem>>)
        %dma_wait3A_466 = arith.constant 0 : i32
        %dma_wait3A_467 = tpu.memref_slice %arg11[%run_scoped3A_194, %run_scoped3A_195, %dma_wait3A_466] : memref<2x8x128xi32, #tpu.memory_space<vmem>> -> memref<1x1x128xi32, #tpu.memory_space<vmem>>
        %dma_wait3A_468 = tpu.memref_squeeze %dma_wait3A_467 : memref<1x1x128xi32, #tpu.memory_space<vmem>> -> memref<128xi32, #tpu.memory_space<vmem>>
        %dma_wait3A_469 = arith.constant 0 : i32
        %dma_wait3A_470 = tpu.memref_slice %arg5[%dma_wait3A_469] : memref<10112xf32, #tpu.memory_space<hbm>> -> memref<10112xf32, #tpu.memory_space<hbm>>
        tpu.wait_indirect_dma semaphore(%run_scoped3A_460 : memref<!tpu.dma_semaphore, #tpu.memory_space<semaphore_mem>>) src(%dma_wait3A_470 : memref<10112xf32, #tpu.memory_space<hbm>>) dst(%arg14 : memref<128xf32, #tpu.memory_space<vmem>>)
        tpu.yield
      }) : () -> ()
      "tpu.region"() ({
        %run_scoped3A_460 = tpu.sem_alloc : memref<!tpu.dma_semaphore, #tpu.memory_space<semaphore_mem>>
        %dma_start3A_461 = arith.constant 0 : i32
        %dma_start3A_462 = tpu.memref_slice %arg10[%add3A_178, %dma_start3A_461] : memref<80x128xi32, #tpu.memory_space<vmem>> -> memref<1x128xi32, #tpu.memory_space<vmem>>
        %dma_start3A_463 = tpu.memref_squeeze %dma_start3A_462 : memref<1x128xi32, #tpu.memory_space<vmem>> -> memref<128xi32, #tpu.memory_space<vmem>>
        %dma_start3A_464 = arith.constant 0 : i32
        %dma_start3A_465 = tpu.memref_slice %arg16[%dma_start3A_464] : memref<10112xf32, #tpu.memory_space<vmem_shared>> -> memref<10112xf32, #tpu.memory_space<vmem_shared>>
        tpu.enqueue_indirect_dma source(%arg14 : memref<128xf32, #tpu.memory_space<vmem>>) target(%dma_start3A_465 : memref<10112xf32, #tpu.memory_space<vmem_shared>>) offsets(%dma_start3A_463 : memref<128xi32, #tpu.memory_space<vmem>>) semaphore(%run_scoped3A_460 : memref<!tpu.dma_semaphore, #tpu.memory_space<semaphore_mem>>) {add = true}
        %dma_wait3A_466 = arith.constant 0 : i32
        %dma_wait3A_467 = tpu.memref_slice %arg10[%add3A_178, %dma_wait3A_466] : memref<80x128xi32, #tpu.memory_space<vmem>> -> memref<1x128xi32, #tpu.memory_space<vmem>>
        %dma_wait3A_468 = tpu.memref_squeeze %dma_wait3A_467 : memref<1x128xi32, #tpu.memory_space<vmem>> -> memref<128xi32, #tpu.memory_space<vmem>>
        %dma_wait3A_469 = arith.constant 0 : i32
        %dma_wait3A_470 = tpu.memref_slice %arg16[%dma_wait3A_469] : memref<10112xf32, #tpu.memory_space<vmem_shared>> -> memref<10112xf32, #tpu.memory_space<vmem_shared>>
        tpu.wait_indirect_dma semaphore(%run_scoped3A_460 : memref<!tpu.dma_semaphore, #tpu.memory_space<semaphore_mem>>) src(%arg14 : memref<128xf32, #tpu.memory_space<vmem>>) dst(%dma_wait3A_470 : memref<10112xf32, #tpu.memory_space<vmem_shared>>)
        tpu.yield
      }) : () -> ()
      %mul3A_196 = arith.constant 8 : i32
      %mul3A_197 = arith.muli %add3A_76, %mul3A_196 : i32
      %add3A_198 = arith.constant 5 : i32
      %add3A_199 = arith.addi %mul3A_197, %add3A_198 : i32
      %dma_wait3A_200 = arith.constant 0 : i32
      %dma_wait3A_201 = tpu.memref_slice %arg10[%add3A_199, %dma_wait3A_200] : memref<80x128xi32, #tpu.memory_space<vmem>> -> memref<1x128xi32, #tpu.memory_space<vmem>>
      %dma_wait3A_202 = tpu.memref_squeeze %dma_wait3A_201 : memref<1x128xi32, #tpu.memory_space<vmem>> -> memref<128xi32, #tpu.memory_space<vmem>>
      %dma_wait3A_203 = arith.constant 0 : i32
      %dma_wait3A_204 = arith.constant 0 : i32
      %dma_wait3A_205 = tpu.memref_slice %arg2[%dma_wait3A_203, %dma_wait3A_204] : memref<10112x128xf32, #tpu.memory_space<hbm>> -> memref<10112x128xf32, #tpu.memory_space<hbm>>
      tpu.wait_indirect_dma semaphore(%arg18 : memref<!tpu.dma_semaphore, #tpu.memory_space<semaphore_mem>>) src(%dma_wait3A_205 : memref<10112x128xf32, #tpu.memory_space<hbm>>) dst(%arg13 : memref<128x128xf32, #tpu.memory_space<vmem>>)
      %run_scoped3A_206 = arith.constant 0 : i32
      %run_scoped3A_207 = arith.constant 5 : i32
      "tpu.region"() ({
        %run_scoped3A_460 = tpu.sem_alloc : memref<!tpu.dma_semaphore, #tpu.memory_space<semaphore_mem>>
        %dma_start3A_461 = arith.constant 0 : i32
        %dma_start3A_462 = tpu.memref_slice %arg11[%run_scoped3A_206, %run_scoped3A_207, %dma_start3A_461] : memref<2x8x128xi32, #tpu.memory_space<vmem>> -> memref<1x1x128xi32, #tpu.memory_space<vmem>>
        %dma_start3A_463 = tpu.memref_squeeze %dma_start3A_462 : memref<1x1x128xi32, #tpu.memory_space<vmem>> -> memref<128xi32, #tpu.memory_space<vmem>>
        %dma_start3A_464 = arith.constant 0 : i32
        %dma_start3A_465 = arith.constant 0 : i32
        %dma_start3A_466 = tpu.memref_slice %arg15[%dma_start3A_464, %dma_start3A_465] : memref<10112x128xf32, #tpu.memory_space<vmem_shared>> -> memref<10112x128xf32, #tpu.memory_space<vmem_shared>>
        tpu.enqueue_indirect_dma source(%arg13 : memref<128x128xf32, #tpu.memory_space<vmem>>) target(%dma_start3A_466 : memref<10112x128xf32, #tpu.memory_space<vmem_shared>>) offsets(%dma_start3A_463 : memref<128xi32, #tpu.memory_space<vmem>>) semaphore(%run_scoped3A_460 : memref<!tpu.dma_semaphore, #tpu.memory_space<semaphore_mem>>) {add = true}
        %dma_wait3A_467 = arith.constant 0 : i32
        %dma_wait3A_468 = tpu.memref_slice %arg11[%run_scoped3A_206, %run_scoped3A_207, %dma_wait3A_467] : memref<2x8x128xi32, #tpu.memory_space<vmem>> -> memref<1x1x128xi32, #tpu.memory_space<vmem>>
        %dma_wait3A_469 = tpu.memref_squeeze %dma_wait3A_468 : memref<1x1x128xi32, #tpu.memory_space<vmem>> -> memref<128xi32, #tpu.memory_space<vmem>>
        %dma_wait3A_470 = arith.constant 0 : i32
        %dma_wait3A_471 = arith.constant 0 : i32
        %dma_wait3A_472 = tpu.memref_slice %arg15[%dma_wait3A_470, %dma_wait3A_471] : memref<10112x128xf32, #tpu.memory_space<vmem_shared>> -> memref<10112x128xf32, #tpu.memory_space<vmem_shared>>
        tpu.wait_indirect_dma semaphore(%run_scoped3A_460 : memref<!tpu.dma_semaphore, #tpu.memory_space<semaphore_mem>>) src(%arg13 : memref<128x128xf32, #tpu.memory_space<vmem>>) dst(%dma_wait3A_472 : memref<10112x128xf32, #tpu.memory_space<vmem_shared>>)
        tpu.yield
      }) : () -> ()
      %add3A_208 = arith.constant 2 : i32
      %add3A_209 = arith.addi %add3A_199, %add3A_208 : i32
      %lt3A_210 = arith.constant 80 : i32
      %lt3A_211 = arith.cmpi slt, %add3A_209, %lt3A_210 : i32
      %convert_element_type3A_212 = arith.extui %lt3A_211 : i1 to i32
      %cond3A_213 = arith.constant 0 : i32
      %cond3A_214 = arith.cmpi ne, %convert_element_type3A_212, %cond3A_213 : i32
      scf.if %cond3A_214 {
        %add3A_460 = arith.constant 2 : i32
        %add3A_461 = arith.addi %add3A_199, %add3A_460 : i32
        %dma_start3A_462 = arith.constant 0 : i32
        %dma_start3A_463 = tpu.memref_slice %arg10[%add3A_461, %dma_start3A_462] : memref<80x128xi32, #tpu.memory_space<vmem>> -> memref<1x128xi32, #tpu.memory_space<vmem>>
        %dma_start3A_464 = tpu.memref_squeeze %dma_start3A_463 : memref<1x128xi32, #tpu.memory_space<vmem>> -> memref<128xi32, #tpu.memory_space<vmem>>
        %dma_start3A_465 = arith.constant 0 : i32
        %dma_start3A_466 = arith.constant 0 : i32
        %dma_start3A_467 = tpu.memref_slice %arg2[%dma_start3A_465, %dma_start3A_466] : memref<10112x128xf32, #tpu.memory_space<hbm>> -> memref<10112x128xf32, #tpu.memory_space<hbm>>
        tpu.enqueue_indirect_dma source(%dma_start3A_467 : memref<10112x128xf32, #tpu.memory_space<hbm>>) target(%arg13 : memref<128x128xf32, #tpu.memory_space<vmem>>) offsets(%dma_start3A_464 : memref<128xi32, #tpu.memory_space<vmem>>) semaphore(%arg18 : memref<!tpu.dma_semaphore, #tpu.memory_space<semaphore_mem>>)
      } else {
      }
      %run_scoped3A_215 = arith.constant 0 : i32
      %run_scoped3A_216 = arith.constant 5 : i32
      "tpu.region"() ({
        %run_scoped3A_460 = tpu.sem_alloc : memref<!tpu.dma_semaphore, #tpu.memory_space<semaphore_mem>>
        %dma_start3A_461 = arith.constant 0 : i32
        %dma_start3A_462 = tpu.memref_slice %arg11[%run_scoped3A_215, %run_scoped3A_216, %dma_start3A_461] : memref<2x8x128xi32, #tpu.memory_space<vmem>> -> memref<1x1x128xi32, #tpu.memory_space<vmem>>
        %dma_start3A_463 = tpu.memref_squeeze %dma_start3A_462 : memref<1x1x128xi32, #tpu.memory_space<vmem>> -> memref<128xi32, #tpu.memory_space<vmem>>
        %dma_start3A_464 = arith.constant 0 : i32
        %dma_start3A_465 = tpu.memref_slice %arg5[%dma_start3A_464] : memref<10112xf32, #tpu.memory_space<hbm>> -> memref<10112xf32, #tpu.memory_space<hbm>>
        tpu.enqueue_indirect_dma source(%dma_start3A_465 : memref<10112xf32, #tpu.memory_space<hbm>>) target(%arg14 : memref<128xf32, #tpu.memory_space<vmem>>) offsets(%dma_start3A_463 : memref<128xi32, #tpu.memory_space<vmem>>) semaphore(%run_scoped3A_460 : memref<!tpu.dma_semaphore, #tpu.memory_space<semaphore_mem>>)
        %dma_wait3A_466 = arith.constant 0 : i32
        %dma_wait3A_467 = tpu.memref_slice %arg11[%run_scoped3A_215, %run_scoped3A_216, %dma_wait3A_466] : memref<2x8x128xi32, #tpu.memory_space<vmem>> -> memref<1x1x128xi32, #tpu.memory_space<vmem>>
        %dma_wait3A_468 = tpu.memref_squeeze %dma_wait3A_467 : memref<1x1x128xi32, #tpu.memory_space<vmem>> -> memref<128xi32, #tpu.memory_space<vmem>>
        %dma_wait3A_469 = arith.constant 0 : i32
        %dma_wait3A_470 = tpu.memref_slice %arg5[%dma_wait3A_469] : memref<10112xf32, #tpu.memory_space<hbm>> -> memref<10112xf32, #tpu.memory_space<hbm>>
        tpu.wait_indirect_dma semaphore(%run_scoped3A_460 : memref<!tpu.dma_semaphore, #tpu.memory_space<semaphore_mem>>) src(%dma_wait3A_470 : memref<10112xf32, #tpu.memory_space<hbm>>) dst(%arg14 : memref<128xf32, #tpu.memory_space<vmem>>)
        tpu.yield
      }) : () -> ()
      "tpu.region"() ({
        %run_scoped3A_460 = tpu.sem_alloc : memref<!tpu.dma_semaphore, #tpu.memory_space<semaphore_mem>>
        %dma_start3A_461 = arith.constant 0 : i32
        %dma_start3A_462 = tpu.memref_slice %arg10[%add3A_199, %dma_start3A_461] : memref<80x128xi32, #tpu.memory_space<vmem>> -> memref<1x128xi32, #tpu.memory_space<vmem>>
        %dma_start3A_463 = tpu.memref_squeeze %dma_start3A_462 : memref<1x128xi32, #tpu.memory_space<vmem>> -> memref<128xi32, #tpu.memory_space<vmem>>
        %dma_start3A_464 = arith.constant 0 : i32
        %dma_start3A_465 = tpu.memref_slice %arg16[%dma_start3A_464] : memref<10112xf32, #tpu.memory_space<vmem_shared>> -> memref<10112xf32, #tpu.memory_space<vmem_shared>>
        tpu.enqueue_indirect_dma source(%arg14 : memref<128xf32, #tpu.memory_space<vmem>>) target(%dma_start3A_465 : memref<10112xf32, #tpu.memory_space<vmem_shared>>) offsets(%dma_start3A_463 : memref<128xi32, #tpu.memory_space<vmem>>) semaphore(%run_scoped3A_460 : memref<!tpu.dma_semaphore, #tpu.memory_space<semaphore_mem>>) {add = true}
        %dma_wait3A_466 = arith.constant 0 : i32
        %dma_wait3A_467 = tpu.memref_slice %arg10[%add3A_199, %dma_wait3A_466] : memref<80x128xi32, #tpu.memory_space<vmem>> -> memref<1x128xi32, #tpu.memory_space<vmem>>
        %dma_wait3A_468 = tpu.memref_squeeze %dma_wait3A_467 : memref<1x128xi32, #tpu.memory_space<vmem>> -> memref<128xi32, #tpu.memory_space<vmem>>
        %dma_wait3A_469 = arith.constant 0 : i32
        %dma_wait3A_470 = tpu.memref_slice %arg16[%dma_wait3A_469] : memref<10112xf32, #tpu.memory_space<vmem_shared>> -> memref<10112xf32, #tpu.memory_space<vmem_shared>>
        tpu.wait_indirect_dma semaphore(%run_scoped3A_460 : memref<!tpu.dma_semaphore, #tpu.memory_space<semaphore_mem>>) src(%arg14 : memref<128xf32, #tpu.memory_space<vmem>>) dst(%dma_wait3A_470 : memref<10112xf32, #tpu.memory_space<vmem_shared>>)
        tpu.yield
      }) : () -> ()
      %mul3A_217 = arith.constant 8 : i32
      %mul3A_218 = arith.muli %add3A_76, %mul3A_217 : i32
      %add3A_219 = arith.constant 6 : i32
      %add3A_220 = arith.addi %mul3A_218, %add3A_219 : i32
      %dma_wait3A_221 = arith.constant 0 : i32
      %dma_wait3A_222 = tpu.memref_slice %arg10[%add3A_220, %dma_wait3A_221] : memref<80x128xi32, #tpu.memory_space<vmem>> -> memref<1x128xi32, #tpu.memory_space<vmem>>
      %dma_wait3A_223 = tpu.memref_squeeze %dma_wait3A_222 : memref<1x128xi32, #tpu.memory_space<vmem>> -> memref<128xi32, #tpu.memory_space<vmem>>
      %dma_wait3A_224 = arith.constant 0 : i32
      %dma_wait3A_225 = arith.constant 0 : i32
      %dma_wait3A_226 = tpu.memref_slice %arg2[%dma_wait3A_224, %dma_wait3A_225] : memref<10112x128xf32, #tpu.memory_space<hbm>> -> memref<10112x128xf32, #tpu.memory_space<hbm>>
      tpu.wait_indirect_dma semaphore(%arg17 : memref<!tpu.dma_semaphore, #tpu.memory_space<semaphore_mem>>) src(%dma_wait3A_226 : memref<10112x128xf32, #tpu.memory_space<hbm>>) dst(%arg12 : memref<128x128xf32, #tpu.memory_space<vmem>>)
      %run_scoped3A_227 = arith.constant 0 : i32
      %run_scoped3A_228 = arith.constant 6 : i32
      "tpu.region"() ({
        %run_scoped3A_460 = tpu.sem_alloc : memref<!tpu.dma_semaphore, #tpu.memory_space<semaphore_mem>>
        %dma_start3A_461 = arith.constant 0 : i32
        %dma_start3A_462 = tpu.memref_slice %arg11[%run_scoped3A_227, %run_scoped3A_228, %dma_start3A_461] : memref<2x8x128xi32, #tpu.memory_space<vmem>> -> memref<1x1x128xi32, #tpu.memory_space<vmem>>
        %dma_start3A_463 = tpu.memref_squeeze %dma_start3A_462 : memref<1x1x128xi32, #tpu.memory_space<vmem>> -> memref<128xi32, #tpu.memory_space<vmem>>
        %dma_start3A_464 = arith.constant 0 : i32
        %dma_start3A_465 = arith.constant 0 : i32
        %dma_start3A_466 = tpu.memref_slice %arg15[%dma_start3A_464, %dma_start3A_465] : memref<10112x128xf32, #tpu.memory_space<vmem_shared>> -> memref<10112x128xf32, #tpu.memory_space<vmem_shared>>
        tpu.enqueue_indirect_dma source(%arg12 : memref<128x128xf32, #tpu.memory_space<vmem>>) target(%dma_start3A_466 : memref<10112x128xf32, #tpu.memory_space<vmem_shared>>) offsets(%dma_start3A_463 : memref<128xi32, #tpu.memory_space<vmem>>) semaphore(%run_scoped3A_460 : memref<!tpu.dma_semaphore, #tpu.memory_space<semaphore_mem>>) {add = true}
        %dma_wait3A_467 = arith.constant 0 : i32
        %dma_wait3A_468 = tpu.memref_slice %arg11[%run_scoped3A_227, %run_scoped3A_228, %dma_wait3A_467] : memref<2x8x128xi32, #tpu.memory_space<vmem>> -> memref<1x1x128xi32, #tpu.memory_space<vmem>>
        %dma_wait3A_469 = tpu.memref_squeeze %dma_wait3A_468 : memref<1x1x128xi32, #tpu.memory_space<vmem>> -> memref<128xi32, #tpu.memory_space<vmem>>
        %dma_wait3A_470 = arith.constant 0 : i32
        %dma_wait3A_471 = arith.constant 0 : i32
        %dma_wait3A_472 = tpu.memref_slice %arg15[%dma_wait3A_470, %dma_wait3A_471] : memref<10112x128xf32, #tpu.memory_space<vmem_shared>> -> memref<10112x128xf32, #tpu.memory_space<vmem_shared>>
        tpu.wait_indirect_dma semaphore(%run_scoped3A_460 : memref<!tpu.dma_semaphore, #tpu.memory_space<semaphore_mem>>) src(%arg12 : memref<128x128xf32, #tpu.memory_space<vmem>>) dst(%dma_wait3A_472 : memref<10112x128xf32, #tpu.memory_space<vmem_shared>>)
        tpu.yield
      }) : () -> ()
      %add3A_229 = arith.constant 2 : i32
      %add3A_230 = arith.addi %add3A_220, %add3A_229 : i32
      %lt3A_231 = arith.constant 80 : i32
      %lt3A_232 = arith.cmpi slt, %add3A_230, %lt3A_231 : i32
      %convert_element_type3A_233 = arith.extui %lt3A_232 : i1 to i32
      %cond3A_234 = arith.constant 0 : i32
      %cond3A_235 = arith.cmpi ne, %convert_element_type3A_233, %cond3A_234 : i32
      scf.if %cond3A_235 {
        %add3A_460 = arith.constant 2 : i32
        %add3A_461 = arith.addi %add3A_220, %add3A_460 : i32
        %dma_start3A_462 = arith.constant 0 : i32
        %dma_start3A_463 = tpu.memref_slice %arg10[%add3A_461, %dma_start3A_462] : memref<80x128xi32, #tpu.memory_space<vmem>> -> memref<1x128xi32, #tpu.memory_space<vmem>>
        %dma_start3A_464 = tpu.memref_squeeze %dma_start3A_463 : memref<1x128xi32, #tpu.memory_space<vmem>> -> memref<128xi32, #tpu.memory_space<vmem>>
        %dma_start3A_465 = arith.constant 0 : i32
        %dma_start3A_466 = arith.constant 0 : i32
        %dma_start3A_467 = tpu.memref_slice %arg2[%dma_start3A_465, %dma_start3A_466] : memref<10112x128xf32, #tpu.memory_space<hbm>> -> memref<10112x128xf32, #tpu.memory_space<hbm>>
        tpu.enqueue_indirect_dma source(%dma_start3A_467 : memref<10112x128xf32, #tpu.memory_space<hbm>>) target(%arg12 : memref<128x128xf32, #tpu.memory_space<vmem>>) offsets(%dma_start3A_464 : memref<128xi32, #tpu.memory_space<vmem>>) semaphore(%arg17 : memref<!tpu.dma_semaphore, #tpu.memory_space<semaphore_mem>>)
      } else {
      }
      %run_scoped3A_236 = arith.constant 0 : i32
      %run_scoped3A_237 = arith.constant 6 : i32
      "tpu.region"() ({
        %run_scoped3A_460 = tpu.sem_alloc : memref<!tpu.dma_semaphore, #tpu.memory_space<semaphore_mem>>
        %dma_start3A_461 = arith.constant 0 : i32
        %dma_start3A_462 = tpu.memref_slice %arg11[%run_scoped3A_236, %run_scoped3A_237, %dma_start3A_461] : memref<2x8x128xi32, #tpu.memory_space<vmem>> -> memref<1x1x128xi32, #tpu.memory_space<vmem>>
        %dma_start3A_463 = tpu.memref_squeeze %dma_start3A_462 : memref<1x1x128xi32, #tpu.memory_space<vmem>> -> memref<128xi32, #tpu.memory_space<vmem>>
        %dma_start3A_464 = arith.constant 0 : i32
        %dma_start3A_465 = tpu.memref_slice %arg5[%dma_start3A_464] : memref<10112xf32, #tpu.memory_space<hbm>> -> memref<10112xf32, #tpu.memory_space<hbm>>
        tpu.enqueue_indirect_dma source(%dma_start3A_465 : memref<10112xf32, #tpu.memory_space<hbm>>) target(%arg14 : memref<128xf32, #tpu.memory_space<vmem>>) offsets(%dma_start3A_463 : memref<128xi32, #tpu.memory_space<vmem>>) semaphore(%run_scoped3A_460 : memref<!tpu.dma_semaphore, #tpu.memory_space<semaphore_mem>>)
        %dma_wait3A_466 = arith.constant 0 : i32
        %dma_wait3A_467 = tpu.memref_slice %arg11[%run_scoped3A_236, %run_scoped3A_237, %dma_wait3A_466] : memref<2x8x128xi32, #tpu.memory_space<vmem>> -> memref<1x1x128xi32, #tpu.memory_space<vmem>>
        %dma_wait3A_468 = tpu.memref_squeeze %dma_wait3A_467 : memref<1x1x128xi32, #tpu.memory_space<vmem>> -> memref<128xi32, #tpu.memory_space<vmem>>
        %dma_wait3A_469 = arith.constant 0 : i32
        %dma_wait3A_470 = tpu.memref_slice %arg5[%dma_wait3A_469] : memref<10112xf32, #tpu.memory_space<hbm>> -> memref<10112xf32, #tpu.memory_space<hbm>>
        tpu.wait_indirect_dma semaphore(%run_scoped3A_460 : memref<!tpu.dma_semaphore, #tpu.memory_space<semaphore_mem>>) src(%dma_wait3A_470 : memref<10112xf32, #tpu.memory_space<hbm>>) dst(%arg14 : memref<128xf32, #tpu.memory_space<vmem>>)
        tpu.yield
      }) : () -> ()
      "tpu.region"() ({
        %run_scoped3A_460 = tpu.sem_alloc : memref<!tpu.dma_semaphore, #tpu.memory_space<semaphore_mem>>
        %dma_start3A_461 = arith.constant 0 : i32
        %dma_start3A_462 = tpu.memref_slice %arg10[%add3A_220, %dma_start3A_461] : memref<80x128xi32, #tpu.memory_space<vmem>> -> memref<1x128xi32, #tpu.memory_space<vmem>>
        %dma_start3A_463 = tpu.memref_squeeze %dma_start3A_462 : memref<1x128xi32, #tpu.memory_space<vmem>> -> memref<128xi32, #tpu.memory_space<vmem>>
        %dma_start3A_464 = arith.constant 0 : i32
        %dma_start3A_465 = tpu.memref_slice %arg16[%dma_start3A_464] : memref<10112xf32, #tpu.memory_space<vmem_shared>> -> memref<10112xf32, #tpu.memory_space<vmem_shared>>
        tpu.enqueue_indirect_dma source(%arg14 : memref<128xf32, #tpu.memory_space<vmem>>) target(%dma_start3A_465 : memref<10112xf32, #tpu.memory_space<vmem_shared>>) offsets(%dma_start3A_463 : memref<128xi32, #tpu.memory_space<vmem>>) semaphore(%run_scoped3A_460 : memref<!tpu.dma_semaphore, #tpu.memory_space<semaphore_mem>>) {add = true}
        %dma_wait3A_466 = arith.constant 0 : i32
        %dma_wait3A_467 = tpu.memref_slice %arg10[%add3A_220, %dma_wait3A_466] : memref<80x128xi32, #tpu.memory_space<vmem>> -> memref<1x128xi32, #tpu.memory_space<vmem>>
        %dma_wait3A_468 = tpu.memref_squeeze %dma_wait3A_467 : memref<1x128xi32, #tpu.memory_space<vmem>> -> memref<128xi32, #tpu.memory_space<vmem>>
        %dma_wait3A_469 = arith.constant 0 : i32
        %dma_wait3A_470 = tpu.memref_slice %arg16[%dma_wait3A_469] : memref<10112xf32, #tpu.memory_space<vmem_shared>> -> memref<10112xf32, #tpu.memory_space<vmem_shared>>
        tpu.wait_indirect_dma semaphore(%run_scoped3A_460 : memref<!tpu.dma_semaphore, #tpu.memory_space<semaphore_mem>>) src(%arg14 : memref<128xf32, #tpu.memory_space<vmem>>) dst(%dma_wait3A_470 : memref<10112xf32, #tpu.memory_space<vmem_shared>>)
        tpu.yield
      }) : () -> ()
      %mul3A_238 = arith.constant 8 : i32
      %mul3A_239 = arith.muli %add3A_76, %mul3A_238 : i32
      %add3A_240 = arith.constant 7 : i32
      %add3A_241 = arith.addi %mul3A_239, %add3A_240 : i32
      %dma_wait3A_242 = arith.constant 0 : i32
      %dma_wait3A_243 = tpu.memref_slice %arg10[%add3A_241, %dma_wait3A_242] : memref<80x128xi32, #tpu.memory_space<vmem>> -> memref<1x128xi32, #tpu.memory_space<vmem>>
      %dma_wait3A_244 = tpu.memref_squeeze %dma_wait3A_243 : memref<1x128xi32, #tpu.memory_space<vmem>> -> memref<128xi32, #tpu.memory_space<vmem>>
      %dma_wait3A_245 = arith.constant 0 : i32
      %dma_wait3A_246 = arith.constant 0 : i32
      %dma_wait3A_247 = tpu.memref_slice %arg2[%dma_wait3A_245, %dma_wait3A_246] : memref<10112x128xf32, #tpu.memory_space<hbm>> -> memref<10112x128xf32, #tpu.memory_space<hbm>>
      tpu.wait_indirect_dma semaphore(%arg18 : memref<!tpu.dma_semaphore, #tpu.memory_space<semaphore_mem>>) src(%dma_wait3A_247 : memref<10112x128xf32, #tpu.memory_space<hbm>>) dst(%arg13 : memref<128x128xf32, #tpu.memory_space<vmem>>)
      %run_scoped3A_248 = arith.constant 0 : i32
      %run_scoped3A_249 = arith.constant 7 : i32
      "tpu.region"() ({
        %run_scoped3A_460 = tpu.sem_alloc : memref<!tpu.dma_semaphore, #tpu.memory_space<semaphore_mem>>
        %dma_start3A_461 = arith.constant 0 : i32
        %dma_start3A_462 = tpu.memref_slice %arg11[%run_scoped3A_248, %run_scoped3A_249, %dma_start3A_461] : memref<2x8x128xi32, #tpu.memory_space<vmem>> -> memref<1x1x128xi32, #tpu.memory_space<vmem>>
        %dma_start3A_463 = tpu.memref_squeeze %dma_start3A_462 : memref<1x1x128xi32, #tpu.memory_space<vmem>> -> memref<128xi32, #tpu.memory_space<vmem>>
        %dma_start3A_464 = arith.constant 0 : i32
        %dma_start3A_465 = arith.constant 0 : i32
        %dma_start3A_466 = tpu.memref_slice %arg15[%dma_start3A_464, %dma_start3A_465] : memref<10112x128xf32, #tpu.memory_space<vmem_shared>> -> memref<10112x128xf32, #tpu.memory_space<vmem_shared>>
        tpu.enqueue_indirect_dma source(%arg13 : memref<128x128xf32, #tpu.memory_space<vmem>>) target(%dma_start3A_466 : memref<10112x128xf32, #tpu.memory_space<vmem_shared>>) offsets(%dma_start3A_463 : memref<128xi32, #tpu.memory_space<vmem>>) semaphore(%run_scoped3A_460 : memref<!tpu.dma_semaphore, #tpu.memory_space<semaphore_mem>>) {add = true}
        %dma_wait3A_467 = arith.constant 0 : i32
        %dma_wait3A_468 = tpu.memref_slice %arg11[%run_scoped3A_248, %run_scoped3A_249, %dma_wait3A_467] : memref<2x8x128xi32, #tpu.memory_space<vmem>> -> memref<1x1x128xi32, #tpu.memory_space<vmem>>
        %dma_wait3A_469 = tpu.memref_squeeze %dma_wait3A_468 : memref<1x1x128xi32, #tpu.memory_space<vmem>> -> memref<128xi32, #tpu.memory_space<vmem>>
        %dma_wait3A_470 = arith.constant 0 : i32
        %dma_wait3A_471 = arith.constant 0 : i32
        %dma_wait3A_472 = tpu.memref_slice %arg15[%dma_wait3A_470, %dma_wait3A_471] : memref<10112x128xf32, #tpu.memory_space<vmem_shared>> -> memref<10112x128xf32, #tpu.memory_space<vmem_shared>>
        tpu.wait_indirect_dma semaphore(%run_scoped3A_460 : memref<!tpu.dma_semaphore, #tpu.memory_space<semaphore_mem>>) src(%arg13 : memref<128x128xf32, #tpu.memory_space<vmem>>) dst(%dma_wait3A_472 : memref<10112x128xf32, #tpu.memory_space<vmem_shared>>)
        tpu.yield
      }) : () -> ()
      %add3A_250 = arith.constant 2 : i32
      %add3A_251 = arith.addi %add3A_241, %add3A_250 : i32
      %lt3A_252 = arith.constant 80 : i32
      %lt3A_253 = arith.cmpi slt, %add3A_251, %lt3A_252 : i32
      %convert_element_type3A_254 = arith.extui %lt3A_253 : i1 to i32
      %cond3A_255 = arith.constant 0 : i32
      %cond3A_256 = arith.cmpi ne, %convert_element_type3A_254, %cond3A_255 : i32
      scf.if %cond3A_256 {
        %add3A_460 = arith.constant 2 : i32
        %add3A_461 = arith.addi %add3A_241, %add3A_460 : i32
        %dma_start3A_462 = arith.constant 0 : i32
        %dma_start3A_463 = tpu.memref_slice %arg10[%add3A_461, %dma_start3A_462] : memref<80x128xi32, #tpu.memory_space<vmem>> -> memref<1x128xi32, #tpu.memory_space<vmem>>
        %dma_start3A_464 = tpu.memref_squeeze %dma_start3A_463 : memref<1x128xi32, #tpu.memory_space<vmem>> -> memref<128xi32, #tpu.memory_space<vmem>>
        %dma_start3A_465 = arith.constant 0 : i32
        %dma_start3A_466 = arith.constant 0 : i32
        %dma_start3A_467 = tpu.memref_slice %arg2[%dma_start3A_465, %dma_start3A_466] : memref<10112x128xf32, #tpu.memory_space<hbm>> -> memref<10112x128xf32, #tpu.memory_space<hbm>>
        tpu.enqueue_indirect_dma source(%dma_start3A_467 : memref<10112x128xf32, #tpu.memory_space<hbm>>) target(%arg13 : memref<128x128xf32, #tpu.memory_space<vmem>>) offsets(%dma_start3A_464 : memref<128xi32, #tpu.memory_space<vmem>>) semaphore(%arg18 : memref<!tpu.dma_semaphore, #tpu.memory_space<semaphore_mem>>)
      } else {
      }
      %run_scoped3A_257 = arith.constant 0 : i32
      %run_scoped3A_258 = arith.constant 7 : i32
      "tpu.region"() ({
        %run_scoped3A_460 = tpu.sem_alloc : memref<!tpu.dma_semaphore, #tpu.memory_space<semaphore_mem>>
        %dma_start3A_461 = arith.constant 0 : i32
        %dma_start3A_462 = tpu.memref_slice %arg11[%run_scoped3A_257, %run_scoped3A_258, %dma_start3A_461] : memref<2x8x128xi32, #tpu.memory_space<vmem>> -> memref<1x1x128xi32, #tpu.memory_space<vmem>>
        %dma_start3A_463 = tpu.memref_squeeze %dma_start3A_462 : memref<1x1x128xi32, #tpu.memory_space<vmem>> -> memref<128xi32, #tpu.memory_space<vmem>>
        %dma_start3A_464 = arith.constant 0 : i32
        %dma_start3A_465 = tpu.memref_slice %arg5[%dma_start3A_464] : memref<10112xf32, #tpu.memory_space<hbm>> -> memref<10112xf32, #tpu.memory_space<hbm>>
        tpu.enqueue_indirect_dma source(%dma_start3A_465 : memref<10112xf32, #tpu.memory_space<hbm>>) target(%arg14 : memref<128xf32, #tpu.memory_space<vmem>>) offsets(%dma_start3A_463 : memref<128xi32, #tpu.memory_space<vmem>>) semaphore(%run_scoped3A_460 : memref<!tpu.dma_semaphore, #tpu.memory_space<semaphore_mem>>)
        %dma_wait3A_466 = arith.constant 0 : i32
        %dma_wait3A_467 = tpu.memref_slice %arg11[%run_scoped3A_257, %run_scoped3A_258, %dma_wait3A_466] : memref<2x8x128xi32, #tpu.memory_space<vmem>> -> memref<1x1x128xi32, #tpu.memory_space<vmem>>
        %dma_wait3A_468 = tpu.memref_squeeze %dma_wait3A_467 : memref<1x1x128xi32, #tpu.memory_space<vmem>> -> memref<128xi32, #tpu.memory_space<vmem>>
        %dma_wait3A_469 = arith.constant 0 : i32
        %dma_wait3A_470 = tpu.memref_slice %arg5[%dma_wait3A_469] : memref<10112xf32, #tpu.memory_space<hbm>> -> memref<10112xf32, #tpu.memory_space<hbm>>
        tpu.wait_indirect_dma semaphore(%run_scoped3A_460 : memref<!tpu.dma_semaphore, #tpu.memory_space<semaphore_mem>>) src(%dma_wait3A_470 : memref<10112xf32, #tpu.memory_space<hbm>>) dst(%arg14 : memref<128xf32, #tpu.memory_space<vmem>>)
        tpu.yield
      }) : () -> ()
      "tpu.region"() ({
        %run_scoped3A_460 = tpu.sem_alloc : memref<!tpu.dma_semaphore, #tpu.memory_space<semaphore_mem>>
        %dma_start3A_461 = arith.constant 0 : i32
        %dma_start3A_462 = tpu.memref_slice %arg10[%add3A_241, %dma_start3A_461] : memref<80x128xi32, #tpu.memory_space<vmem>> -> memref<1x128xi32, #tpu.memory_space<vmem>>
        %dma_start3A_463 = tpu.memref_squeeze %dma_start3A_462 : memref<1x128xi32, #tpu.memory_space<vmem>> -> memref<128xi32, #tpu.memory_space<vmem>>
        %dma_start3A_464 = arith.constant 0 : i32
        %dma_start3A_465 = tpu.memref_slice %arg16[%dma_start3A_464] : memref<10112xf32, #tpu.memory_space<vmem_shared>> -> memref<10112xf32, #tpu.memory_space<vmem_shared>>
        tpu.enqueue_indirect_dma source(%arg14 : memref<128xf32, #tpu.memory_space<vmem>>) target(%dma_start3A_465 : memref<10112xf32, #tpu.memory_space<vmem_shared>>) offsets(%dma_start3A_463 : memref<128xi32, #tpu.memory_space<vmem>>) semaphore(%run_scoped3A_460 : memref<!tpu.dma_semaphore, #tpu.memory_space<semaphore_mem>>) {add = true}
        %dma_wait3A_466 = arith.constant 0 : i32
        %dma_wait3A_467 = tpu.memref_slice %arg10[%add3A_241, %dma_wait3A_466] : memref<80x128xi32, #tpu.memory_space<vmem>> -> memref<1x128xi32, #tpu.memory_space<vmem>>
        %dma_wait3A_468 = tpu.memref_squeeze %dma_wait3A_467 : memref<1x128xi32, #tpu.memory_space<vmem>> -> memref<128xi32, #tpu.memory_space<vmem>>
        %dma_wait3A_469 = arith.constant 0 : i32
        %dma_wait3A_470 = tpu.memref_slice %arg16[%dma_wait3A_469] : memref<10112xf32, #tpu.memory_space<vmem_shared>> -> memref<10112xf32, #tpu.memory_space<vmem_shared>>
        tpu.wait_indirect_dma semaphore(%run_scoped3A_460 : memref<!tpu.dma_semaphore, #tpu.memory_space<semaphore_mem>>) src(%arg14 : memref<128xf32, #tpu.memory_space<vmem>>) dst(%dma_wait3A_470 : memref<10112xf32, #tpu.memory_space<vmem_shared>>)
        tpu.yield
      }) : () -> ()
      %add3A_259 = arith.constant 2 : i32
      %add3A_260 = arith.addi %add3A_76, %add3A_259 : i32
      %lt3A_261 = arith.constant 10 : i32
      %lt3A_262 = arith.cmpi slt, %add3A_260, %lt3A_261 : i32
      %convert_element_type3A_263 = arith.extui %lt3A_262 : i1 to i32
      %cond3A_264 = arith.constant 0 : i32
      %cond3A_265 = arith.cmpi ne, %convert_element_type3A_263, %cond3A_264 : i32
      scf.if %cond3A_265 {
        %add3A_460 = arith.constant 2 : i32
        %add3A_461 = arith.addi %add3A_76, %add3A_460 : i32
        %dma_start3A_462 = arith.constant 0 : i32
        %dma_start3A_463 = arith.constant 0 : i32
        %dma_start3A_464 = arith.constant 0 : i32
        %dma_start3A_465 = tpu.memref_slice %arg11[%dma_start3A_462, %dma_start3A_463, %dma_start3A_464] : memref<2x8x128xi32, #tpu.memory_space<vmem>> -> memref<1x8x128xi32, #tpu.memory_space<vmem>>
        %dma_start3A_466 = tpu.memref_squeeze %dma_start3A_465 : memref<1x8x128xi32, #tpu.memory_space<vmem>> -> memref<8x128xi32, #tpu.memory_space<vmem>>
        %dma_start3A_467 = arith.constant 0 : i32
        %dma_start3A_468 = arith.constant 0 : i32
        %dma_start3A_469 = tpu.memref_slice %arg4[%add3A, %add3A_461, %dma_start3A_467, %dma_start3A_468] : memref<32x10x8x128xi32, #tpu.memory_space<hbm>> -> memref<1x1x8x128xi32, #tpu.memory_space<hbm>>
        %dma_start3A_470 = tpu.memref_squeeze %dma_start3A_469 : memref<1x1x8x128xi32, #tpu.memory_space<hbm>> -> memref<8x128xi32, #tpu.memory_space<hbm>>
        %dma_start3A_471 = arith.constant 0 : i32
        %dma_start3A_472 = arith.constant 0 : i32
        %dma_start3A_473 = tpu.memref_slice %arg11[%dma_start3A_462, %dma_start3A_471, %dma_start3A_472] : memref<2x8x128xi32, #tpu.memory_space<vmem>> -> memref<1x8x128xi32, #tpu.memory_space<vmem>>
        %dma_start3A_474 = tpu.memref_squeeze %dma_start3A_473 : memref<1x8x128xi32, #tpu.memory_space<vmem>> -> memref<8x128xi32, #tpu.memory_space<vmem>>
        %dma_start3A_475 = arith.constant 0 : i32
        %dma_start3A_476 = arith.constant 0 : i32
        %dma_start3A_477 = tpu.memref_slice %arg4[%add3A, %add3A_461, %dma_start3A_475, %dma_start3A_476] : memref<32x10x8x128xi32, #tpu.memory_space<hbm>> -> memref<1x1x8x128xi32, #tpu.memory_space<hbm>>
        %dma_start3A_478 = tpu.memref_squeeze %dma_start3A_477 : memref<1x1x8x128xi32, #tpu.memory_space<hbm>> -> memref<8x128xi32, #tpu.memory_space<hbm>>
        tpu.enqueue_dma source(%dma_start3A_478 : memref<8x128xi32, #tpu.memory_space<hbm>>) target(%dma_start3A_474 : memref<8x128xi32, #tpu.memory_space<vmem>>) target_semaphore(%arg19 : memref<!tpu.dma_semaphore, #tpu.memory_space<semaphore_mem>>)
      } else {
      }
      %add3A_266 = arith.constant 1 : i32
      %add3A_267 = arith.addi %add3A_74, %add3A_266 : i32
      %dma_wait3A_268 = arith.constant 1 : i32
      %dma_wait3A_269 = arith.constant 0 : i32
      %dma_wait3A_270 = arith.constant 0 : i32
      %dma_wait3A_271 = tpu.memref_slice %arg11[%dma_wait3A_268, %dma_wait3A_269, %dma_wait3A_270] : memref<2x8x128xi32, #tpu.memory_space<vmem>> -> memref<1x8x128xi32, #tpu.memory_space<vmem>>
      %dma_wait3A_272 = tpu.memref_squeeze %dma_wait3A_271 : memref<1x8x128xi32, #tpu.memory_space<vmem>> -> memref<8x128xi32, #tpu.memory_space<vmem>>
      %dma_wait3A_273 = arith.constant 0 : i32
      %dma_wait3A_274 = arith.constant 0 : i32
      %dma_wait3A_275 = tpu.memref_slice %arg4[%add3A, %add3A_267, %dma_wait3A_273, %dma_wait3A_274] : memref<32x10x8x128xi32, #tpu.memory_space<hbm>> -> memref<1x1x8x128xi32, #tpu.memory_space<hbm>>
      %dma_wait3A_276 = tpu.memref_squeeze %dma_wait3A_275 : memref<1x1x8x128xi32, #tpu.memory_space<hbm>> -> memref<8x128xi32, #tpu.memory_space<hbm>>
      %dma_wait3A_277 = arith.constant 0 : i32
      %dma_wait3A_278 = arith.constant 0 : i32
      %dma_wait3A_279 = tpu.memref_slice %arg11[%dma_wait3A_268, %dma_wait3A_277, %dma_wait3A_278] : memref<2x8x128xi32, #tpu.memory_space<vmem>> -> memref<1x8x128xi32, #tpu.memory_space<vmem>>
      %dma_wait3A_280 = tpu.memref_squeeze %dma_wait3A_279 : memref<1x8x128xi32, #tpu.memory_space<vmem>> -> memref<8x128xi32, #tpu.memory_space<vmem>>
      %dma_wait3A_281 = arith.constant 0 : i32
      %dma_wait3A_282 = arith.constant 0 : i32
      %dma_wait3A_283 = tpu.memref_slice %arg4[%add3A, %add3A_267, %dma_wait3A_281, %dma_wait3A_282] : memref<32x10x8x128xi32, #tpu.memory_space<hbm>> -> memref<1x1x8x128xi32, #tpu.memory_space<hbm>>
      %dma_wait3A_284 = tpu.memref_squeeze %dma_wait3A_283 : memref<1x1x8x128xi32, #tpu.memory_space<hbm>> -> memref<8x128xi32, #tpu.memory_space<hbm>>
      tpu.wait_dma2 semaphore(%arg20 : memref<!tpu.dma_semaphore, #tpu.memory_space<semaphore_mem>>) src(%dma_wait3A_284 : memref<8x128xi32, #tpu.memory_space<hbm>>) dst(%dma_wait3A_280 : memref<8x128xi32, #tpu.memory_space<vmem>>)
      %mul3A_285 = arith.constant 8 : i32
      %mul3A_286 = arith.muli %add3A_267, %mul3A_285 : i32
      %add3A_287 = arith.constant 0 : i32
      %add3A_288 = arith.addi %mul3A_286, %add3A_287 : i32
      %dma_wait3A_289 = arith.constant 0 : i32
      %dma_wait3A_290 = tpu.memref_slice %arg10[%add3A_288, %dma_wait3A_289] : memref<80x128xi32, #tpu.memory_space<vmem>> -> memref<1x128xi32, #tpu.memory_space<vmem>>
      %dma_wait3A_291 = tpu.memref_squeeze %dma_wait3A_290 : memref<1x128xi32, #tpu.memory_space<vmem>> -> memref<128xi32, #tpu.memory_space<vmem>>
      %dma_wait3A_292 = arith.constant 0 : i32
      %dma_wait3A_293 = arith.constant 0 : i32
      %dma_wait3A_294 = tpu.memref_slice %arg2[%dma_wait3A_292, %dma_wait3A_293] : memref<10112x128xf32, #tpu.memory_space<hbm>> -> memref<10112x128xf32, #tpu.memory_space<hbm>>
      tpu.wait_indirect_dma semaphore(%arg17 : memref<!tpu.dma_semaphore, #tpu.memory_space<semaphore_mem>>) src(%dma_wait3A_294 : memref<10112x128xf32, #tpu.memory_space<hbm>>) dst(%arg12 : memref<128x128xf32, #tpu.memory_space<vmem>>)
      %run_scoped3A_295 = arith.constant 1 : i32
      %run_scoped3A_296 = arith.constant 0 : i32
      "tpu.region"() ({
        %run_scoped3A_460 = tpu.sem_alloc : memref<!tpu.dma_semaphore, #tpu.memory_space<semaphore_mem>>
        %dma_start3A_461 = arith.constant 0 : i32
        %dma_start3A_462 = tpu.memref_slice %arg11[%run_scoped3A_295, %run_scoped3A_296, %dma_start3A_461] : memref<2x8x128xi32, #tpu.memory_space<vmem>> -> memref<1x1x128xi32, #tpu.memory_space<vmem>>
        %dma_start3A_463 = tpu.memref_squeeze %dma_start3A_462 : memref<1x1x128xi32, #tpu.memory_space<vmem>> -> memref<128xi32, #tpu.memory_space<vmem>>
        %dma_start3A_464 = arith.constant 0 : i32
        %dma_start3A_465 = arith.constant 0 : i32
        %dma_start3A_466 = tpu.memref_slice %arg15[%dma_start3A_464, %dma_start3A_465] : memref<10112x128xf32, #tpu.memory_space<vmem_shared>> -> memref<10112x128xf32, #tpu.memory_space<vmem_shared>>
        tpu.enqueue_indirect_dma source(%arg12 : memref<128x128xf32, #tpu.memory_space<vmem>>) target(%dma_start3A_466 : memref<10112x128xf32, #tpu.memory_space<vmem_shared>>) offsets(%dma_start3A_463 : memref<128xi32, #tpu.memory_space<vmem>>) semaphore(%run_scoped3A_460 : memref<!tpu.dma_semaphore, #tpu.memory_space<semaphore_mem>>) {add = true}
        %dma_wait3A_467 = arith.constant 0 : i32
        %dma_wait3A_468 = tpu.memref_slice %arg11[%run_scoped3A_295, %run_scoped3A_296, %dma_wait3A_467] : memref<2x8x128xi32, #tpu.memory_space<vmem>> -> memref<1x1x128xi32, #tpu.memory_space<vmem>>
        %dma_wait3A_469 = tpu.memref_squeeze %dma_wait3A_468 : memref<1x1x128xi32, #tpu.memory_space<vmem>> -> memref<128xi32, #tpu.memory_space<vmem>>
        %dma_wait3A_470 = arith.constant 0 : i32
        %dma_wait3A_471 = arith.constant 0 : i32
        %dma_wait3A_472 = tpu.memref_slice %arg15[%dma_wait3A_470, %dma_wait3A_471] : memref<10112x128xf32, #tpu.memory_space<vmem_shared>> -> memref<10112x128xf32, #tpu.memory_space<vmem_shared>>
        tpu.wait_indirect_dma semaphore(%run_scoped3A_460 : memref<!tpu.dma_semaphore, #tpu.memory_space<semaphore_mem>>) src(%arg12 : memref<128x128xf32, #tpu.memory_space<vmem>>) dst(%dma_wait3A_472 : memref<10112x128xf32, #tpu.memory_space<vmem_shared>>)
        tpu.yield
      }) : () -> ()
      %add3A_297 = arith.constant 2 : i32
      %add3A_298 = arith.addi %add3A_288, %add3A_297 : i32
      %lt3A_299 = arith.constant 80 : i32
      %lt3A_300 = arith.cmpi slt, %add3A_298, %lt3A_299 : i32
      %convert_element_type3A_301 = arith.extui %lt3A_300 : i1 to i32
      %cond3A_302 = arith.constant 0 : i32
      %cond3A_303 = arith.cmpi ne, %convert_element_type3A_301, %cond3A_302 : i32
      scf.if %cond3A_303 {
        %add3A_460 = arith.constant 2 : i32
        %add3A_461 = arith.addi %add3A_288, %add3A_460 : i32
        %dma_start3A_462 = arith.constant 0 : i32
        %dma_start3A_463 = tpu.memref_slice %arg10[%add3A_461, %dma_start3A_462] : memref<80x128xi32, #tpu.memory_space<vmem>> -> memref<1x128xi32, #tpu.memory_space<vmem>>
        %dma_start3A_464 = tpu.memref_squeeze %dma_start3A_463 : memref<1x128xi32, #tpu.memory_space<vmem>> -> memref<128xi32, #tpu.memory_space<vmem>>
        %dma_start3A_465 = arith.constant 0 : i32
        %dma_start3A_466 = arith.constant 0 : i32
        %dma_start3A_467 = tpu.memref_slice %arg2[%dma_start3A_465, %dma_start3A_466] : memref<10112x128xf32, #tpu.memory_space<hbm>> -> memref<10112x128xf32, #tpu.memory_space<hbm>>
        tpu.enqueue_indirect_dma source(%dma_start3A_467 : memref<10112x128xf32, #tpu.memory_space<hbm>>) target(%arg12 : memref<128x128xf32, #tpu.memory_space<vmem>>) offsets(%dma_start3A_464 : memref<128xi32, #tpu.memory_space<vmem>>) semaphore(%arg17 : memref<!tpu.dma_semaphore, #tpu.memory_space<semaphore_mem>>)
      } else {
      }
      %run_scoped3A_304 = arith.constant 1 : i32
      %run_scoped3A_305 = arith.constant 0 : i32
      "tpu.region"() ({
        %run_scoped3A_460 = tpu.sem_alloc : memref<!tpu.dma_semaphore, #tpu.memory_space<semaphore_mem>>
        %dma_start3A_461 = arith.constant 0 : i32
        %dma_start3A_462 = tpu.memref_slice %arg11[%run_scoped3A_304, %run_scoped3A_305, %dma_start3A_461] : memref<2x8x128xi32, #tpu.memory_space<vmem>> -> memref<1x1x128xi32, #tpu.memory_space<vmem>>
        %dma_start3A_463 = tpu.memref_squeeze %dma_start3A_462 : memref<1x1x128xi32, #tpu.memory_space<vmem>> -> memref<128xi32, #tpu.memory_space<vmem>>
        %dma_start3A_464 = arith.constant 0 : i32
        %dma_start3A_465 = tpu.memref_slice %arg5[%dma_start3A_464] : memref<10112xf32, #tpu.memory_space<hbm>> -> memref<10112xf32, #tpu.memory_space<hbm>>
        tpu.enqueue_indirect_dma source(%dma_start3A_465 : memref<10112xf32, #tpu.memory_space<hbm>>) target(%arg14 : memref<128xf32, #tpu.memory_space<vmem>>) offsets(%dma_start3A_463 : memref<128xi32, #tpu.memory_space<vmem>>) semaphore(%run_scoped3A_460 : memref<!tpu.dma_semaphore, #tpu.memory_space<semaphore_mem>>)
        %dma_wait3A_466 = arith.constant 0 : i32
        %dma_wait3A_467 = tpu.memref_slice %arg11[%run_scoped3A_304, %run_scoped3A_305, %dma_wait3A_466] : memref<2x8x128xi32, #tpu.memory_space<vmem>> -> memref<1x1x128xi32, #tpu.memory_space<vmem>>
        %dma_wait3A_468 = tpu.memref_squeeze %dma_wait3A_467 : memref<1x1x128xi32, #tpu.memory_space<vmem>> -> memref<128xi32, #tpu.memory_space<vmem>>
        %dma_wait3A_469 = arith.constant 0 : i32
        %dma_wait3A_470 = tpu.memref_slice %arg5[%dma_wait3A_469] : memref<10112xf32, #tpu.memory_space<hbm>> -> memref<10112xf32, #tpu.memory_space<hbm>>
        tpu.wait_indirect_dma semaphore(%run_scoped3A_460 : memref<!tpu.dma_semaphore, #tpu.memory_space<semaphore_mem>>) src(%dma_wait3A_470 : memref<10112xf32, #tpu.memory_space<hbm>>) dst(%arg14 : memref<128xf32, #tpu.memory_space<vmem>>)
        tpu.yield
      }) : () -> ()
      "tpu.region"() ({
        %run_scoped3A_460 = tpu.sem_alloc : memref<!tpu.dma_semaphore, #tpu.memory_space<semaphore_mem>>
        %dma_start3A_461 = arith.constant 0 : i32
        %dma_start3A_462 = tpu.memref_slice %arg10[%add3A_288, %dma_start3A_461] : memref<80x128xi32, #tpu.memory_space<vmem>> -> memref<1x128xi32, #tpu.memory_space<vmem>>
        %dma_start3A_463 = tpu.memref_squeeze %dma_start3A_462 : memref<1x128xi32, #tpu.memory_space<vmem>> -> memref<128xi32, #tpu.memory_space<vmem>>
        %dma_start3A_464 = arith.constant 0 : i32
        %dma_start3A_465 = tpu.memref_slice %arg16[%dma_start3A_464] : memref<10112xf32, #tpu.memory_space<vmem_shared>> -> memref<10112xf32, #tpu.memory_space<vmem_shared>>
        tpu.enqueue_indirect_dma source(%arg14 : memref<128xf32, #tpu.memory_space<vmem>>) target(%dma_start3A_465 : memref<10112xf32, #tpu.memory_space<vmem_shared>>) offsets(%dma_start3A_463 : memref<128xi32, #tpu.memory_space<vmem>>) semaphore(%run_scoped3A_460 : memref<!tpu.dma_semaphore, #tpu.memory_space<semaphore_mem>>) {add = true}
        %dma_wait3A_466 = arith.constant 0 : i32
        %dma_wait3A_467 = tpu.memref_slice %arg10[%add3A_288, %dma_wait3A_466] : memref<80x128xi32, #tpu.memory_space<vmem>> -> memref<1x128xi32, #tpu.memory_space<vmem>>
        %dma_wait3A_468 = tpu.memref_squeeze %dma_wait3A_467 : memref<1x128xi32, #tpu.memory_space<vmem>> -> memref<128xi32, #tpu.memory_space<vmem>>
        %dma_wait3A_469 = arith.constant 0 : i32
        %dma_wait3A_470 = tpu.memref_slice %arg16[%dma_wait3A_469] : memref<10112xf32, #tpu.memory_space<vmem_shared>> -> memref<10112xf32, #tpu.memory_space<vmem_shared>>
        tpu.wait_indirect_dma semaphore(%run_scoped3A_460 : memref<!tpu.dma_semaphore, #tpu.memory_space<semaphore_mem>>) src(%arg14 : memref<128xf32, #tpu.memory_space<vmem>>) dst(%dma_wait3A_470 : memref<10112xf32, #tpu.memory_space<vmem_shared>>)
        tpu.yield
      }) : () -> ()
      %mul3A_306 = arith.constant 8 : i32
      %mul3A_307 = arith.muli %add3A_267, %mul3A_306 : i32
      %add3A_308 = arith.constant 1 : i32
      %add3A_309 = arith.addi %mul3A_307, %add3A_308 : i32
      %dma_wait3A_310 = arith.constant 0 : i32
      %dma_wait3A_311 = tpu.memref_slice %arg10[%add3A_309, %dma_wait3A_310] : memref<80x128xi32, #tpu.memory_space<vmem>> -> memref<1x128xi32, #tpu.memory_space<vmem>>
      %dma_wait3A_312 = tpu.memref_squeeze %dma_wait3A_311 : memref<1x128xi32, #tpu.memory_space<vmem>> -> memref<128xi32, #tpu.memory_space<vmem>>
      %dma_wait3A_313 = arith.constant 0 : i32
      %dma_wait3A_314 = arith.constant 0 : i32
      %dma_wait3A_315 = tpu.memref_slice %arg2[%dma_wait3A_313, %dma_wait3A_314] : memref<10112x128xf32, #tpu.memory_space<hbm>> -> memref<10112x128xf32, #tpu.memory_space<hbm>>
      tpu.wait_indirect_dma semaphore(%arg18 : memref<!tpu.dma_semaphore, #tpu.memory_space<semaphore_mem>>) src(%dma_wait3A_315 : memref<10112x128xf32, #tpu.memory_space<hbm>>) dst(%arg13 : memref<128x128xf32, #tpu.memory_space<vmem>>)
      %run_scoped3A_316 = arith.constant 1 : i32
      %run_scoped3A_317 = arith.constant 1 : i32
      "tpu.region"() ({
        %run_scoped3A_460 = tpu.sem_alloc : memref<!tpu.dma_semaphore, #tpu.memory_space<semaphore_mem>>
        %dma_start3A_461 = arith.constant 0 : i32
        %dma_start3A_462 = tpu.memref_slice %arg11[%run_scoped3A_316, %run_scoped3A_317, %dma_start3A_461] : memref<2x8x128xi32, #tpu.memory_space<vmem>> -> memref<1x1x128xi32, #tpu.memory_space<vmem>>
        %dma_start3A_463 = tpu.memref_squeeze %dma_start3A_462 : memref<1x1x128xi32, #tpu.memory_space<vmem>> -> memref<128xi32, #tpu.memory_space<vmem>>
        %dma_start3A_464 = arith.constant 0 : i32
        %dma_start3A_465 = arith.constant 0 : i32
        %dma_start3A_466 = tpu.memref_slice %arg15[%dma_start3A_464, %dma_start3A_465] : memref<10112x128xf32, #tpu.memory_space<vmem_shared>> -> memref<10112x128xf32, #tpu.memory_space<vmem_shared>>
        tpu.enqueue_indirect_dma source(%arg13 : memref<128x128xf32, #tpu.memory_space<vmem>>) target(%dma_start3A_466 : memref<10112x128xf32, #tpu.memory_space<vmem_shared>>) offsets(%dma_start3A_463 : memref<128xi32, #tpu.memory_space<vmem>>) semaphore(%run_scoped3A_460 : memref<!tpu.dma_semaphore, #tpu.memory_space<semaphore_mem>>) {add = true}
        %dma_wait3A_467 = arith.constant 0 : i32
        %dma_wait3A_468 = tpu.memref_slice %arg11[%run_scoped3A_316, %run_scoped3A_317, %dma_wait3A_467] : memref<2x8x128xi32, #tpu.memory_space<vmem>> -> memref<1x1x128xi32, #tpu.memory_space<vmem>>
        %dma_wait3A_469 = tpu.memref_squeeze %dma_wait3A_468 : memref<1x1x128xi32, #tpu.memory_space<vmem>> -> memref<128xi32, #tpu.memory_space<vmem>>
        %dma_wait3A_470 = arith.constant 0 : i32
        %dma_wait3A_471 = arith.constant 0 : i32
        %dma_wait3A_472 = tpu.memref_slice %arg15[%dma_wait3A_470, %dma_wait3A_471] : memref<10112x128xf32, #tpu.memory_space<vmem_shared>> -> memref<10112x128xf32, #tpu.memory_space<vmem_shared>>
        tpu.wait_indirect_dma semaphore(%run_scoped3A_460 : memref<!tpu.dma_semaphore, #tpu.memory_space<semaphore_mem>>) src(%arg13 : memref<128x128xf32, #tpu.memory_space<vmem>>) dst(%dma_wait3A_472 : memref<10112x128xf32, #tpu.memory_space<vmem_shared>>)
        tpu.yield
      }) : () -> ()
      %add3A_318 = arith.constant 2 : i32
      %add3A_319 = arith.addi %add3A_309, %add3A_318 : i32
      %lt3A_320 = arith.constant 80 : i32
      %lt3A_321 = arith.cmpi slt, %add3A_319, %lt3A_320 : i32
      %convert_element_type3A_322 = arith.extui %lt3A_321 : i1 to i32
      %cond3A_323 = arith.constant 0 : i32
      %cond3A_324 = arith.cmpi ne, %convert_element_type3A_322, %cond3A_323 : i32
      scf.if %cond3A_324 {
        %add3A_460 = arith.constant 2 : i32
        %add3A_461 = arith.addi %add3A_309, %add3A_460 : i32
        %dma_start3A_462 = arith.constant 0 : i32
        %dma_start3A_463 = tpu.memref_slice %arg10[%add3A_461, %dma_start3A_462] : memref<80x128xi32, #tpu.memory_space<vmem>> -> memref<1x128xi32, #tpu.memory_space<vmem>>
        %dma_start3A_464 = tpu.memref_squeeze %dma_start3A_463 : memref<1x128xi32, #tpu.memory_space<vmem>> -> memref<128xi32, #tpu.memory_space<vmem>>
        %dma_start3A_465 = arith.constant 0 : i32
        %dma_start3A_466 = arith.constant 0 : i32
        %dma_start3A_467 = tpu.memref_slice %arg2[%dma_start3A_465, %dma_start3A_466] : memref<10112x128xf32, #tpu.memory_space<hbm>> -> memref<10112x128xf32, #tpu.memory_space<hbm>>
        tpu.enqueue_indirect_dma source(%dma_start3A_467 : memref<10112x128xf32, #tpu.memory_space<hbm>>) target(%arg13 : memref<128x128xf32, #tpu.memory_space<vmem>>) offsets(%dma_start3A_464 : memref<128xi32, #tpu.memory_space<vmem>>) semaphore(%arg18 : memref<!tpu.dma_semaphore, #tpu.memory_space<semaphore_mem>>)
      } else {
      }
      %run_scoped3A_325 = arith.constant 1 : i32
      %run_scoped3A_326 = arith.constant 1 : i32
      "tpu.region"() ({
        %run_scoped3A_460 = tpu.sem_alloc : memref<!tpu.dma_semaphore, #tpu.memory_space<semaphore_mem>>
        %dma_start3A_461 = arith.constant 0 : i32
        %dma_start3A_462 = tpu.memref_slice %arg11[%run_scoped3A_325, %run_scoped3A_326, %dma_start3A_461] : memref<2x8x128xi32, #tpu.memory_space<vmem>> -> memref<1x1x128xi32, #tpu.memory_space<vmem>>
        %dma_start3A_463 = tpu.memref_squeeze %dma_start3A_462 : memref<1x1x128xi32, #tpu.memory_space<vmem>> -> memref<128xi32, #tpu.memory_space<vmem>>
        %dma_start3A_464 = arith.constant 0 : i32
        %dma_start3A_465 = tpu.memref_slice %arg5[%dma_start3A_464] : memref<10112xf32, #tpu.memory_space<hbm>> -> memref<10112xf32, #tpu.memory_space<hbm>>
        tpu.enqueue_indirect_dma source(%dma_start3A_465 : memref<10112xf32, #tpu.memory_space<hbm>>) target(%arg14 : memref<128xf32, #tpu.memory_space<vmem>>) offsets(%dma_start3A_463 : memref<128xi32, #tpu.memory_space<vmem>>) semaphore(%run_scoped3A_460 : memref<!tpu.dma_semaphore, #tpu.memory_space<semaphore_mem>>)
        %dma_wait3A_466 = arith.constant 0 : i32
        %dma_wait3A_467 = tpu.memref_slice %arg11[%run_scoped3A_325, %run_scoped3A_326, %dma_wait3A_466] : memref<2x8x128xi32, #tpu.memory_space<vmem>> -> memref<1x1x128xi32, #tpu.memory_space<vmem>>
        %dma_wait3A_468 = tpu.memref_squeeze %dma_wait3A_467 : memref<1x1x128xi32, #tpu.memory_space<vmem>> -> memref<128xi32, #tpu.memory_space<vmem>>
        %dma_wait3A_469 = arith.constant 0 : i32
        %dma_wait3A_470 = tpu.memref_slice %arg5[%dma_wait3A_469] : memref<10112xf32, #tpu.memory_space<hbm>> -> memref<10112xf32, #tpu.memory_space<hbm>>
        tpu.wait_indirect_dma semaphore(%run_scoped3A_460 : memref<!tpu.dma_semaphore, #tpu.memory_space<semaphore_mem>>) src(%dma_wait3A_470 : memref<10112xf32, #tpu.memory_space<hbm>>) dst(%arg14 : memref<128xf32, #tpu.memory_space<vmem>>)
        tpu.yield
      }) : () -> ()
      "tpu.region"() ({
        %run_scoped3A_460 = tpu.sem_alloc : memref<!tpu.dma_semaphore, #tpu.memory_space<semaphore_mem>>
        %dma_start3A_461 = arith.constant 0 : i32
        %dma_start3A_462 = tpu.memref_slice %arg10[%add3A_309, %dma_start3A_461] : memref<80x128xi32, #tpu.memory_space<vmem>> -> memref<1x128xi32, #tpu.memory_space<vmem>>
        %dma_start3A_463 = tpu.memref_squeeze %dma_start3A_462 : memref<1x128xi32, #tpu.memory_space<vmem>> -> memref<128xi32, #tpu.memory_space<vmem>>
        %dma_start3A_464 = arith.constant 0 : i32
        %dma_start3A_465 = tpu.memref_slice %arg16[%dma_start3A_464] : memref<10112xf32, #tpu.memory_space<vmem_shared>> -> memref<10112xf32, #tpu.memory_space<vmem_shared>>
        tpu.enqueue_indirect_dma source(%arg14 : memref<128xf32, #tpu.memory_space<vmem>>) target(%dma_start3A_465 : memref<10112xf32, #tpu.memory_space<vmem_shared>>) offsets(%dma_start3A_463 : memref<128xi32, #tpu.memory_space<vmem>>) semaphore(%run_scoped3A_460 : memref<!tpu.dma_semaphore, #tpu.memory_space<semaphore_mem>>) {add = true}
        %dma_wait3A_466 = arith.constant 0 : i32
        %dma_wait3A_467 = tpu.memref_slice %arg10[%add3A_309, %dma_wait3A_466] : memref<80x128xi32, #tpu.memory_space<vmem>> -> memref<1x128xi32, #tpu.memory_space<vmem>>
        %dma_wait3A_468 = tpu.memref_squeeze %dma_wait3A_467 : memref<1x128xi32, #tpu.memory_space<vmem>> -> memref<128xi32, #tpu.memory_space<vmem>>
        %dma_wait3A_469 = arith.constant 0 : i32
        %dma_wait3A_470 = tpu.memref_slice %arg16[%dma_wait3A_469] : memref<10112xf32, #tpu.memory_space<vmem_shared>> -> memref<10112xf32, #tpu.memory_space<vmem_shared>>
        tpu.wait_indirect_dma semaphore(%run_scoped3A_460 : memref<!tpu.dma_semaphore, #tpu.memory_space<semaphore_mem>>) src(%arg14 : memref<128xf32, #tpu.memory_space<vmem>>) dst(%dma_wait3A_470 : memref<10112xf32, #tpu.memory_space<vmem_shared>>)
        tpu.yield
      }) : () -> ()
      %mul3A_327 = arith.constant 8 : i32
      %mul3A_328 = arith.muli %add3A_267, %mul3A_327 : i32
      %add3A_329 = arith.constant 2 : i32
      %add3A_330 = arith.addi %mul3A_328, %add3A_329 : i32
      %dma_wait3A_331 = arith.constant 0 : i32
      %dma_wait3A_332 = tpu.memref_slice %arg10[%add3A_330, %dma_wait3A_331] : memref<80x128xi32, #tpu.memory_space<vmem>> -> memref<1x128xi32, #tpu.memory_space<vmem>>
      %dma_wait3A_333 = tpu.memref_squeeze %dma_wait3A_332 : memref<1x128xi32, #tpu.memory_space<vmem>> -> memref<128xi32, #tpu.memory_space<vmem>>
      %dma_wait3A_334 = arith.constant 0 : i32
      %dma_wait3A_335 = arith.constant 0 : i32
      %dma_wait3A_336 = tpu.memref_slice %arg2[%dma_wait3A_334, %dma_wait3A_335] : memref<10112x128xf32, #tpu.memory_space<hbm>> -> memref<10112x128xf32, #tpu.memory_space<hbm>>
      tpu.wait_indirect_dma semaphore(%arg17 : memref<!tpu.dma_semaphore, #tpu.memory_space<semaphore_mem>>) src(%dma_wait3A_336 : memref<10112x128xf32, #tpu.memory_space<hbm>>) dst(%arg12 : memref<128x128xf32, #tpu.memory_space<vmem>>)
      %run_scoped3A_337 = arith.constant 1 : i32
      %run_scoped3A_338 = arith.constant 2 : i32
      "tpu.region"() ({
        %run_scoped3A_460 = tpu.sem_alloc : memref<!tpu.dma_semaphore, #tpu.memory_space<semaphore_mem>>
        %dma_start3A_461 = arith.constant 0 : i32
        %dma_start3A_462 = tpu.memref_slice %arg11[%run_scoped3A_337, %run_scoped3A_338, %dma_start3A_461] : memref<2x8x128xi32, #tpu.memory_space<vmem>> -> memref<1x1x128xi32, #tpu.memory_space<vmem>>
        %dma_start3A_463 = tpu.memref_squeeze %dma_start3A_462 : memref<1x1x128xi32, #tpu.memory_space<vmem>> -> memref<128xi32, #tpu.memory_space<vmem>>
        %dma_start3A_464 = arith.constant 0 : i32
        %dma_start3A_465 = arith.constant 0 : i32
        %dma_start3A_466 = tpu.memref_slice %arg15[%dma_start3A_464, %dma_start3A_465] : memref<10112x128xf32, #tpu.memory_space<vmem_shared>> -> memref<10112x128xf32, #tpu.memory_space<vmem_shared>>
        tpu.enqueue_indirect_dma source(%arg12 : memref<128x128xf32, #tpu.memory_space<vmem>>) target(%dma_start3A_466 : memref<10112x128xf32, #tpu.memory_space<vmem_shared>>) offsets(%dma_start3A_463 : memref<128xi32, #tpu.memory_space<vmem>>) semaphore(%run_scoped3A_460 : memref<!tpu.dma_semaphore, #tpu.memory_space<semaphore_mem>>) {add = true}
        %dma_wait3A_467 = arith.constant 0 : i32
        %dma_wait3A_468 = tpu.memref_slice %arg11[%run_scoped3A_337, %run_scoped3A_338, %dma_wait3A_467] : memref<2x8x128xi32, #tpu.memory_space<vmem>> -> memref<1x1x128xi32, #tpu.memory_space<vmem>>
        %dma_wait3A_469 = tpu.memref_squeeze %dma_wait3A_468 : memref<1x1x128xi32, #tpu.memory_space<vmem>> -> memref<128xi32, #tpu.memory_space<vmem>>
        %dma_wait3A_470 = arith.constant 0 : i32
        %dma_wait3A_471 = arith.constant 0 : i32
        %dma_wait3A_472 = tpu.memref_slice %arg15[%dma_wait3A_470, %dma_wait3A_471] : memref<10112x128xf32, #tpu.memory_space<vmem_shared>> -> memref<10112x128xf32, #tpu.memory_space<vmem_shared>>
        tpu.wait_indirect_dma semaphore(%run_scoped3A_460 : memref<!tpu.dma_semaphore, #tpu.memory_space<semaphore_mem>>) src(%arg12 : memref<128x128xf32, #tpu.memory_space<vmem>>) dst(%dma_wait3A_472 : memref<10112x128xf32, #tpu.memory_space<vmem_shared>>)
        tpu.yield
      }) : () -> ()
      %add3A_339 = arith.constant 2 : i32
      %add3A_340 = arith.addi %add3A_330, %add3A_339 : i32
      %lt3A_341 = arith.constant 80 : i32
      %lt3A_342 = arith.cmpi slt, %add3A_340, %lt3A_341 : i32
      %convert_element_type3A_343 = arith.extui %lt3A_342 : i1 to i32
      %cond3A_344 = arith.constant 0 : i32
      %cond3A_345 = arith.cmpi ne, %convert_element_type3A_343, %cond3A_344 : i32
      scf.if %cond3A_345 {
        %add3A_460 = arith.constant 2 : i32
        %add3A_461 = arith.addi %add3A_330, %add3A_460 : i32
        %dma_start3A_462 = arith.constant 0 : i32
        %dma_start3A_463 = tpu.memref_slice %arg10[%add3A_461, %dma_start3A_462] : memref<80x128xi32, #tpu.memory_space<vmem>> -> memref<1x128xi32, #tpu.memory_space<vmem>>
        %dma_start3A_464 = tpu.memref_squeeze %dma_start3A_463 : memref<1x128xi32, #tpu.memory_space<vmem>> -> memref<128xi32, #tpu.memory_space<vmem>>
        %dma_start3A_465 = arith.constant 0 : i32
        %dma_start3A_466 = arith.constant 0 : i32
        %dma_start3A_467 = tpu.memref_slice %arg2[%dma_start3A_465, %dma_start3A_466] : memref<10112x128xf32, #tpu.memory_space<hbm>> -> memref<10112x128xf32, #tpu.memory_space<hbm>>
        tpu.enqueue_indirect_dma source(%dma_start3A_467 : memref<10112x128xf32, #tpu.memory_space<hbm>>) target(%arg12 : memref<128x128xf32, #tpu.memory_space<vmem>>) offsets(%dma_start3A_464 : memref<128xi32, #tpu.memory_space<vmem>>) semaphore(%arg17 : memref<!tpu.dma_semaphore, #tpu.memory_space<semaphore_mem>>)
      } else {
      }
      %run_scoped3A_346 = arith.constant 1 : i32
      %run_scoped3A_347 = arith.constant 2 : i32
      "tpu.region"() ({
        %run_scoped3A_460 = tpu.sem_alloc : memref<!tpu.dma_semaphore, #tpu.memory_space<semaphore_mem>>
        %dma_start3A_461 = arith.constant 0 : i32
        %dma_start3A_462 = tpu.memref_slice %arg11[%run_scoped3A_346, %run_scoped3A_347, %dma_start3A_461] : memref<2x8x128xi32, #tpu.memory_space<vmem>> -> memref<1x1x128xi32, #tpu.memory_space<vmem>>
        %dma_start3A_463 = tpu.memref_squeeze %dma_start3A_462 : memref<1x1x128xi32, #tpu.memory_space<vmem>> -> memref<128xi32, #tpu.memory_space<vmem>>
        %dma_start3A_464 = arith.constant 0 : i32
        %dma_start3A_465 = tpu.memref_slice %arg5[%dma_start3A_464] : memref<10112xf32, #tpu.memory_space<hbm>> -> memref<10112xf32, #tpu.memory_space<hbm>>
        tpu.enqueue_indirect_dma source(%dma_start3A_465 : memref<10112xf32, #tpu.memory_space<hbm>>) target(%arg14 : memref<128xf32, #tpu.memory_space<vmem>>) offsets(%dma_start3A_463 : memref<128xi32, #tpu.memory_space<vmem>>) semaphore(%run_scoped3A_460 : memref<!tpu.dma_semaphore, #tpu.memory_space<semaphore_mem>>)
        %dma_wait3A_466 = arith.constant 0 : i32
        %dma_wait3A_467 = tpu.memref_slice %arg11[%run_scoped3A_346, %run_scoped3A_347, %dma_wait3A_466] : memref<2x8x128xi32, #tpu.memory_space<vmem>> -> memref<1x1x128xi32, #tpu.memory_space<vmem>>
        %dma_wait3A_468 = tpu.memref_squeeze %dma_wait3A_467 : memref<1x1x128xi32, #tpu.memory_space<vmem>> -> memref<128xi32, #tpu.memory_space<vmem>>
        %dma_wait3A_469 = arith.constant 0 : i32
        %dma_wait3A_470 = tpu.memref_slice %arg5[%dma_wait3A_469] : memref<10112xf32, #tpu.memory_space<hbm>> -> memref<10112xf32, #tpu.memory_space<hbm>>
        tpu.wait_indirect_dma semaphore(%run_scoped3A_460 : memref<!tpu.dma_semaphore, #tpu.memory_space<semaphore_mem>>) src(%dma_wait3A_470 : memref<10112xf32, #tpu.memory_space<hbm>>) dst(%arg14 : memref<128xf32, #tpu.memory_space<vmem>>)
        tpu.yield
      }) : () -> ()
      "tpu.region"() ({
        %run_scoped3A_460 = tpu.sem_alloc : memref<!tpu.dma_semaphore, #tpu.memory_space<semaphore_mem>>
        %dma_start3A_461 = arith.constant 0 : i32
        %dma_start3A_462 = tpu.memref_slice %arg10[%add3A_330, %dma_start3A_461] : memref<80x128xi32, #tpu.memory_space<vmem>> -> memref<1x128xi32, #tpu.memory_space<vmem>>
        %dma_start3A_463 = tpu.memref_squeeze %dma_start3A_462 : memref<1x128xi32, #tpu.memory_space<vmem>> -> memref<128xi32, #tpu.memory_space<vmem>>
        %dma_start3A_464 = arith.constant 0 : i32
        %dma_start3A_465 = tpu.memref_slice %arg16[%dma_start3A_464] : memref<10112xf32, #tpu.memory_space<vmem_shared>> -> memref<10112xf32, #tpu.memory_space<vmem_shared>>
        tpu.enqueue_indirect_dma source(%arg14 : memref<128xf32, #tpu.memory_space<vmem>>) target(%dma_start3A_465 : memref<10112xf32, #tpu.memory_space<vmem_shared>>) offsets(%dma_start3A_463 : memref<128xi32, #tpu.memory_space<vmem>>) semaphore(%run_scoped3A_460 : memref<!tpu.dma_semaphore, #tpu.memory_space<semaphore_mem>>) {add = true}
        %dma_wait3A_466 = arith.constant 0 : i32
        %dma_wait3A_467 = tpu.memref_slice %arg10[%add3A_330, %dma_wait3A_466] : memref<80x128xi32, #tpu.memory_space<vmem>> -> memref<1x128xi32, #tpu.memory_space<vmem>>
        %dma_wait3A_468 = tpu.memref_squeeze %dma_wait3A_467 : memref<1x128xi32, #tpu.memory_space<vmem>> -> memref<128xi32, #tpu.memory_space<vmem>>
        %dma_wait3A_469 = arith.constant 0 : i32
        %dma_wait3A_470 = tpu.memref_slice %arg16[%dma_wait3A_469] : memref<10112xf32, #tpu.memory_space<vmem_shared>> -> memref<10112xf32, #tpu.memory_space<vmem_shared>>
        tpu.wait_indirect_dma semaphore(%run_scoped3A_460 : memref<!tpu.dma_semaphore, #tpu.memory_space<semaphore_mem>>) src(%arg14 : memref<128xf32, #tpu.memory_space<vmem>>) dst(%dma_wait3A_470 : memref<10112xf32, #tpu.memory_space<vmem_shared>>)
        tpu.yield
      }) : () -> ()
      %mul3A_348 = arith.constant 8 : i32
      %mul3A_349 = arith.muli %add3A_267, %mul3A_348 : i32
      %add3A_350 = arith.constant 3 : i32
      %add3A_351 = arith.addi %mul3A_349, %add3A_350 : i32
      %dma_wait3A_352 = arith.constant 0 : i32
      %dma_wait3A_353 = tpu.memref_slice %arg10[%add3A_351, %dma_wait3A_352] : memref<80x128xi32, #tpu.memory_space<vmem>> -> memref<1x128xi32, #tpu.memory_space<vmem>>
      %dma_wait3A_354 = tpu.memref_squeeze %dma_wait3A_353 : memref<1x128xi32, #tpu.memory_space<vmem>> -> memref<128xi32, #tpu.memory_space<vmem>>
      %dma_wait3A_355 = arith.constant 0 : i32
      %dma_wait3A_356 = arith.constant 0 : i32
      %dma_wait3A_357 = tpu.memref_slice %arg2[%dma_wait3A_355, %dma_wait3A_356] : memref<10112x128xf32, #tpu.memory_space<hbm>> -> memref<10112x128xf32, #tpu.memory_space<hbm>>
      tpu.wait_indirect_dma semaphore(%arg18 : memref<!tpu.dma_semaphore, #tpu.memory_space<semaphore_mem>>) src(%dma_wait3A_357 : memref<10112x128xf32, #tpu.memory_space<hbm>>) dst(%arg13 : memref<128x128xf32, #tpu.memory_space<vmem>>)
      %run_scoped3A_358 = arith.constant 1 : i32
      %run_scoped3A_359 = arith.constant 3 : i32
      "tpu.region"() ({
        %run_scoped3A_460 = tpu.sem_alloc : memref<!tpu.dma_semaphore, #tpu.memory_space<semaphore_mem>>
        %dma_start3A_461 = arith.constant 0 : i32
        %dma_start3A_462 = tpu.memref_slice %arg11[%run_scoped3A_358, %run_scoped3A_359, %dma_start3A_461] : memref<2x8x128xi32, #tpu.memory_space<vmem>> -> memref<1x1x128xi32, #tpu.memory_space<vmem>>
        %dma_start3A_463 = tpu.memref_squeeze %dma_start3A_462 : memref<1x1x128xi32, #tpu.memory_space<vmem>> -> memref<128xi32, #tpu.memory_space<vmem>>
        %dma_start3A_464 = arith.constant 0 : i32
        %dma_start3A_465 = arith.constant 0 : i32
        %dma_start3A_466 = tpu.memref_slice %arg15[%dma_start3A_464, %dma_start3A_465] : memref<10112x128xf32, #tpu.memory_space<vmem_shared>> -> memref<10112x128xf32, #tpu.memory_space<vmem_shared>>
        tpu.enqueue_indirect_dma source(%arg13 : memref<128x128xf32, #tpu.memory_space<vmem>>) target(%dma_start3A_466 : memref<10112x128xf32, #tpu.memory_space<vmem_shared>>) offsets(%dma_start3A_463 : memref<128xi32, #tpu.memory_space<vmem>>) semaphore(%run_scoped3A_460 : memref<!tpu.dma_semaphore, #tpu.memory_space<semaphore_mem>>) {add = true}
        %dma_wait3A_467 = arith.constant 0 : i32
        %dma_wait3A_468 = tpu.memref_slice %arg11[%run_scoped3A_358, %run_scoped3A_359, %dma_wait3A_467] : memref<2x8x128xi32, #tpu.memory_space<vmem>> -> memref<1x1x128xi32, #tpu.memory_space<vmem>>
        %dma_wait3A_469 = tpu.memref_squeeze %dma_wait3A_468 : memref<1x1x128xi32, #tpu.memory_space<vmem>> -> memref<128xi32, #tpu.memory_space<vmem>>
        %dma_wait3A_470 = arith.constant 0 : i32
        %dma_wait3A_471 = arith.constant 0 : i32
        %dma_wait3A_472 = tpu.memref_slice %arg15[%dma_wait3A_470, %dma_wait3A_471] : memref<10112x128xf32, #tpu.memory_space<vmem_shared>> -> memref<10112x128xf32, #tpu.memory_space<vmem_shared>>
        tpu.wait_indirect_dma semaphore(%run_scoped3A_460 : memref<!tpu.dma_semaphore, #tpu.memory_space<semaphore_mem>>) src(%arg13 : memref<128x128xf32, #tpu.memory_space<vmem>>) dst(%dma_wait3A_472 : memref<10112x128xf32, #tpu.memory_space<vmem_shared>>)
        tpu.yield
      }) : () -> ()
      %add3A_360 = arith.constant 2 : i32
      %add3A_361 = arith.addi %add3A_351, %add3A_360 : i32
      %lt3A_362 = arith.constant 80 : i32
      %lt3A_363 = arith.cmpi slt, %add3A_361, %lt3A_362 : i32
      %convert_element_type3A_364 = arith.extui %lt3A_363 : i1 to i32
      %cond3A_365 = arith.constant 0 : i32
      %cond3A_366 = arith.cmpi ne, %convert_element_type3A_364, %cond3A_365 : i32
      scf.if %cond3A_366 {
        %add3A_460 = arith.constant 2 : i32
        %add3A_461 = arith.addi %add3A_351, %add3A_460 : i32
        %dma_start3A_462 = arith.constant 0 : i32
        %dma_start3A_463 = tpu.memref_slice %arg10[%add3A_461, %dma_start3A_462] : memref<80x128xi32, #tpu.memory_space<vmem>> -> memref<1x128xi32, #tpu.memory_space<vmem>>
        %dma_start3A_464 = tpu.memref_squeeze %dma_start3A_463 : memref<1x128xi32, #tpu.memory_space<vmem>> -> memref<128xi32, #tpu.memory_space<vmem>>
        %dma_start3A_465 = arith.constant 0 : i32
        %dma_start3A_466 = arith.constant 0 : i32
        %dma_start3A_467 = tpu.memref_slice %arg2[%dma_start3A_465, %dma_start3A_466] : memref<10112x128xf32, #tpu.memory_space<hbm>> -> memref<10112x128xf32, #tpu.memory_space<hbm>>
        tpu.enqueue_indirect_dma source(%dma_start3A_467 : memref<10112x128xf32, #tpu.memory_space<hbm>>) target(%arg13 : memref<128x128xf32, #tpu.memory_space<vmem>>) offsets(%dma_start3A_464 : memref<128xi32, #tpu.memory_space<vmem>>) semaphore(%arg18 : memref<!tpu.dma_semaphore, #tpu.memory_space<semaphore_mem>>)
      } else {
      }
      %run_scoped3A_367 = arith.constant 1 : i32
      %run_scoped3A_368 = arith.constant 3 : i32
      "tpu.region"() ({
        %run_scoped3A_460 = tpu.sem_alloc : memref<!tpu.dma_semaphore, #tpu.memory_space<semaphore_mem>>
        %dma_start3A_461 = arith.constant 0 : i32
        %dma_start3A_462 = tpu.memref_slice %arg11[%run_scoped3A_367, %run_scoped3A_368, %dma_start3A_461] : memref<2x8x128xi32, #tpu.memory_space<vmem>> -> memref<1x1x128xi32, #tpu.memory_space<vmem>>
        %dma_start3A_463 = tpu.memref_squeeze %dma_start3A_462 : memref<1x1x128xi32, #tpu.memory_space<vmem>> -> memref<128xi32, #tpu.memory_space<vmem>>
        %dma_start3A_464 = arith.constant 0 : i32
        %dma_start3A_465 = tpu.memref_slice %arg5[%dma_start3A_464] : memref<10112xf32, #tpu.memory_space<hbm>> -> memref<10112xf32, #tpu.memory_space<hbm>>
        tpu.enqueue_indirect_dma source(%dma_start3A_465 : memref<10112xf32, #tpu.memory_space<hbm>>) target(%arg14 : memref<128xf32, #tpu.memory_space<vmem>>) offsets(%dma_start3A_463 : memref<128xi32, #tpu.memory_space<vmem>>) semaphore(%run_scoped3A_460 : memref<!tpu.dma_semaphore, #tpu.memory_space<semaphore_mem>>)
        %dma_wait3A_466 = arith.constant 0 : i32
        %dma_wait3A_467 = tpu.memref_slice %arg11[%run_scoped3A_367, %run_scoped3A_368, %dma_wait3A_466] : memref<2x8x128xi32, #tpu.memory_space<vmem>> -> memref<1x1x128xi32, #tpu.memory_space<vmem>>
        %dma_wait3A_468 = tpu.memref_squeeze %dma_wait3A_467 : memref<1x1x128xi32, #tpu.memory_space<vmem>> -> memref<128xi32, #tpu.memory_space<vmem>>
        %dma_wait3A_469 = arith.constant 0 : i32
        %dma_wait3A_470 = tpu.memref_slice %arg5[%dma_wait3A_469] : memref<10112xf32, #tpu.memory_space<hbm>> -> memref<10112xf32, #tpu.memory_space<hbm>>
        tpu.wait_indirect_dma semaphore(%run_scoped3A_460 : memref<!tpu.dma_semaphore, #tpu.memory_space<semaphore_mem>>) src(%dma_wait3A_470 : memref<10112xf32, #tpu.memory_space<hbm>>) dst(%arg14 : memref<128xf32, #tpu.memory_space<vmem>>)
        tpu.yield
      }) : () -> ()
      "tpu.region"() ({
        %run_scoped3A_460 = tpu.sem_alloc : memref<!tpu.dma_semaphore, #tpu.memory_space<semaphore_mem>>
        %dma_start3A_461 = arith.constant 0 : i32
        %dma_start3A_462 = tpu.memref_slice %arg10[%add3A_351, %dma_start3A_461] : memref<80x128xi32, #tpu.memory_space<vmem>> -> memref<1x128xi32, #tpu.memory_space<vmem>>
        %dma_start3A_463 = tpu.memref_squeeze %dma_start3A_462 : memref<1x128xi32, #tpu.memory_space<vmem>> -> memref<128xi32, #tpu.memory_space<vmem>>
        %dma_start3A_464 = arith.constant 0 : i32
        %dma_start3A_465 = tpu.memref_slice %arg16[%dma_start3A_464] : memref<10112xf32, #tpu.memory_space<vmem_shared>> -> memref<10112xf32, #tpu.memory_space<vmem_shared>>
        tpu.enqueue_indirect_dma source(%arg14 : memref<128xf32, #tpu.memory_space<vmem>>) target(%dma_start3A_465 : memref<10112xf32, #tpu.memory_space<vmem_shared>>) offsets(%dma_start3A_463 : memref<128xi32, #tpu.memory_space<vmem>>) semaphore(%run_scoped3A_460 : memref<!tpu.dma_semaphore, #tpu.memory_space<semaphore_mem>>) {add = true}
        %dma_wait3A_466 = arith.constant 0 : i32
        %dma_wait3A_467 = tpu.memref_slice %arg10[%add3A_351, %dma_wait3A_466] : memref<80x128xi32, #tpu.memory_space<vmem>> -> memref<1x128xi32, #tpu.memory_space<vmem>>
        %dma_wait3A_468 = tpu.memref_squeeze %dma_wait3A_467 : memref<1x128xi32, #tpu.memory_space<vmem>> -> memref<128xi32, #tpu.memory_space<vmem>>
        %dma_wait3A_469 = arith.constant 0 : i32
        %dma_wait3A_470 = tpu.memref_slice %arg16[%dma_wait3A_469] : memref<10112xf32, #tpu.memory_space<vmem_shared>> -> memref<10112xf32, #tpu.memory_space<vmem_shared>>
        tpu.wait_indirect_dma semaphore(%run_scoped3A_460 : memref<!tpu.dma_semaphore, #tpu.memory_space<semaphore_mem>>) src(%arg14 : memref<128xf32, #tpu.memory_space<vmem>>) dst(%dma_wait3A_470 : memref<10112xf32, #tpu.memory_space<vmem_shared>>)
        tpu.yield
      }) : () -> ()
      %mul3A_369 = arith.constant 8 : i32
      %mul3A_370 = arith.muli %add3A_267, %mul3A_369 : i32
      %add3A_371 = arith.constant 4 : i32
      %add3A_372 = arith.addi %mul3A_370, %add3A_371 : i32
      %dma_wait3A_373 = arith.constant 0 : i32
      %dma_wait3A_374 = tpu.memref_slice %arg10[%add3A_372, %dma_wait3A_373] : memref<80x128xi32, #tpu.memory_space<vmem>> -> memref<1x128xi32, #tpu.memory_space<vmem>>
      %dma_wait3A_375 = tpu.memref_squeeze %dma_wait3A_374 : memref<1x128xi32, #tpu.memory_space<vmem>> -> memref<128xi32, #tpu.memory_space<vmem>>
      %dma_wait3A_376 = arith.constant 0 : i32
      %dma_wait3A_377 = arith.constant 0 : i32
      %dma_wait3A_378 = tpu.memref_slice %arg2[%dma_wait3A_376, %dma_wait3A_377] : memref<10112x128xf32, #tpu.memory_space<hbm>> -> memref<10112x128xf32, #tpu.memory_space<hbm>>
      tpu.wait_indirect_dma semaphore(%arg17 : memref<!tpu.dma_semaphore, #tpu.memory_space<semaphore_mem>>) src(%dma_wait3A_378 : memref<10112x128xf32, #tpu.memory_space<hbm>>) dst(%arg12 : memref<128x128xf32, #tpu.memory_space<vmem>>)
      %run_scoped3A_379 = arith.constant 1 : i32
      %run_scoped3A_380 = arith.constant 4 : i32
      "tpu.region"() ({
        %run_scoped3A_460 = tpu.sem_alloc : memref<!tpu.dma_semaphore, #tpu.memory_space<semaphore_mem>>
        %dma_start3A_461 = arith.constant 0 : i32
        %dma_start3A_462 = tpu.memref_slice %arg11[%run_scoped3A_379, %run_scoped3A_380, %dma_start3A_461] : memref<2x8x128xi32, #tpu.memory_space<vmem>> -> memref<1x1x128xi32, #tpu.memory_space<vmem>>
        %dma_start3A_463 = tpu.memref_squeeze %dma_start3A_462 : memref<1x1x128xi32, #tpu.memory_space<vmem>> -> memref<128xi32, #tpu.memory_space<vmem>>
        %dma_start3A_464 = arith.constant 0 : i32
        %dma_start3A_465 = arith.constant 0 : i32
        %dma_start3A_466 = tpu.memref_slice %arg15[%dma_start3A_464, %dma_start3A_465] : memref<10112x128xf32, #tpu.memory_space<vmem_shared>> -> memref<10112x128xf32, #tpu.memory_space<vmem_shared>>
        tpu.enqueue_indirect_dma source(%arg12 : memref<128x128xf32, #tpu.memory_space<vmem>>) target(%dma_start3A_466 : memref<10112x128xf32, #tpu.memory_space<vmem_shared>>) offsets(%dma_start3A_463 : memref<128xi32, #tpu.memory_space<vmem>>) semaphore(%run_scoped3A_460 : memref<!tpu.dma_semaphore, #tpu.memory_space<semaphore_mem>>) {add = true}
        %dma_wait3A_467 = arith.constant 0 : i32
        %dma_wait3A_468 = tpu.memref_slice %arg11[%run_scoped3A_379, %run_scoped3A_380, %dma_wait3A_467] : memref<2x8x128xi32, #tpu.memory_space<vmem>> -> memref<1x1x128xi32, #tpu.memory_space<vmem>>
        %dma_wait3A_469 = tpu.memref_squeeze %dma_wait3A_468 : memref<1x1x128xi32, #tpu.memory_space<vmem>> -> memref<128xi32, #tpu.memory_space<vmem>>
        %dma_wait3A_470 = arith.constant 0 : i32
        %dma_wait3A_471 = arith.constant 0 : i32
        %dma_wait3A_472 = tpu.memref_slice %arg15[%dma_wait3A_470, %dma_wait3A_471] : memref<10112x128xf32, #tpu.memory_space<vmem_shared>> -> memref<10112x128xf32, #tpu.memory_space<vmem_shared>>
        tpu.wait_indirect_dma semaphore(%run_scoped3A_460 : memref<!tpu.dma_semaphore, #tpu.memory_space<semaphore_mem>>) src(%arg12 : memref<128x128xf32, #tpu.memory_space<vmem>>) dst(%dma_wait3A_472 : memref<10112x128xf32, #tpu.memory_space<vmem_shared>>)
        tpu.yield
      }) : () -> ()
      %add3A_381 = arith.constant 2 : i32
      %add3A_382 = arith.addi %add3A_372, %add3A_381 : i32
      %lt3A_383 = arith.constant 80 : i32
      %lt3A_384 = arith.cmpi slt, %add3A_382, %lt3A_383 : i32
      %convert_element_type3A_385 = arith.extui %lt3A_384 : i1 to i32
      %cond3A_386 = arith.constant 0 : i32
      %cond3A_387 = arith.cmpi ne, %convert_element_type3A_385, %cond3A_386 : i32
      scf.if %cond3A_387 {
        %add3A_460 = arith.constant 2 : i32
        %add3A_461 = arith.addi %add3A_372, %add3A_460 : i32
        %dma_start3A_462 = arith.constant 0 : i32
        %dma_start3A_463 = tpu.memref_slice %arg10[%add3A_461, %dma_start3A_462] : memref<80x128xi32, #tpu.memory_space<vmem>> -> memref<1x128xi32, #tpu.memory_space<vmem>>
        %dma_start3A_464 = tpu.memref_squeeze %dma_start3A_463 : memref<1x128xi32, #tpu.memory_space<vmem>> -> memref<128xi32, #tpu.memory_space<vmem>>
        %dma_start3A_465 = arith.constant 0 : i32
        %dma_start3A_466 = arith.constant 0 : i32
        %dma_start3A_467 = tpu.memref_slice %arg2[%dma_start3A_465, %dma_start3A_466] : memref<10112x128xf32, #tpu.memory_space<hbm>> -> memref<10112x128xf32, #tpu.memory_space<hbm>>
        tpu.enqueue_indirect_dma source(%dma_start3A_467 : memref<10112x128xf32, #tpu.memory_space<hbm>>) target(%arg12 : memref<128x128xf32, #tpu.memory_space<vmem>>) offsets(%dma_start3A_464 : memref<128xi32, #tpu.memory_space<vmem>>) semaphore(%arg17 : memref<!tpu.dma_semaphore, #tpu.memory_space<semaphore_mem>>)
      } else {
      }
      %run_scoped3A_388 = arith.constant 1 : i32
      %run_scoped3A_389 = arith.constant 4 : i32
      "tpu.region"() ({
        %run_scoped3A_460 = tpu.sem_alloc : memref<!tpu.dma_semaphore, #tpu.memory_space<semaphore_mem>>
        %dma_start3A_461 = arith.constant 0 : i32
        %dma_start3A_462 = tpu.memref_slice %arg11[%run_scoped3A_388, %run_scoped3A_389, %dma_start3A_461] : memref<2x8x128xi32, #tpu.memory_space<vmem>> -> memref<1x1x128xi32, #tpu.memory_space<vmem>>
        %dma_start3A_463 = tpu.memref_squeeze %dma_start3A_462 : memref<1x1x128xi32, #tpu.memory_space<vmem>> -> memref<128xi32, #tpu.memory_space<vmem>>
        %dma_start3A_464 = arith.constant 0 : i32
        %dma_start3A_465 = tpu.memref_slice %arg5[%dma_start3A_464] : memref<10112xf32, #tpu.memory_space<hbm>> -> memref<10112xf32, #tpu.memory_space<hbm>>
        tpu.enqueue_indirect_dma source(%dma_start3A_465 : memref<10112xf32, #tpu.memory_space<hbm>>) target(%arg14 : memref<128xf32, #tpu.memory_space<vmem>>) offsets(%dma_start3A_463 : memref<128xi32, #tpu.memory_space<vmem>>) semaphore(%run_scoped3A_460 : memref<!tpu.dma_semaphore, #tpu.memory_space<semaphore_mem>>)
        %dma_wait3A_466 = arith.constant 0 : i32
        %dma_wait3A_467 = tpu.memref_slice %arg11[%run_scoped3A_388, %run_scoped3A_389, %dma_wait3A_466] : memref<2x8x128xi32, #tpu.memory_space<vmem>> -> memref<1x1x128xi32, #tpu.memory_space<vmem>>
        %dma_wait3A_468 = tpu.memref_squeeze %dma_wait3A_467 : memref<1x1x128xi32, #tpu.memory_space<vmem>> -> memref<128xi32, #tpu.memory_space<vmem>>
        %dma_wait3A_469 = arith.constant 0 : i32
        %dma_wait3A_470 = tpu.memref_slice %arg5[%dma_wait3A_469] : memref<10112xf32, #tpu.memory_space<hbm>> -> memref<10112xf32, #tpu.memory_space<hbm>>
        tpu.wait_indirect_dma semaphore(%run_scoped3A_460 : memref<!tpu.dma_semaphore, #tpu.memory_space<semaphore_mem>>) src(%dma_wait3A_470 : memref<10112xf32, #tpu.memory_space<hbm>>) dst(%arg14 : memref<128xf32, #tpu.memory_space<vmem>>)
        tpu.yield
      }) : () -> ()
      "tpu.region"() ({
        %run_scoped3A_460 = tpu.sem_alloc : memref<!tpu.dma_semaphore, #tpu.memory_space<semaphore_mem>>
        %dma_start3A_461 = arith.constant 0 : i32
        %dma_start3A_462 = tpu.memref_slice %arg10[%add3A_372, %dma_start3A_461] : memref<80x128xi32, #tpu.memory_space<vmem>> -> memref<1x128xi32, #tpu.memory_space<vmem>>
        %dma_start3A_463 = tpu.memref_squeeze %dma_start3A_462 : memref<1x128xi32, #tpu.memory_space<vmem>> -> memref<128xi32, #tpu.memory_space<vmem>>
        %dma_start3A_464 = arith.constant 0 : i32
        %dma_start3A_465 = tpu.memref_slice %arg16[%dma_start3A_464] : memref<10112xf32, #tpu.memory_space<vmem_shared>> -> memref<10112xf32, #tpu.memory_space<vmem_shared>>
        tpu.enqueue_indirect_dma source(%arg14 : memref<128xf32, #tpu.memory_space<vmem>>) target(%dma_start3A_465 : memref<10112xf32, #tpu.memory_space<vmem_shared>>) offsets(%dma_start3A_463 : memref<128xi32, #tpu.memory_space<vmem>>) semaphore(%run_scoped3A_460 : memref<!tpu.dma_semaphore, #tpu.memory_space<semaphore_mem>>) {add = true}
        %dma_wait3A_466 = arith.constant 0 : i32
        %dma_wait3A_467 = tpu.memref_slice %arg10[%add3A_372, %dma_wait3A_466] : memref<80x128xi32, #tpu.memory_space<vmem>> -> memref<1x128xi32, #tpu.memory_space<vmem>>
        %dma_wait3A_468 = tpu.memref_squeeze %dma_wait3A_467 : memref<1x128xi32, #tpu.memory_space<vmem>> -> memref<128xi32, #tpu.memory_space<vmem>>
        %dma_wait3A_469 = arith.constant 0 : i32
        %dma_wait3A_470 = tpu.memref_slice %arg16[%dma_wait3A_469] : memref<10112xf32, #tpu.memory_space<vmem_shared>> -> memref<10112xf32, #tpu.memory_space<vmem_shared>>
        tpu.wait_indirect_dma semaphore(%run_scoped3A_460 : memref<!tpu.dma_semaphore, #tpu.memory_space<semaphore_mem>>) src(%arg14 : memref<128xf32, #tpu.memory_space<vmem>>) dst(%dma_wait3A_470 : memref<10112xf32, #tpu.memory_space<vmem_shared>>)
        tpu.yield
      }) : () -> ()
      %mul3A_390 = arith.constant 8 : i32
      %mul3A_391 = arith.muli %add3A_267, %mul3A_390 : i32
      %add3A_392 = arith.constant 5 : i32
      %add3A_393 = arith.addi %mul3A_391, %add3A_392 : i32
      %dma_wait3A_394 = arith.constant 0 : i32
      %dma_wait3A_395 = tpu.memref_slice %arg10[%add3A_393, %dma_wait3A_394] : memref<80x128xi32, #tpu.memory_space<vmem>> -> memref<1x128xi32, #tpu.memory_space<vmem>>
      %dma_wait3A_396 = tpu.memref_squeeze %dma_wait3A_395 : memref<1x128xi32, #tpu.memory_space<vmem>> -> memref<128xi32, #tpu.memory_space<vmem>>
      %dma_wait3A_397 = arith.constant 0 : i32
      %dma_wait3A_398 = arith.constant 0 : i32
      %dma_wait3A_399 = tpu.memref_slice %arg2[%dma_wait3A_397, %dma_wait3A_398] : memref<10112x128xf32, #tpu.memory_space<hbm>> -> memref<10112x128xf32, #tpu.memory_space<hbm>>
      tpu.wait_indirect_dma semaphore(%arg18 : memref<!tpu.dma_semaphore, #tpu.memory_space<semaphore_mem>>) src(%dma_wait3A_399 : memref<10112x128xf32, #tpu.memory_space<hbm>>) dst(%arg13 : memref<128x128xf32, #tpu.memory_space<vmem>>)
      %run_scoped3A_400 = arith.constant 1 : i32
      %run_scoped3A_401 = arith.constant 5 : i32
      "tpu.region"() ({
        %run_scoped3A_460 = tpu.sem_alloc : memref<!tpu.dma_semaphore, #tpu.memory_space<semaphore_mem>>
        %dma_start3A_461 = arith.constant 0 : i32
        %dma_start3A_462 = tpu.memref_slice %arg11[%run_scoped3A_400, %run_scoped3A_401, %dma_start3A_461] : memref<2x8x128xi32, #tpu.memory_space<vmem>> -> memref<1x1x128xi32, #tpu.memory_space<vmem>>
        %dma_start3A_463 = tpu.memref_squeeze %dma_start3A_462 : memref<1x1x128xi32, #tpu.memory_space<vmem>> -> memref<128xi32, #tpu.memory_space<vmem>>
        %dma_start3A_464 = arith.constant 0 : i32
        %dma_start3A_465 = arith.constant 0 : i32
        %dma_start3A_466 = tpu.memref_slice %arg15[%dma_start3A_464, %dma_start3A_465] : memref<10112x128xf32, #tpu.memory_space<vmem_shared>> -> memref<10112x128xf32, #tpu.memory_space<vmem_shared>>
        tpu.enqueue_indirect_dma source(%arg13 : memref<128x128xf32, #tpu.memory_space<vmem>>) target(%dma_start3A_466 : memref<10112x128xf32, #tpu.memory_space<vmem_shared>>) offsets(%dma_start3A_463 : memref<128xi32, #tpu.memory_space<vmem>>) semaphore(%run_scoped3A_460 : memref<!tpu.dma_semaphore, #tpu.memory_space<semaphore_mem>>) {add = true}
        %dma_wait3A_467 = arith.constant 0 : i32
        %dma_wait3A_468 = tpu.memref_slice %arg11[%run_scoped3A_400, %run_scoped3A_401, %dma_wait3A_467] : memref<2x8x128xi32, #tpu.memory_space<vmem>> -> memref<1x1x128xi32, #tpu.memory_space<vmem>>
        %dma_wait3A_469 = tpu.memref_squeeze %dma_wait3A_468 : memref<1x1x128xi32, #tpu.memory_space<vmem>> -> memref<128xi32, #tpu.memory_space<vmem>>
        %dma_wait3A_470 = arith.constant 0 : i32
        %dma_wait3A_471 = arith.constant 0 : i32
        %dma_wait3A_472 = tpu.memref_slice %arg15[%dma_wait3A_470, %dma_wait3A_471] : memref<10112x128xf32, #tpu.memory_space<vmem_shared>> -> memref<10112x128xf32, #tpu.memory_space<vmem_shared>>
        tpu.wait_indirect_dma semaphore(%run_scoped3A_460 : memref<!tpu.dma_semaphore, #tpu.memory_space<semaphore_mem>>) src(%arg13 : memref<128x128xf32, #tpu.memory_space<vmem>>) dst(%dma_wait3A_472 : memref<10112x128xf32, #tpu.memory_space<vmem_shared>>)
        tpu.yield
      }) : () -> ()
      %add3A_402 = arith.constant 2 : i32
      %add3A_403 = arith.addi %add3A_393, %add3A_402 : i32
      %lt3A_404 = arith.constant 80 : i32
      %lt3A_405 = arith.cmpi slt, %add3A_403, %lt3A_404 : i32
      %convert_element_type3A_406 = arith.extui %lt3A_405 : i1 to i32
      %cond3A_407 = arith.constant 0 : i32
      %cond3A_408 = arith.cmpi ne, %convert_element_type3A_406, %cond3A_407 : i32
      scf.if %cond3A_408 {
        %add3A_460 = arith.constant 2 : i32
        %add3A_461 = arith.addi %add3A_393, %add3A_460 : i32
        %dma_start3A_462 = arith.constant 0 : i32
        %dma_start3A_463 = tpu.memref_slice %arg10[%add3A_461, %dma_start3A_462] : memref<80x128xi32, #tpu.memory_space<vmem>> -> memref<1x128xi32, #tpu.memory_space<vmem>>
        %dma_start3A_464 = tpu.memref_squeeze %dma_start3A_463 : memref<1x128xi32, #tpu.memory_space<vmem>> -> memref<128xi32, #tpu.memory_space<vmem>>
        %dma_start3A_465 = arith.constant 0 : i32
        %dma_start3A_466 = arith.constant 0 : i32
        %dma_start3A_467 = tpu.memref_slice %arg2[%dma_start3A_465, %dma_start3A_466] : memref<10112x128xf32, #tpu.memory_space<hbm>> -> memref<10112x128xf32, #tpu.memory_space<hbm>>
        tpu.enqueue_indirect_dma source(%dma_start3A_467 : memref<10112x128xf32, #tpu.memory_space<hbm>>) target(%arg13 : memref<128x128xf32, #tpu.memory_space<vmem>>) offsets(%dma_start3A_464 : memref<128xi32, #tpu.memory_space<vmem>>) semaphore(%arg18 : memref<!tpu.dma_semaphore, #tpu.memory_space<semaphore_mem>>)
      } else {
      }
      %run_scoped3A_409 = arith.constant 1 : i32
      %run_scoped3A_410 = arith.constant 5 : i32
      "tpu.region"() ({
        %run_scoped3A_460 = tpu.sem_alloc : memref<!tpu.dma_semaphore, #tpu.memory_space<semaphore_mem>>
        %dma_start3A_461 = arith.constant 0 : i32
        %dma_start3A_462 = tpu.memref_slice %arg11[%run_scoped3A_409, %run_scoped3A_410, %dma_start3A_461] : memref<2x8x128xi32, #tpu.memory_space<vmem>> -> memref<1x1x128xi32, #tpu.memory_space<vmem>>
        %dma_start3A_463 = tpu.memref_squeeze %dma_start3A_462 : memref<1x1x128xi32, #tpu.memory_space<vmem>> -> memref<128xi32, #tpu.memory_space<vmem>>
        %dma_start3A_464 = arith.constant 0 : i32
        %dma_start3A_465 = tpu.memref_slice %arg5[%dma_start3A_464] : memref<10112xf32, #tpu.memory_space<hbm>> -> memref<10112xf32, #tpu.memory_space<hbm>>
        tpu.enqueue_indirect_dma source(%dma_start3A_465 : memref<10112xf32, #tpu.memory_space<hbm>>) target(%arg14 : memref<128xf32, #tpu.memory_space<vmem>>) offsets(%dma_start3A_463 : memref<128xi32, #tpu.memory_space<vmem>>) semaphore(%run_scoped3A_460 : memref<!tpu.dma_semaphore, #tpu.memory_space<semaphore_mem>>)
        %dma_wait3A_466 = arith.constant 0 : i32
        %dma_wait3A_467 = tpu.memref_slice %arg11[%run_scoped3A_409, %run_scoped3A_410, %dma_wait3A_466] : memref<2x8x128xi32, #tpu.memory_space<vmem>> -> memref<1x1x128xi32, #tpu.memory_space<vmem>>
        %dma_wait3A_468 = tpu.memref_squeeze %dma_wait3A_467 : memref<1x1x128xi32, #tpu.memory_space<vmem>> -> memref<128xi32, #tpu.memory_space<vmem>>
        %dma_wait3A_469 = arith.constant 0 : i32
        %dma_wait3A_470 = tpu.memref_slice %arg5[%dma_wait3A_469] : memref<10112xf32, #tpu.memory_space<hbm>> -> memref<10112xf32, #tpu.memory_space<hbm>>
        tpu.wait_indirect_dma semaphore(%run_scoped3A_460 : memref<!tpu.dma_semaphore, #tpu.memory_space<semaphore_mem>>) src(%dma_wait3A_470 : memref<10112xf32, #tpu.memory_space<hbm>>) dst(%arg14 : memref<128xf32, #tpu.memory_space<vmem>>)
        tpu.yield
      }) : () -> ()
      "tpu.region"() ({
        %run_scoped3A_460 = tpu.sem_alloc : memref<!tpu.dma_semaphore, #tpu.memory_space<semaphore_mem>>
        %dma_start3A_461 = arith.constant 0 : i32
        %dma_start3A_462 = tpu.memref_slice %arg10[%add3A_393, %dma_start3A_461] : memref<80x128xi32, #tpu.memory_space<vmem>> -> memref<1x128xi32, #tpu.memory_space<vmem>>
        %dma_start3A_463 = tpu.memref_squeeze %dma_start3A_462 : memref<1x128xi32, #tpu.memory_space<vmem>> -> memref<128xi32, #tpu.memory_space<vmem>>
        %dma_start3A_464 = arith.constant 0 : i32
        %dma_start3A_465 = tpu.memref_slice %arg16[%dma_start3A_464] : memref<10112xf32, #tpu.memory_space<vmem_shared>> -> memref<10112xf32, #tpu.memory_space<vmem_shared>>
        tpu.enqueue_indirect_dma source(%arg14 : memref<128xf32, #tpu.memory_space<vmem>>) target(%dma_start3A_465 : memref<10112xf32, #tpu.memory_space<vmem_shared>>) offsets(%dma_start3A_463 : memref<128xi32, #tpu.memory_space<vmem>>) semaphore(%run_scoped3A_460 : memref<!tpu.dma_semaphore, #tpu.memory_space<semaphore_mem>>) {add = true}
        %dma_wait3A_466 = arith.constant 0 : i32
        %dma_wait3A_467 = tpu.memref_slice %arg10[%add3A_393, %dma_wait3A_466] : memref<80x128xi32, #tpu.memory_space<vmem>> -> memref<1x128xi32, #tpu.memory_space<vmem>>
        %dma_wait3A_468 = tpu.memref_squeeze %dma_wait3A_467 : memref<1x128xi32, #tpu.memory_space<vmem>> -> memref<128xi32, #tpu.memory_space<vmem>>
        %dma_wait3A_469 = arith.constant 0 : i32
        %dma_wait3A_470 = tpu.memref_slice %arg16[%dma_wait3A_469] : memref<10112xf32, #tpu.memory_space<vmem_shared>> -> memref<10112xf32, #tpu.memory_space<vmem_shared>>
        tpu.wait_indirect_dma semaphore(%run_scoped3A_460 : memref<!tpu.dma_semaphore, #tpu.memory_space<semaphore_mem>>) src(%arg14 : memref<128xf32, #tpu.memory_space<vmem>>) dst(%dma_wait3A_470 : memref<10112xf32, #tpu.memory_space<vmem_shared>>)
        tpu.yield
      }) : () -> ()
      %mul3A_411 = arith.constant 8 : i32
      %mul3A_412 = arith.muli %add3A_267, %mul3A_411 : i32
      %add3A_413 = arith.constant 6 : i32
      %add3A_414 = arith.addi %mul3A_412, %add3A_413 : i32
      %dma_wait3A_415 = arith.constant 0 : i32
      %dma_wait3A_416 = tpu.memref_slice %arg10[%add3A_414, %dma_wait3A_415] : memref<80x128xi32, #tpu.memory_space<vmem>> -> memref<1x128xi32, #tpu.memory_space<vmem>>
      %dma_wait3A_417 = tpu.memref_squeeze %dma_wait3A_416 : memref<1x128xi32, #tpu.memory_space<vmem>> -> memref<128xi32, #tpu.memory_space<vmem>>
      %dma_wait3A_418 = arith.constant 0 : i32
      %dma_wait3A_419 = arith.constant 0 : i32
      %dma_wait3A_420 = tpu.memref_slice %arg2[%dma_wait3A_418, %dma_wait3A_419] : memref<10112x128xf32, #tpu.memory_space<hbm>> -> memref<10112x128xf32, #tpu.memory_space<hbm>>
      tpu.wait_indirect_dma semaphore(%arg17 : memref<!tpu.dma_semaphore, #tpu.memory_space<semaphore_mem>>) src(%dma_wait3A_420 : memref<10112x128xf32, #tpu.memory_space<hbm>>) dst(%arg12 : memref<128x128xf32, #tpu.memory_space<vmem>>)
      %run_scoped3A_421 = arith.constant 1 : i32
      %run_scoped3A_422 = arith.constant 6 : i32
      "tpu.region"() ({
        %run_scoped3A_460 = tpu.sem_alloc : memref<!tpu.dma_semaphore, #tpu.memory_space<semaphore_mem>>
        %dma_start3A_461 = arith.constant 0 : i32
        %dma_start3A_462 = tpu.memref_slice %arg11[%run_scoped3A_421, %run_scoped3A_422, %dma_start3A_461] : memref<2x8x128xi32, #tpu.memory_space<vmem>> -> memref<1x1x128xi32, #tpu.memory_space<vmem>>
        %dma_start3A_463 = tpu.memref_squeeze %dma_start3A_462 : memref<1x1x128xi32, #tpu.memory_space<vmem>> -> memref<128xi32, #tpu.memory_space<vmem>>
        %dma_start3A_464 = arith.constant 0 : i32
        %dma_start3A_465 = arith.constant 0 : i32
        %dma_start3A_466 = tpu.memref_slice %arg15[%dma_start3A_464, %dma_start3A_465] : memref<10112x128xf32, #tpu.memory_space<vmem_shared>> -> memref<10112x128xf32, #tpu.memory_space<vmem_shared>>
        tpu.enqueue_indirect_dma source(%arg12 : memref<128x128xf32, #tpu.memory_space<vmem>>) target(%dma_start3A_466 : memref<10112x128xf32, #tpu.memory_space<vmem_shared>>) offsets(%dma_start3A_463 : memref<128xi32, #tpu.memory_space<vmem>>) semaphore(%run_scoped3A_460 : memref<!tpu.dma_semaphore, #tpu.memory_space<semaphore_mem>>) {add = true}
        %dma_wait3A_467 = arith.constant 0 : i32
        %dma_wait3A_468 = tpu.memref_slice %arg11[%run_scoped3A_421, %run_scoped3A_422, %dma_wait3A_467] : memref<2x8x128xi32, #tpu.memory_space<vmem>> -> memref<1x1x128xi32, #tpu.memory_space<vmem>>
        %dma_wait3A_469 = tpu.memref_squeeze %dma_wait3A_468 : memref<1x1x128xi32, #tpu.memory_space<vmem>> -> memref<128xi32, #tpu.memory_space<vmem>>
        %dma_wait3A_470 = arith.constant 0 : i32
        %dma_wait3A_471 = arith.constant 0 : i32
        %dma_wait3A_472 = tpu.memref_slice %arg15[%dma_wait3A_470, %dma_wait3A_471] : memref<10112x128xf32, #tpu.memory_space<vmem_shared>> -> memref<10112x128xf32, #tpu.memory_space<vmem_shared>>
        tpu.wait_indirect_dma semaphore(%run_scoped3A_460 : memref<!tpu.dma_semaphore, #tpu.memory_space<semaphore_mem>>) src(%arg12 : memref<128x128xf32, #tpu.memory_space<vmem>>) dst(%dma_wait3A_472 : memref<10112x128xf32, #tpu.memory_space<vmem_shared>>)
        tpu.yield
      }) : () -> ()
      %add3A_423 = arith.constant 2 : i32
      %add3A_424 = arith.addi %add3A_414, %add3A_423 : i32
      %lt3A_425 = arith.constant 80 : i32
      %lt3A_426 = arith.cmpi slt, %add3A_424, %lt3A_425 : i32
      %convert_element_type3A_427 = arith.extui %lt3A_426 : i1 to i32
      %cond3A_428 = arith.constant 0 : i32
      %cond3A_429 = arith.cmpi ne, %convert_element_type3A_427, %cond3A_428 : i32
      scf.if %cond3A_429 {
        %add3A_460 = arith.constant 2 : i32
        %add3A_461 = arith.addi %add3A_414, %add3A_460 : i32
        %dma_start3A_462 = arith.constant 0 : i32
        %dma_start3A_463 = tpu.memref_slice %arg10[%add3A_461, %dma_start3A_462] : memref<80x128xi32, #tpu.memory_space<vmem>> -> memref<1x128xi32, #tpu.memory_space<vmem>>
        %dma_start3A_464 = tpu.memref_squeeze %dma_start3A_463 : memref<1x128xi32, #tpu.memory_space<vmem>> -> memref<128xi32, #tpu.memory_space<vmem>>
        %dma_start3A_465 = arith.constant 0 : i32
        %dma_start3A_466 = arith.constant 0 : i32
        %dma_start3A_467 = tpu.memref_slice %arg2[%dma_start3A_465, %dma_start3A_466] : memref<10112x128xf32, #tpu.memory_space<hbm>> -> memref<10112x128xf32, #tpu.memory_space<hbm>>
        tpu.enqueue_indirect_dma source(%dma_start3A_467 : memref<10112x128xf32, #tpu.memory_space<hbm>>) target(%arg12 : memref<128x128xf32, #tpu.memory_space<vmem>>) offsets(%dma_start3A_464 : memref<128xi32, #tpu.memory_space<vmem>>) semaphore(%arg17 : memref<!tpu.dma_semaphore, #tpu.memory_space<semaphore_mem>>)
      } else {
      }
      %run_scoped3A_430 = arith.constant 1 : i32
      %run_scoped3A_431 = arith.constant 6 : i32
      "tpu.region"() ({
        %run_scoped3A_460 = tpu.sem_alloc : memref<!tpu.dma_semaphore, #tpu.memory_space<semaphore_mem>>
        %dma_start3A_461 = arith.constant 0 : i32
        %dma_start3A_462 = tpu.memref_slice %arg11[%run_scoped3A_430, %run_scoped3A_431, %dma_start3A_461] : memref<2x8x128xi32, #tpu.memory_space<vmem>> -> memref<1x1x128xi32, #tpu.memory_space<vmem>>
        %dma_start3A_463 = tpu.memref_squeeze %dma_start3A_462 : memref<1x1x128xi32, #tpu.memory_space<vmem>> -> memref<128xi32, #tpu.memory_space<vmem>>
        %dma_start3A_464 = arith.constant 0 : i32
        %dma_start3A_465 = tpu.memref_slice %arg5[%dma_start3A_464] : memref<10112xf32, #tpu.memory_space<hbm>> -> memref<10112xf32, #tpu.memory_space<hbm>>
        tpu.enqueue_indirect_dma source(%dma_start3A_465 : memref<10112xf32, #tpu.memory_space<hbm>>) target(%arg14 : memref<128xf32, #tpu.memory_space<vmem>>) offsets(%dma_start3A_463 : memref<128xi32, #tpu.memory_space<vmem>>) semaphore(%run_scoped3A_460 : memref<!tpu.dma_semaphore, #tpu.memory_space<semaphore_mem>>)
        %dma_wait3A_466 = arith.constant 0 : i32
        %dma_wait3A_467 = tpu.memref_slice %arg11[%run_scoped3A_430, %run_scoped3A_431, %dma_wait3A_466] : memref<2x8x128xi32, #tpu.memory_space<vmem>> -> memref<1x1x128xi32, #tpu.memory_space<vmem>>
        %dma_wait3A_468 = tpu.memref_squeeze %dma_wait3A_467 : memref<1x1x128xi32, #tpu.memory_space<vmem>> -> memref<128xi32, #tpu.memory_space<vmem>>
        %dma_wait3A_469 = arith.constant 0 : i32
        %dma_wait3A_470 = tpu.memref_slice %arg5[%dma_wait3A_469] : memref<10112xf32, #tpu.memory_space<hbm>> -> memref<10112xf32, #tpu.memory_space<hbm>>
        tpu.wait_indirect_dma semaphore(%run_scoped3A_460 : memref<!tpu.dma_semaphore, #tpu.memory_space<semaphore_mem>>) src(%dma_wait3A_470 : memref<10112xf32, #tpu.memory_space<hbm>>) dst(%arg14 : memref<128xf32, #tpu.memory_space<vmem>>)
        tpu.yield
      }) : () -> ()
      "tpu.region"() ({
        %run_scoped3A_460 = tpu.sem_alloc : memref<!tpu.dma_semaphore, #tpu.memory_space<semaphore_mem>>
        %dma_start3A_461 = arith.constant 0 : i32
        %dma_start3A_462 = tpu.memref_slice %arg10[%add3A_414, %dma_start3A_461] : memref<80x128xi32, #tpu.memory_space<vmem>> -> memref<1x128xi32, #tpu.memory_space<vmem>>
        %dma_start3A_463 = tpu.memref_squeeze %dma_start3A_462 : memref<1x128xi32, #tpu.memory_space<vmem>> -> memref<128xi32, #tpu.memory_space<vmem>>
        %dma_start3A_464 = arith.constant 0 : i32
        %dma_start3A_465 = tpu.memref_slice %arg16[%dma_start3A_464] : memref<10112xf32, #tpu.memory_space<vmem_shared>> -> memref<10112xf32, #tpu.memory_space<vmem_shared>>
        tpu.enqueue_indirect_dma source(%arg14 : memref<128xf32, #tpu.memory_space<vmem>>) target(%dma_start3A_465 : memref<10112xf32, #tpu.memory_space<vmem_shared>>) offsets(%dma_start3A_463 : memref<128xi32, #tpu.memory_space<vmem>>) semaphore(%run_scoped3A_460 : memref<!tpu.dma_semaphore, #tpu.memory_space<semaphore_mem>>) {add = true}
        %dma_wait3A_466 = arith.constant 0 : i32
        %dma_wait3A_467 = tpu.memref_slice %arg10[%add3A_414, %dma_wait3A_466] : memref<80x128xi32, #tpu.memory_space<vmem>> -> memref<1x128xi32, #tpu.memory_space<vmem>>
        %dma_wait3A_468 = tpu.memref_squeeze %dma_wait3A_467 : memref<1x128xi32, #tpu.memory_space<vmem>> -> memref<128xi32, #tpu.memory_space<vmem>>
        %dma_wait3A_469 = arith.constant 0 : i32
        %dma_wait3A_470 = tpu.memref_slice %arg16[%dma_wait3A_469] : memref<10112xf32, #tpu.memory_space<vmem_shared>> -> memref<10112xf32, #tpu.memory_space<vmem_shared>>
        tpu.wait_indirect_dma semaphore(%run_scoped3A_460 : memref<!tpu.dma_semaphore, #tpu.memory_space<semaphore_mem>>) src(%arg14 : memref<128xf32, #tpu.memory_space<vmem>>) dst(%dma_wait3A_470 : memref<10112xf32, #tpu.memory_space<vmem_shared>>)
        tpu.yield
      }) : () -> ()
      %mul3A_432 = arith.constant 8 : i32
      %mul3A_433 = arith.muli %add3A_267, %mul3A_432 : i32
      %add3A_434 = arith.constant 7 : i32
      %add3A_435 = arith.addi %mul3A_433, %add3A_434 : i32
      %dma_wait3A_436 = arith.constant 0 : i32
      %dma_wait3A_437 = tpu.memref_slice %arg10[%add3A_435, %dma_wait3A_436] : memref<80x128xi32, #tpu.memory_space<vmem>> -> memref<1x128xi32, #tpu.memory_space<vmem>>
      %dma_wait3A_438 = tpu.memref_squeeze %dma_wait3A_437 : memref<1x128xi32, #tpu.memory_space<vmem>> -> memref<128xi32, #tpu.memory_space<vmem>>
      %dma_wait3A_439 = arith.constant 0 : i32
      %dma_wait3A_440 = arith.constant 0 : i32
      %dma_wait3A_441 = tpu.memref_slice %arg2[%dma_wait3A_439, %dma_wait3A_440] : memref<10112x128xf32, #tpu.memory_space<hbm>> -> memref<10112x128xf32, #tpu.memory_space<hbm>>
      tpu.wait_indirect_dma semaphore(%arg18 : memref<!tpu.dma_semaphore, #tpu.memory_space<semaphore_mem>>) src(%dma_wait3A_441 : memref<10112x128xf32, #tpu.memory_space<hbm>>) dst(%arg13 : memref<128x128xf32, #tpu.memory_space<vmem>>)
      %run_scoped3A_442 = arith.constant 1 : i32
      %run_scoped3A_443 = arith.constant 7 : i32
      "tpu.region"() ({
        %run_scoped3A_460 = tpu.sem_alloc : memref<!tpu.dma_semaphore, #tpu.memory_space<semaphore_mem>>
        %dma_start3A_461 = arith.constant 0 : i32
        %dma_start3A_462 = tpu.memref_slice %arg11[%run_scoped3A_442, %run_scoped3A_443, %dma_start3A_461] : memref<2x8x128xi32, #tpu.memory_space<vmem>> -> memref<1x1x128xi32, #tpu.memory_space<vmem>>
        %dma_start3A_463 = tpu.memref_squeeze %dma_start3A_462 : memref<1x1x128xi32, #tpu.memory_space<vmem>> -> memref<128xi32, #tpu.memory_space<vmem>>
        %dma_start3A_464 = arith.constant 0 : i32
        %dma_start3A_465 = arith.constant 0 : i32
        %dma_start3A_466 = tpu.memref_slice %arg15[%dma_start3A_464, %dma_start3A_465] : memref<10112x128xf32, #tpu.memory_space<vmem_shared>> -> memref<10112x128xf32, #tpu.memory_space<vmem_shared>>
        tpu.enqueue_indirect_dma source(%arg13 : memref<128x128xf32, #tpu.memory_space<vmem>>) target(%dma_start3A_466 : memref<10112x128xf32, #tpu.memory_space<vmem_shared>>) offsets(%dma_start3A_463 : memref<128xi32, #tpu.memory_space<vmem>>) semaphore(%run_scoped3A_460 : memref<!tpu.dma_semaphore, #tpu.memory_space<semaphore_mem>>) {add = true}
        %dma_wait3A_467 = arith.constant 0 : i32
        %dma_wait3A_468 = tpu.memref_slice %arg11[%run_scoped3A_442, %run_scoped3A_443, %dma_wait3A_467] : memref<2x8x128xi32, #tpu.memory_space<vmem>> -> memref<1x1x128xi32, #tpu.memory_space<vmem>>
        %dma_wait3A_469 = tpu.memref_squeeze %dma_wait3A_468 : memref<1x1x128xi32, #tpu.memory_space<vmem>> -> memref<128xi32, #tpu.memory_space<vmem>>
        %dma_wait3A_470 = arith.constant 0 : i32
        %dma_wait3A_471 = arith.constant 0 : i32
        %dma_wait3A_472 = tpu.memref_slice %arg15[%dma_wait3A_470, %dma_wait3A_471] : memref<10112x128xf32, #tpu.memory_space<vmem_shared>> -> memref<10112x128xf32, #tpu.memory_space<vmem_shared>>
        tpu.wait_indirect_dma semaphore(%run_scoped3A_460 : memref<!tpu.dma_semaphore, #tpu.memory_space<semaphore_mem>>) src(%arg13 : memref<128x128xf32, #tpu.memory_space<vmem>>) dst(%dma_wait3A_472 : memref<10112x128xf32, #tpu.memory_space<vmem_shared>>)
        tpu.yield
      }) : () -> ()
      %add3A_444 = arith.constant 2 : i32
      %add3A_445 = arith.addi %add3A_435, %add3A_444 : i32
      %lt3A_446 = arith.constant 80 : i32
      %lt3A_447 = arith.cmpi slt, %add3A_445, %lt3A_446 : i32
      %convert_element_type3A_448 = arith.extui %lt3A_447 : i1 to i32
      %cond3A_449 = arith.constant 0 : i32
      %cond3A_450 = arith.cmpi ne, %convert_element_type3A_448, %cond3A_449 : i32
      scf.if %cond3A_450 {
        %add3A_460 = arith.constant 2 : i32
        %add3A_461 = arith.addi %add3A_435, %add3A_460 : i32
        %dma_start3A_462 = arith.constant 0 : i32
        %dma_start3A_463 = tpu.memref_slice %arg10[%add3A_461, %dma_start3A_462] : memref<80x128xi32, #tpu.memory_space<vmem>> -> memref<1x128xi32, #tpu.memory_space<vmem>>
        %dma_start3A_464 = tpu.memref_squeeze %dma_start3A_463 : memref<1x128xi32, #tpu.memory_space<vmem>> -> memref<128xi32, #tpu.memory_space<vmem>>
        %dma_start3A_465 = arith.constant 0 : i32
        %dma_start3A_466 = arith.constant 0 : i32
        %dma_start3A_467 = tpu.memref_slice %arg2[%dma_start3A_465, %dma_start3A_466] : memref<10112x128xf32, #tpu.memory_space<hbm>> -> memref<10112x128xf32, #tpu.memory_space<hbm>>
        tpu.enqueue_indirect_dma source(%dma_start3A_467 : memref<10112x128xf32, #tpu.memory_space<hbm>>) target(%arg13 : memref<128x128xf32, #tpu.memory_space<vmem>>) offsets(%dma_start3A_464 : memref<128xi32, #tpu.memory_space<vmem>>) semaphore(%arg18 : memref<!tpu.dma_semaphore, #tpu.memory_space<semaphore_mem>>)
      } else {
      }
      %run_scoped3A_451 = arith.constant 1 : i32
      %run_scoped3A_452 = arith.constant 7 : i32
      "tpu.region"() ({
        %run_scoped3A_460 = tpu.sem_alloc : memref<!tpu.dma_semaphore, #tpu.memory_space<semaphore_mem>>
        %dma_start3A_461 = arith.constant 0 : i32
        %dma_start3A_462 = tpu.memref_slice %arg11[%run_scoped3A_451, %run_scoped3A_452, %dma_start3A_461] : memref<2x8x128xi32, #tpu.memory_space<vmem>> -> memref<1x1x128xi32, #tpu.memory_space<vmem>>
        %dma_start3A_463 = tpu.memref_squeeze %dma_start3A_462 : memref<1x1x128xi32, #tpu.memory_space<vmem>> -> memref<128xi32, #tpu.memory_space<vmem>>
        %dma_start3A_464 = arith.constant 0 : i32
        %dma_start3A_465 = tpu.memref_slice %arg5[%dma_start3A_464] : memref<10112xf32, #tpu.memory_space<hbm>> -> memref<10112xf32, #tpu.memory_space<hbm>>
        tpu.enqueue_indirect_dma source(%dma_start3A_465 : memref<10112xf32, #tpu.memory_space<hbm>>) target(%arg14 : memref<128xf32, #tpu.memory_space<vmem>>) offsets(%dma_start3A_463 : memref<128xi32, #tpu.memory_space<vmem>>) semaphore(%run_scoped3A_460 : memref<!tpu.dma_semaphore, #tpu.memory_space<semaphore_mem>>)
        %dma_wait3A_466 = arith.constant 0 : i32
        %dma_wait3A_467 = tpu.memref_slice %arg11[%run_scoped3A_451, %run_scoped3A_452, %dma_wait3A_466] : memref<2x8x128xi32, #tpu.memory_space<vmem>> -> memref<1x1x128xi32, #tpu.memory_space<vmem>>
        %dma_wait3A_468 = tpu.memref_squeeze %dma_wait3A_467 : memref<1x1x128xi32, #tpu.memory_space<vmem>> -> memref<128xi32, #tpu.memory_space<vmem>>
        %dma_wait3A_469 = arith.constant 0 : i32
        %dma_wait3A_470 = tpu.memref_slice %arg5[%dma_wait3A_469] : memref<10112xf32, #tpu.memory_space<hbm>> -> memref<10112xf32, #tpu.memory_space<hbm>>
        tpu.wait_indirect_dma semaphore(%run_scoped3A_460 : memref<!tpu.dma_semaphore, #tpu.memory_space<semaphore_mem>>) src(%dma_wait3A_470 : memref<10112xf32, #tpu.memory_space<hbm>>) dst(%arg14 : memref<128xf32, #tpu.memory_space<vmem>>)
        tpu.yield
      }) : () -> ()
      "tpu.region"() ({
        %run_scoped3A_460 = tpu.sem_alloc : memref<!tpu.dma_semaphore, #tpu.memory_space<semaphore_mem>>
        %dma_start3A_461 = arith.constant 0 : i32
        %dma_start3A_462 = tpu.memref_slice %arg10[%add3A_435, %dma_start3A_461] : memref<80x128xi32, #tpu.memory_space<vmem>> -> memref<1x128xi32, #tpu.memory_space<vmem>>
        %dma_start3A_463 = tpu.memref_squeeze %dma_start3A_462 : memref<1x128xi32, #tpu.memory_space<vmem>> -> memref<128xi32, #tpu.memory_space<vmem>>
        %dma_start3A_464 = arith.constant 0 : i32
        %dma_start3A_465 = tpu.memref_slice %arg16[%dma_start3A_464] : memref<10112xf32, #tpu.memory_space<vmem_shared>> -> memref<10112xf32, #tpu.memory_space<vmem_shared>>
        tpu.enqueue_indirect_dma source(%arg14 : memref<128xf32, #tpu.memory_space<vmem>>) target(%dma_start3A_465 : memref<10112xf32, #tpu.memory_space<vmem_shared>>) offsets(%dma_start3A_463 : memref<128xi32, #tpu.memory_space<vmem>>) semaphore(%run_scoped3A_460 : memref<!tpu.dma_semaphore, #tpu.memory_space<semaphore_mem>>) {add = true}
        %dma_wait3A_466 = arith.constant 0 : i32
        %dma_wait3A_467 = tpu.memref_slice %arg10[%add3A_435, %dma_wait3A_466] : memref<80x128xi32, #tpu.memory_space<vmem>> -> memref<1x128xi32, #tpu.memory_space<vmem>>
        %dma_wait3A_468 = tpu.memref_squeeze %dma_wait3A_467 : memref<1x128xi32, #tpu.memory_space<vmem>> -> memref<128xi32, #tpu.memory_space<vmem>>
        %dma_wait3A_469 = arith.constant 0 : i32
        %dma_wait3A_470 = tpu.memref_slice %arg16[%dma_wait3A_469] : memref<10112xf32, #tpu.memory_space<vmem_shared>> -> memref<10112xf32, #tpu.memory_space<vmem_shared>>
        tpu.wait_indirect_dma semaphore(%run_scoped3A_460 : memref<!tpu.dma_semaphore, #tpu.memory_space<semaphore_mem>>) src(%arg14 : memref<128xf32, #tpu.memory_space<vmem>>) dst(%dma_wait3A_470 : memref<10112xf32, #tpu.memory_space<vmem_shared>>)
        tpu.yield
      }) : () -> ()
      %add3A_453 = arith.constant 2 : i32
      %add3A_454 = arith.addi %add3A_267, %add3A_453 : i32
      %lt3A_455 = arith.constant 10 : i32
      %lt3A_456 = arith.cmpi slt, %add3A_454, %lt3A_455 : i32
      %convert_element_type3A_457 = arith.extui %lt3A_456 : i1 to i32
      %cond3A_458 = arith.constant 0 : i32
      %cond3A_459 = arith.cmpi ne, %convert_element_type3A_457, %cond3A_458 : i32
      scf.if %cond3A_459 {
        %add3A_460 = arith.constant 2 : i32
        %add3A_461 = arith.addi %add3A_267, %add3A_460 : i32
        %dma_start3A_462 = arith.constant 1 : i32
        %dma_start3A_463 = arith.constant 0 : i32
        %dma_start3A_464 = arith.constant 0 : i32
        %dma_start3A_465 = tpu.memref_slice %arg11[%dma_start3A_462, %dma_start3A_463, %dma_start3A_464] : memref<2x8x128xi32, #tpu.memory_space<vmem>> -> memref<1x8x128xi32, #tpu.memory_space<vmem>>
        %dma_start3A_466 = tpu.memref_squeeze %dma_start3A_465 : memref<1x8x128xi32, #tpu.memory_space<vmem>> -> memref<8x128xi32, #tpu.memory_space<vmem>>
        %dma_start3A_467 = arith.constant 0 : i32
        %dma_start3A_468 = arith.constant 0 : i32
        %dma_start3A_469 = tpu.memref_slice %arg4[%add3A, %add3A_461, %dma_start3A_467, %dma_start3A_468] : memref<32x10x8x128xi32, #tpu.memory_space<hbm>> -> memref<1x1x8x128xi32, #tpu.memory_space<hbm>>
        %dma_start3A_470 = tpu.memref_squeeze %dma_start3A_469 : memref<1x1x8x128xi32, #tpu.memory_space<hbm>> -> memref<8x128xi32, #tpu.memory_space<hbm>>
        %dma_start3A_471 = arith.constant 0 : i32
        %dma_start3A_472 = arith.constant 0 : i32
        %dma_start3A_473 = tpu.memref_slice %arg11[%dma_start3A_462, %dma_start3A_471, %dma_start3A_472] : memref<2x8x128xi32, #tpu.memory_space<vmem>> -> memref<1x8x128xi32, #tpu.memory_space<vmem>>
        %dma_start3A_474 = tpu.memref_squeeze %dma_start3A_473 : memref<1x8x128xi32, #tpu.memory_space<vmem>> -> memref<8x128xi32, #tpu.memory_space<vmem>>
        %dma_start3A_475 = arith.constant 0 : i32
        %dma_start3A_476 = arith.constant 0 : i32
        %dma_start3A_477 = tpu.memref_slice %arg4[%add3A, %add3A_461, %dma_start3A_475, %dma_start3A_476] : memref<32x10x8x128xi32, #tpu.memory_space<hbm>> -> memref<1x1x8x128xi32, #tpu.memory_space<hbm>>
        %dma_start3A_478 = tpu.memref_squeeze %dma_start3A_477 : memref<1x1x8x128xi32, #tpu.memory_space<hbm>> -> memref<8x128xi32, #tpu.memory_space<hbm>>
        tpu.enqueue_dma source(%dma_start3A_478 : memref<8x128xi32, #tpu.memory_space<hbm>>) target(%dma_start3A_474 : memref<8x128xi32, #tpu.memory_space<vmem>>) target_semaphore(%arg20 : memref<!tpu.dma_semaphore, #tpu.memory_space<semaphore_mem>>)
      } else {
      }
    }
    %scan3A_59 = arith.constant 5 : i32
    %barrier3A_60 = arith.constant 0 : index
    tpu.barrier barrier_id(%barrier3A_60)
    %mul3A_61 = arith.constant 632 : i32
    %mul3A_62 = arith.muli %arg1, %mul3A_61 : i32
    %mul3A_63 = arith.constant 632 : i32
    %mul3A_64 = arith.muli %arg1, %mul3A_63 : i32
    "tpu.region"() ({
      %run_scoped3A = tpu.sem_alloc : memref<!tpu.dma_semaphore, #tpu.memory_space<semaphore_mem>>
      %dma_start3A_70 = arith.constant 0 : i32
      %dma_start3A_71 = tpu.memref_slice %arg8[%arg0, %mul3A_64, %dma_start3A_70] : memref<2x10112x128xf32, #tpu.memory_space<hbm>> -> memref<1x632x128xf32, #tpu.memory_space<hbm>>
      %dma_start3A_72 = tpu.memref_squeeze %dma_start3A_71 : memref<1x632x128xf32, #tpu.memory_space<hbm>> -> memref<632x128xf32, #tpu.memory_space<hbm>>
      %dma_start3A_73 = arith.constant 0 : i32
      %dma_start3A_74 = tpu.memref_slice %arg15[%mul3A_62, %dma_start3A_73] : memref<10112x128xf32, #tpu.memory_space<vmem_shared>> -> memref<632x128xf32, #tpu.memory_space<vmem_shared>>
      tpu.enqueue_dma source(%dma_start3A_74 : memref<632x128xf32, #tpu.memory_space<vmem_shared>>) target(%dma_start3A_72 : memref<632x128xf32, #tpu.memory_space<hbm>>) target_semaphore(%run_scoped3A : memref<!tpu.dma_semaphore, #tpu.memory_space<semaphore_mem>>)
      %dma_wait3A = arith.constant 0 : i32
      %dma_wait3A_75 = tpu.memref_slice %arg8[%arg0, %mul3A_64, %dma_wait3A] : memref<2x10112x128xf32, #tpu.memory_space<hbm>> -> memref<1x632x128xf32, #tpu.memory_space<hbm>>
      %dma_wait3A_76 = tpu.memref_squeeze %dma_wait3A_75 : memref<1x632x128xf32, #tpu.memory_space<hbm>> -> memref<632x128xf32, #tpu.memory_space<hbm>>
      %dma_wait3A_77 = arith.constant 0 : i32
      %dma_wait3A_78 = tpu.memref_slice %arg15[%mul3A_62, %dma_wait3A_77] : memref<10112x128xf32, #tpu.memory_space<vmem_shared>> -> memref<632x128xf32, #tpu.memory_space<vmem_shared>>
      tpu.wait_dma2 semaphore(%run_scoped3A : memref<!tpu.dma_semaphore, #tpu.memory_space<semaphore_mem>>) src(%dma_wait3A_78 : memref<632x128xf32, #tpu.memory_space<vmem_shared>>) dst(%dma_wait3A_76 : memref<632x128xf32, #tpu.memory_space<hbm>>)
      tpu.yield
    }) : () -> ()
    %eq3A_65 = arith.constant 0 : i32
    %eq3A_66 = arith.cmpi eq, %arg1, %eq3A_65 : i32
    %convert_element_type3A_67 = arith.extui %eq3A_66 : i1 to i32
    %cond3A_68 = arith.constant 0 : i32
    %cond3A_69 = arith.cmpi ne, %convert_element_type3A_67, %cond3A_68 : i32
    scf.if %cond3A_69 {
      "tpu.region"() ({
        %run_scoped3A = tpu.sem_alloc : memref<!tpu.dma_semaphore, #tpu.memory_space<semaphore_mem>>
        %dma_start3A_70 = arith.constant 0 : i32
        %dma_start3A_71 = tpu.memref_slice %arg9[%arg0, %dma_start3A_70] : memref<2x10112xf32, #tpu.memory_space<hbm>> -> memref<1x10112xf32, #tpu.memory_space<hbm>>
        %dma_start3A_72 = tpu.memref_squeeze %dma_start3A_71 : memref<1x10112xf32, #tpu.memory_space<hbm>> -> memref<10112xf32, #tpu.memory_space<hbm>>
        tpu.enqueue_dma source(%arg16 : memref<10112xf32, #tpu.memory_space<vmem_shared>>) target(%dma_start3A_72 : memref<10112xf32, #tpu.memory_space<hbm>>) target_semaphore(%run_scoped3A : memref<!tpu.dma_semaphore, #tpu.memory_space<semaphore_mem>>)
        %dma_wait3A = arith.constant 0 : i32
        %dma_wait3A_73 = tpu.memref_slice %arg9[%arg0, %dma_wait3A] : memref<2x10112xf32, #tpu.memory_space<hbm>> -> memref<1x10112xf32, #tpu.memory_space<hbm>>
        %dma_wait3A_74 = tpu.memref_squeeze %dma_wait3A_73 : memref<1x10112xf32, #tpu.memory_space<hbm>> -> memref<10112xf32, #tpu.memory_space<hbm>>
        tpu.wait_dma2 semaphore(%run_scoped3A : memref<!tpu.dma_semaphore, #tpu.memory_space<semaphore_mem>>) src(%arg16 : memref<10112xf32, #tpu.memory_space<vmem_shared>>) dst(%dma_wait3A_74 : memref<10112xf32, #tpu.memory_space<hbm>>)
        tpu.yield
      }) : () -> ()
    } else {
    }
    return
  }
}

module attributes {stable_mosaic.version = 14 : i64} {
  func.func @_tc_prep_body(%arg0: memref<10000x128xf32, #tpu.memory_space<vmem>>, %arg1: memref<128x128xf32, #tpu.memory_space<vmem>>, %arg2: memref<32x2x10112xf32, #tpu.memory_space<vmem>>, %arg3: memref<10112x128xf32, #tpu.memory_space<vmem>>, %arg4: memref<1x10112xf32, #tpu.memory_space<vmem>>, %arg5: memref<1x10112xf32, #tpu.memory_space<vmem>>) attributes {dimension_semantics = [], scalar_prefetch = 0 : i64, scratch_operands = 0 : i64, tpu.core_type = #tpu.core_type<tc>} {
    %get3A = arith.constant 0 : index
    %get3A_0 = arith.constant 0 : index
    %get3A_1 = arith.constant 0 : index
    %get3A_2 = vector.load %arg2[%get3A, %get3A_0, %get3A_1] : memref<32x2x10112xf32, #tpu.memory_space<vmem>>, vector<32x2x10112xf32>
    %reduce_sum3A = arith.constant dense<0.000000e+00> : vector<2x10112xf32>
    %reduce_sum3A_3 = vector.multi_reduction <add>, %get3A_2, %reduce_sum3A [0] : vector<32x2x10112xf32> to vector<2x10112xf32>
    %slice3A = vector.extract_strided_slice %reduce_sum3A_3 {offsets = [0, 0], sizes = [1, 10112], strides = [1, 1]} : vector<2x10112xf32> to vector<1x10112xf32>
    %squeeze3A = vector.shape_cast %slice3A : vector<1x10112xf32> to vector<10112xf32>
    %max3A = arith.constant 1.000000e+00 : f32
    %max3A_4 = vector.broadcast %max3A : f32 to vector<10112xf32>
    %max3A_5 = arith.maximumf %squeeze3A, %max3A_4 : vector<10112xf32>
    %rsqrt3A = math.rsqrt %max3A_5 : vector<10112xf32>
    %slice3A_6 = vector.extract_strided_slice %reduce_sum3A_3 {offsets = [1, 0], sizes = [1, 10112], strides = [1, 1]} : vector<2x10112xf32> to vector<1x10112xf32>
    %squeeze3A_7 = vector.shape_cast %slice3A_6 : vector<1x10112xf32> to vector<10112xf32>
    %max3A_8 = arith.constant 1.000000e+00 : f32
    %max3A_9 = vector.broadcast %max3A_8 : f32 to vector<10112xf32>
    %max3A_10 = arith.maximumf %squeeze3A_7, %max3A_9 : vector<10112xf32>
    %rsqrt3A_11 = math.rsqrt %max3A_10 : vector<10112xf32>
    %swap3A = arith.constant 0 : index
    %swap3A_12 = arith.constant 0 : index
    %swap3A_13 = vector.load %arg4[%swap3A, %swap3A_12] : memref<1x10112xf32, #tpu.memory_space<vmem>>, vector<1x10112xf32>
    %swap3A_14 = vector.shape_cast %swap3A_13 : vector<1x10112xf32> to vector<10112xf32>
    %swap3A_15 = vector.shape_cast %rsqrt3A : vector<10112xf32> to vector<1x10112xf32>
    tpu.vector_store %arg4[%swap3A, %swap3A_12], %swap3A_15 {strides = array<i32>} : memref<1x10112xf32, #tpu.memory_space<vmem>>, vector<1x10112xf32>,
    %swap3A_16 = arith.constant 0 : index
    %swap3A_17 = arith.constant 0 : index
    %swap3A_18 = vector.load %arg5[%swap3A_16, %swap3A_17] : memref<1x10112xf32, #tpu.memory_space<vmem>>, vector<1x10112xf32>
    %swap3A_19 = vector.shape_cast %swap3A_18 : vector<1x10112xf32> to vector<10112xf32>
    %swap3A_20 = vector.shape_cast %rsqrt3A_11 : vector<10112xf32> to vector<1x10112xf32>
    tpu.vector_store %arg5[%swap3A_16, %swap3A_17], %swap3A_20 {strides = array<i32>} : memref<1x10112xf32, #tpu.memory_space<vmem>>, vector<1x10112xf32>,
    %get3A_21 = arith.constant 0 : index
    %get3A_22 = arith.constant 0 : index
    %get3A_23 = vector.load %arg0[%get3A_21, %get3A_22] : memref<10000x128xf32, #tpu.memory_space<vmem>>, vector<10000x128xf32>
    %get3A_24 = arith.constant 0 : index
    %get3A_25 = arith.constant 0 : index
    %get3A_26 = vector.load %arg1[%get3A_24, %get3A_25] : memref<128x128xf32, #tpu.memory_space<vmem>>, vector<128x128xf32>
    %dot_general3A = arith.constant dense<0.000000e+00> : vector<10000x128xf32>
    %dot_general3A_27 = tpu.matmul %get3A_23, %get3A_26, %dot_general3A {dimension_numbers = #tpu.dot_dimension_numbers<[1], [0], [0], [1], [0, 0, 1, 1], [], []>, transpose_lhs_hint = false} : vector<10000x128xf32>, vector<128x128xf32>, vector<10000x128xf32> -> vector<10000x128xf32>
    %slice3A_28 = vector.extract_strided_slice %rsqrt3A {offsets = [0], sizes = [10000], strides = [1]} : vector<10112xf32> to vector<10000xf32>
    %broadcast_in_dim3A = vector.shape_cast %slice3A_28 : vector<10000xf32> to vector<10000x1xf32>
    %mul3A = vector.broadcast %broadcast_in_dim3A : vector<10000x1xf32> to vector<10000x128xf32>
    %mul3A_29 = arith.mulf %dot_general3A_27, %mul3A : vector<10000x128xf32>
    %swap3A_30 = arith.constant 0 : index
    %swap3A_31 = arith.constant 0 : index
    %swap3A_32 = vector.load %arg3[%swap3A_30, %swap3A_31] : memref<10112x128xf32, #tpu.memory_space<vmem>>, vector<10000x128xf32>
    tpu.vector_store %arg3[%swap3A_30, %swap3A_31], %mul3A_29 {strides = array<i32>} : memref<10112x128xf32, #tpu.memory_space<vmem>>, vector<10000x128xf32>,
    %broadcast_in_dim3A_33 = arith.constant 0.000000e+00 : f32
    %broadcast_in_dim3A_34 = vector.broadcast %broadcast_in_dim3A_33 : f32 to vector<112x128xf32>
    %swap3A_35 = arith.constant 10000 : index
    %swap3A_36 = arith.constant 0 : index
    %swap3A_37 = vector.load %arg3[%swap3A_35, %swap3A_36] : memref<10112x128xf32, #tpu.memory_space<vmem>>, vector<112x128xf32>
    tpu.vector_store %arg3[%swap3A_35, %swap3A_36], %broadcast_in_dim3A_34 {strides = array<i32>} : memref<10112x128xf32, #tpu.memory_space<vmem>>, vector<112x128xf32>,
    return
  }
}

module attributes {stable_mosaic.version = 14 : i64} {
  func.func @_tc_final_body(%arg0: memref<2x10112x128xf32, #tpu.memory_space<vmem>>, %arg1: memref<2x10112xf32, #tpu.memory_space<vmem>>, %arg2: memref<1x10112xf32, #tpu.memory_space<vmem>>, %arg3: memref<1x10112xf32, #tpu.memory_space<vmem>>, %arg4: memref<1x128xf32, #tpu.memory_space<vmem>>, %arg5: memref<128x16xf32, #tpu.memory_space<vmem>>, %arg6: memref<1x16xf32, #tpu.memory_space<vmem>>, %arg7: memref<1x16xf32, #tpu.memory_space<vmem>>) attributes {dimension_semantics = [], scalar_prefetch = 0 : i64, scratch_operands = 0 : i64, tpu.core_type = #tpu.core_type<tc>} {
    %get3A = arith.constant 0 : index
    %get3A_0 = arith.constant 0 : index
    %get3A_1 = arith.constant 0 : index
    %get3A_2 = vector.load %arg0[%get3A, %get3A_0, %get3A_1] : memref<2x10112x128xf32, #tpu.memory_space<vmem>>, vector<1x10000x128xf32>
    %get3A_3 = vector.shape_cast %get3A_2 : vector<1x10000x128xf32> to vector<10000x128xf32>
    %get3A_4 = arith.constant 1 : index
    %get3A_5 = arith.constant 0 : index
    %get3A_6 = arith.constant 0 : index
    %get3A_7 = vector.load %arg0[%get3A_4, %get3A_5, %get3A_6] : memref<2x10112x128xf32, #tpu.memory_space<vmem>>, vector<1x10000x128xf32>
    %get3A_8 = vector.shape_cast %get3A_7 : vector<1x10000x128xf32> to vector<10000x128xf32>
    %add3A = arith.addf %get3A_3, %get3A_8 : vector<10000x128xf32>
    %get3A_9 = arith.constant 0 : index
    %get3A_10 = arith.constant 0 : index
    %get3A_11 = vector.load %arg1[%get3A_9, %get3A_10] : memref<2x10112xf32, #tpu.memory_space<vmem>>, vector<1x10000xf32>
    %get3A_12 = vector.shape_cast %get3A_11 : vector<1x10000xf32> to vector<10000xf32>
    %get3A_13 = arith.constant 1 : index
    %get3A_14 = arith.constant 0 : index
    %get3A_15 = vector.load %arg1[%get3A_13, %get3A_14] : memref<2x10112xf32, #tpu.memory_space<vmem>>, vector<1x10000xf32>
    %get3A_16 = vector.shape_cast %get3A_15 : vector<1x10000xf32> to vector<10000xf32>
    %add3A_17 = arith.addf %get3A_12, %get3A_16 : vector<10000xf32>
    %get3A_18 = arith.constant 0 : index
    %get3A_19 = arith.constant 0 : index
    %get3A_20 = vector.load %arg3[%get3A_18, %get3A_19] : memref<1x10112xf32, #tpu.memory_space<vmem>>, vector<1x10000xf32>
    %get3A_21 = vector.shape_cast %get3A_20 : vector<1x10000xf32> to vector<10000xf32>
    %get3A_22 = arith.constant 0 : index
    %get3A_23 = arith.constant 0 : index
    %get3A_24 = vector.load %arg2[%get3A_22, %get3A_23] : memref<1x10112xf32, #tpu.memory_space<vmem>>, vector<1x10000xf32>
    %get3A_25 = vector.shape_cast %get3A_24 : vector<1x10000xf32> to vector<10000xf32>
    %broadcast_in_dim3A = vector.shape_cast %get3A_21 : vector<10000xf32> to vector<10000x1xf32>
    %mul3A = vector.broadcast %broadcast_in_dim3A : vector<10000x1xf32> to vector<10000x128xf32>
    %mul3A_26 = arith.mulf %add3A, %mul3A : vector<10000x128xf32>
    %get3A_27 = arith.constant 0 : index
    %get3A_28 = arith.constant 0 : index
    %get3A_29 = vector.load %arg4[%get3A_27, %get3A_28] : memref<1x128xf32, #tpu.memory_space<vmem>>, vector<1x128xf32>
    %get3A_30 = vector.shape_cast %get3A_29 : vector<1x128xf32> to vector<128xf32>
    %broadcast_in_dim3A_31 = vector.shape_cast %get3A_30 : vector<128xf32> to vector<1x128xf32>
    %add3A_32 = vector.broadcast %broadcast_in_dim3A_31 : vector<1x128xf32> to vector<10000x128xf32>
    %add3A_33 = arith.addf %mul3A_26, %add3A_32 : vector<10000x128xf32>
    %max3A = arith.constant 0.000000e+00 : f32
    %max3A_34 = vector.broadcast %max3A : f32 to vector<10000x128xf32>
    %max3A_35 = arith.maximumf %add3A_33, %max3A_34 : vector<10000x128xf32>
    %mul3A_36 = arith.mulf %get3A_25, %add3A_17 : vector<10000xf32>
    %broadcast_in_dim3A_37 = vector.shape_cast %mul3A_36 : vector<10000xf32> to vector<1x10000xf32>
    %dot_general3A = arith.constant dense<0.000000e+00> : vector<1x128xf32>
    %dot_general3A_38 = tpu.matmul %broadcast_in_dim3A_37, %max3A_35, %dot_general3A {dimension_numbers = #tpu.dot_dimension_numbers<[1], [0], [0], [1], [0, 0, 1, 1], [], []>, transpose_lhs_hint = false} : vector<1x10000xf32>, vector<10000x128xf32>, vector<1x128xf32> -> vector<1x128xf32>
    %get3A_39 = arith.constant 0 : index
    %get3A_40 = arith.constant 0 : index
    %get3A_41 = vector.load %arg5[%get3A_39, %get3A_40] : memref<128x16xf32, #tpu.memory_space<vmem>>, vector<128x16xf32>
    %dot_general3A_42 = arith.constant dense<0.000000e+00> : vector<1x16xf32>
    %dot_general3A_43 = tpu.matmul %dot_general3A_38, %get3A_41, %dot_general3A_42 {dimension_numbers = #tpu.dot_dimension_numbers<[1], [0], [0], [1], [0, 0, 1, 1], [], []>, transpose_lhs_hint = false} : vector<1x128xf32>, vector<128x16xf32>, vector<1x16xf32> -> vector<1x16xf32>
    %mul3A_44 = arith.constant 9.99999974E-5 : f32
    %mul3A_45 = vector.broadcast %mul3A_44 : f32 to vector<1x16xf32>
    %mul3A_46 = arith.mulf %dot_general3A_43, %mul3A_45 : vector<1x16xf32>
    %get3A_47 = arith.constant 0 : index
    %get3A_48 = arith.constant 0 : index
    %get3A_49 = vector.load %arg6[%get3A_47, %get3A_48] : memref<1x16xf32, #tpu.memory_space<vmem>>, vector<1x16xf32>
    %get3A_50 = vector.shape_cast %get3A_49 : vector<1x16xf32> to vector<16xf32>
    %broadcast_in_dim3A_51 = vector.shape_cast %get3A_50 : vector<16xf32> to vector<1x16xf32>
    %add3A_52 = arith.addf %mul3A_46, %broadcast_in_dim3A_51 : vector<1x16xf32>
    %swap3A = arith.constant 0 : index
    %swap3A_53 = arith.constant 0 : index
    %swap3A_54 = vector.load %arg7[%swap3A, %swap3A_53] : memref<1x16xf32, #tpu.memory_space<vmem>>, vector<1x16xf32>
    tpu.vector_store %arg7[%swap3A, %swap3A_53], %add3A_52 {strides = array<i32>} : memref<1x16xf32, #tpu.memory_space<vmem>>, vector<1x16xf32>,
    return
  }
}

</mosaic_0001>

<sc_bundles>
// kernel: kernel.6.cloned.1.call-start
scs
__scs_entry_jumppad:
0x0: {  	(pc) =	sbr.rel $0x88, $3  }
0x1: {  	(tag) =	ssettag $0x0;
	lr =	simm.s32 $0x1  }
0x2: {  	[smem:$0x3F9B] =	sst lr;
	_ =	strace $0xD0000000  }
0x3: {  	_ = 	snop  }
0x4: {  	_ = 	snop  }
0x5: {  	_ = 	snop  }
0x6: {  	_ = 	snop  }
0x7: {  	_ = 	snop  }
__scs_overlays_trampoline_lowered:
0x8: {  	[smem:$0x3FAA] =	sst s0  }
0x9: {  	[smem:$0x3FAB] =	sst s1  }
0xa: {  	[smem:$0x3FAC] =	sst s2  }
0xb: {  	[smem:$0x3FAD] =	sst s3  }
0xc: {  	[smem:$0x3FAE] =	sst s4  }
0xd: {  	[smem:$0x3FAF] =	sst s5  }
0xe: {  	[smem:$0x3FB0] =	sst s6  }
0xf: {  	[smem:$0x3FB1] =	sst s7  }
0x10: {  	[smem:$0x3FB2] =	sst s8  }
0x11: {  	[smem:$0x3FB3] =	sst s9;
	s0 =	simm.s32 @!p0 $0x0  }
0x12: {  	s1 =	sld [smem:$0x3F99];
	s0 =	simm.s32 @p0 $0x1  }
0x13: {  	[smem:$0x3FB4] =	sst s0;
	s0 =	simm.s32 @!p1 $0x0  }
0x14: {  	s2 =	sld [smem:$0x3F98];
	s0 =	simm.s32 @p1 $0x1  }
0x15: {  	[smem:$0x3FB5] =	sst s0;
	s0 =	simm.s32 @!p2 $0x0  }
0x16: {  	s3 =	sld [smem:$0x3FDB];
	s0 =	simm.s32 @p2 $0x1  }
0x17: {  	s4 =	simm.s32 $0x1BF5;
	[smem:$0x3FB7] =	sst s0  }
0x18: {  	s0 =	sld [smem:$0x3F9A];
	_ =	swait.ge [sflag:s4], $0x0  }
0x19: {  	s7 =	sld [smem:$0x3F9B]  }
0x1a: {  	s8 =	sadd.s32 $0xFFFFE003, lr  }
0x1b: {  	s9 =	sadd.s32 $0xFFFFFEF7, lr;
	s5 =	simm.s32 $0xFFFFFFFF;
	p2 =	slt.u32 s8, $0xFFFFF086  }
0x1c: {  	p1 =	slt.u32 s9, $0xF7A;
	s5 =	simm.s32 @!p2 $0x0  }
0x1d: {  	s5 =	simm.s32 @p1 $0x1;
	p0 =	seq.s32 s7, s2  }
0x1e: {  	s7 =	smul.u32 @!p0 $0xF7A, s2;
	p2 =	seq.s32 @!p0 s5, $0x0  }
0x1f: {  	s9 =	smul.u32 $0xF7A, s1;
	s8 =	simm.s32 @!p0 $0x1BF5;
	p2 =	por !p2, p0  }
0x20: {  	[sflag:s8] =	ssyncset.s32 @!p0 $0xFFFFF086;
	s6 =	sadd.s32 @!p0 s3, s7;
	s7 =	simm.s32 @!p0 $0x108  }
0x21: {  	s3 =	sadd.s32 s3, s9;
	s6 =	sadd.s32 @!p0 $0x88, s6;
	s7 =	simm.s32 @p2 $0x1082  }
0x22: {  	[simem:s7], [sflag:s8] =	dma.local @!p0 [hbm:s6], $0xF7A  }
0x23: {  	s9 =	sor.u32 $0xD0000000, s2;
	s6 =	simm.s32 $0x108;
	_ =	swait.ge @!p0 [sflag:s8], $0x0  }
0x24: {  	s3 =	sadd.s32 $0x88, s3;
	s6 =	simm.s32 @!p1 $0x1082;
	[sflag:s4] =	ssyncset.s32 $0xFFFFF086  }
0x25: {  	[simem:s6], [sflag:s4] =	dma.local [hbm:s3], $0xF7A  }
0x26: {  	[smem:$0x3F9B] =	sst s1;
	(tag) =	ssettag s2;
	_ =	strace s9  }
0x27: {  	s1 =	sld [smem:$0x3FAB]  }
0x28: {  	s2 =	sld [smem:$0x3FAC]  }
0x29: {  	s4 =	sld [smem:$0x3FAE]  }
0x2a: {  	p0 =	seq.s32 s5, $0x0;
	s5 =	sld [smem:$0x3FAF]  }
0x2b: {  	s6 =	sld [smem:$0x3FB0]  }
0x2c: {  	s7 =	sld [smem:$0x3FB1]  }
0x2d: {  	s3 =	simm.s32 $0x108;
	s8 =	sld [smem:$0x3FB2]  }
0x2e: {  	s3 =	simm.s32 @!p0 $0x1082;
	s9 =	sld [smem:$0x3FB3]  }
0x2f: {  	lr =	sadd.s32 s0, s3;
	s0 =	sld [smem:$0x3FAA]  }
0x30: {  	s3 =	sld [smem:$0x3FAD]  }
0x31: {  	[smem:$0x3FB6] =	sst s10  }
0x32: {  	s10 =	sld [smem:$0x3FB4];
	_ =	sdelay $0x3  }
0x33: {  	p0 =	seq.s32 s10, $0x1;
	s10 =	sld [smem:$0x3FB6];
	_ =	sdelay $0x3  }
0x34: {  	[smem:$0x3FB6] =	sst s10  }
0x35: {  	s10 =	sld [smem:$0x3FB5];
	_ =	sdelay $0x3  }
0x36: {  	p1 =	seq.s32 s10, $0x1;
	s10 =	sld [smem:$0x3FB6];
	_ =	sdelay $0x3  }
0x37: {  	[smem:$0x3FB6] =	sst s10  }
0x38: {  	s10 =	sld [smem:$0x3FB7]  }
0x39: {  	_ = 	snop;
	(pc) =	sbr.ind lr, $3  }
0x3a: {  	_ = 	snop  }
0x3b: {  	_ = 	snop  }
0x3c: {  	p2 =	seq.s32 s10, $0x1;
	s10 =	sld [smem:$0x3FB6]  }
0x3d: {  	_ =	shalt  }
0x3e: {  	_ =	shalt  }
0x3f: {  	_ =	shalt  }
0x40: {  	_ =	shalt  }
0x41: {  	_ =	shalt  }
0x42: {  	_ =	shalt  }
0x43: {  	_ =	shalt  }
0x44: {  	_ =	shalt  }
0x45: {  	_ =	shalt  }
0x46: {  	_ =	shalt  }
0x47: {  	_ =	shalt  }
0x48: {  	_ =	shalt  }
0x49: {  	_ =	shalt  }
0x4a: {  	_ =	shalt  }
0x4b: {  	_ =	shalt  }
0x4c: {  	_ =	shalt  }
0x4d: {  	_ =	shalt  }
0x4e: {  	_ =	shalt  }
0x4f: {  	_ =	shalt  }
0x50: {  	_ =	shalt  }
0x51: {  	_ =	shalt  }
0x52: {  	_ =	shalt  }
0x53: {  	_ =	shalt  }
0x54: {  	_ =	shalt  }
0x55: {  	_ =	shalt  }
0x56: {  	_ =	shalt  }
0x57: {  	_ =	shalt  }
0x58: {  	_ =	shalt  }
0x59: {  	_ =	shalt  }
0x5a: {  	_ =	shalt  }
0x5b: {  	_ =	shalt  }
0x5c: {  	_ =	shalt  }
0x5d: {  	_ =	shalt  }
0x5e: {  	_ =	shalt  }
0x5f: {  	_ =	shalt  }
0x60: {  	_ =	shalt  }
0x61: {  	_ =	shalt  }
0x62: {  	_ =	shalt  }
0x63: {  	_ =	shalt  }
0x64: {  	_ =	shalt  }
0x65: {  	_ =	shalt  }
0x66: {  	_ =	shalt  }
0x67: {  	_ =	shalt  }
0x68: {  	_ =	shalt  }
0x69: {  	_ =	shalt  }
0x6a: {  	_ =	shalt  }
0x6b: {  	_ =	shalt  }
0x6c: {  	_ =	shalt  }
0x6d: {  	_ =	shalt  }
0x6e: {  	_ =	shalt  }
0x6f: {  	_ =	shalt  }
0x70: {  	_ =	shalt  }
0x71: {  	_ =	shalt  }
0x72: {  	_ =	shalt  }
0x73: {  	_ =	shalt  }
0x74: {  	_ =	shalt  }
0x75: {  	_ =	shalt  }
0x76: {  	_ =	shalt  }
0x77: {  	_ =	shalt  }
0x78: {  	_ =	shalt  }
0x79: {  	_ =	shalt  }
0x7a: {  	_ =	shalt  }
0x7b: {  	_ =	shalt  }
0x7c: {  	_ =	shalt  }
0x7d: {  	_ =	shalt  }
0x7e: {  	_ =	shalt  }
0x7f: {  	_ =	shalt  }
0x80: {  	_ =	shalt  }
0x81: {  	_ =	shalt  }
0x82: {  	_ =	shalt  }
0x83: {  	_ =	shalt  }
0x84: {  	_ =	shalt  }
0x85: {  	_ =	shalt  }
0x86: {  	_ =	shalt  }
0x87: {  	_ =	shalt  }
.Lfunc_end0:
.L_simem_size_0:
called_computation_lowered:
.L_overlay_start_0:
0x88: {  	s2 =	sld [smem:$0x3FD9]  }
0x89: {  	s3 =	sld [smem:$0x3FFE];
	_ =	sdelay $0x1  }
0x8a: {  	s1 =	srdreg.scid  }
0x8b: {  	s0 =	sand.u32 $0x1, s1  }
0x8c: {  	s16 =	sshll.u32 s0, $0xA;
	s2 =	sadd.s32 s3, s2  }
0x8d: {  	s2 =	sadd.s32 s2, s16  }
0x8e: {  	[smem:$0x3FC2] =	sst s2  }
0x8f: {  	_ = 	snop  }
0x90: {  	(tm) =	ssettm $0x1  }
0x91: {  	s17 =	sld [smem:$0x3FFB];
	_ =	sdelay $0x3  }
0x92: {  	_ =	strace s17  }
0x93: {  	s2 =	sld [smem:$0x3FFC];
	_ =	sdelay $0x3  }
0x94: {  	_ =	strace s2  }
0x95: {  	s2 =	sld [smem:$0x3FFD];
	_ =	sdelay $0x3  }
0x96: {  	_ =	strace s2  }
0x97: {  	_ =	strace $0x8FFFFFFF  }
0x98: {  	s18 =	sld [smem:$0x3FDB];
	_ =	sdelay $0x1  }
0x99: {  	s19 =	simm.s32 $_scs_section_size  }
0x9a: {  	s4 =	simm.s32 $_size__tile_overlayer_lowered;
	s5 =	simm.s32 $_tile_overlayer_lowered  }
0x9b: {  	s22 =	simm.s32 $0x1BFF;
	s21 =	sshll.u32 s5, $0x1;
	s2 =	sadd.s32 s19, s18  }
0x9c: {  	s6 =	simm.s32 $0x0;
	s20 =	sshll.u32 s4, $0x1;
	s4 =	sadd.s32 s21, s2  }
0x9d: {  	[timem:s6], [sflag:s22] =	dma.local [hbm:s4], s20  }
0x9e: {  	_ =	swait.ge [sflag:s22], s20  }
0x9f: {  	s3 =	ssub.s32 $0x0, s20;
	[sflag:s22] =	ssyncset.done $0x0  }
0xa0: {  	[sflag:s22] =	ssyncadd.s32 s3;
	_ =	sdelay $0x1  }
0xa1: {  	s23 =	simm.s32 $0x1B8B  }
0xa2: {  	_ =	swait.ge [sflag:s23], $0x1  }
0xa3: {  	[sflag:s23] =	ssyncset.done $0x0  }
0xa4: {  	s25 =	simm.s32 $0x1B8E;
	s24 =	sld [smem:$0x3FFE];
	[sflag:s23] =	ssyncadd.s32 $0xFFFFFFFF  }
0xa5: {  	s26 =	simm.s32 $execute0_lowered;
	[smem:$0x3FD2] =	sst s25  }
0xa6: {  	s4 =	sshll.u32 s26, $0x1;
	_ =	strace $0x80000046;
	[dreg:$0x1] =	wrdreg $0xFFFFFFFF  }
0xa7: {  	s28 =	simm.s32 $_size_execute0_lowered;
	s2 =	sadd.s32 s2, s4;
	[dreg:$0x0] =	wrdreg $0x0  }
0xa8: {  	s4 =	sshll.u32 s28, $0x1;
	[dreg:$0x2] =	wrdreg s2  }
0xa9: {  	[dreg:$0x3] =	wrdreg s4  }
0xaa: {  	[dreg:$0x4] =	wrdreg $0xC0  }
0xab: {  	_ =	task [dreg:s6], $0x5FFFF  }
0xac: {  	[dreg:$0x1] =	wrdreg $0xFFFFFFFF  }
0xad: {  	[dreg:$0x0] =	wrdreg $0x60  }
0xae: {  	[dreg:$0x2] =	wrdreg s24  }
0xaf: {  	[dreg:$0x3] =	wrdreg $0x9  }
0xb0: {  	_ =	task.clear_ibuf [dreg:s6], $0x4FFFF;
	_ =	strace $0x90000046  }
0xb1: {  	s29 =	simm.s32 $0x9;
	_ =	strace $0x80000048  }
0xb2: {  	_ =	swait.ge [sflag:s29], $0x1  }
0xb3: {  	[sflag:s29] =	ssyncadd.s32 $0xFFFFFFFF  }
0xb4: {  	_ =	strace $0x90000048  }
0xb5: {  	_ =	sfence  }
0xb6: {  	s30 =	sld [smem:$0x0];
	_ =	sdelay $0x2  }
0xb7: {  	s31 =	sshll.u32 s1, $0xD;
	s1 =	sshrl.u32 s1, $0x2  }
0xb8: {  	s3 =	sand.u32 $0x4000, s31;
	s1 =	sadd.s32 s1, s30  }
0xb9: {  	s0 =	sor.u32 s3, s0;
	s1 =	sshll.u32 s1, $0x11  }
0xba: {  	s0 =	sor.u32 s1, s0  }
0xbb: {  	s0 =	sadd.s32 $0x8F2B, s0  }
0xbc: {  	[sflag:s0] =	ssyncadd.remote.s32 $0x1  }
0xbd: {  	_ =	sfence.sel $0xFFFF  }
0xbe: {  	[dreg:$0x0] =	wrdreg $0xFFFFFFFF;
	(pc) =	sbr.abs _section_cstart, $3  }
0xbf: {  	[dreg:$0x1] =	wrdreg $0xFFFFFFFF  }
0xc0: {  	_ =	task.clear_ibuf [dreg:s6], $0x2FFFF;
	_ =	strace $0x9FFFFFFF  }
0xc1: {  	(tm) =	ssettm $0x7FFFFFFF  }
tec
execute0_lowered:
.L_overlay_start_1:
0x0: {  	(tag) =	ssettag $0x1  }
0x1: {  	s1 =	srdreg.scid  }
0x2: {  	s0 =	stileid.u32;
	s4 =	rddreg [dreg:$0x0]  }
0x3: {  	s2 =	simm.s32 $0x0;
	s10 =	simm.s32 $0x1;
	s11 =	simm.s32 $0x7780  }
0x4: {  	s12 =	simm.s32 $0x2800;
	s3 =	sand.u32 $0x1, s1;
	s31 =	sshll.u32 s0, $0x1  }
0x5: {  	s13 =	simm.s32 $0x80;
	s14 =	simm.s32 $0x100;
	s5 =	sor.u32 s3, s31  }
0x6: {  	s15 =	simm.s32 $0x0;
	s1 =	rddreg [dreg:$0x1];
	s6 =	smul.u32 $0x500, s5  }
0x7: {  	[smem:$0x7FF] =	sst s2;
	s7 =	ssub.s32 $0x2, s3;
	s5 =	smul.u32 $0x9E0, s5  }
0x8: {  	_ =	strace $0x80000047;
	s3 =	sadd.s32 $0x15A00, s4;
	s8 =	sshrl.u32 s7, $0x1  }
0x9: {  	s8 =	ssub.s32 s7, s8;
	s6 =	sadd.s32 s6, s4;
	s9 =	sadd.s32 s5, s4  }
0xa: {  	s8 =	smax.u32 s8, $0x1;
	s4 =	sadd.s32 $0xBA00, s6;
	s5 =	sadd.s32 $0x1A00, s6  }
0xb: {  	v0 =	vimm.f32 $1.000000000e+00;
	s6 =	sadd.s32 $0x16000, s9;
	s7 =	sadd.s32 $0x16010, s9;
	s9 =	simm.s32 $0x5000  }
.LBB2_1:
0xc: {  	[tilespmem:s9], [sflag:$0x1] =	stream.linear.gather [hbm4b:s3+s2], $0x2780, $0x38;
	[tilespmem:$0x9F00] =	vst v63  }
0xd: {  	_ =	swait.ge [sflag:s10], $0x2780  }
0xe: {  	[sflag:s10] =	ssyncset.done $0x0  }
0xf: {  	[sflag:s10] =	ssyncadd.s32 $0xFFFFD880  }
0x10: {  	[tilespmem:s11], [sflag:$0x1] =	stream.linear.gather [hbm4b:s3+s2], $0x2780, $0x38;
	[tilespmem:$0x9F00] =	vst v63  }
0x11: {  	_ =	swait.ge [sflag:s10], $0x2780  }
0x12: {  	[sflag:s10] =	ssyncset.done $0x0  }
0x13: {  	[sflag:s10] =	ssyncadd.s32 $0xFFFFD880  }
0x14: {  	[tilespmem:s2], [sflag:$0x1] =	stream.linear.gather [hbm4b:s4+s2], $0x2800, $0x38;
	[tilespmem:$0x9F00] =	vst v63  }
0x15: {  	_ =	swait.ge [sflag:s10], $0x2800  }
0x16: {  	[sflag:s10] =	ssyncset.done $0x0  }
0x17: {  	[sflag:s10] =	ssyncadd.s32 $0xFFFFD800  }
0x18: {  	[tilespmem:s12], [sflag:$0x1] =	stream.linear.gather [hbm4b:s5+s2], $0x2800, $0x38;
	[tilespmem:$0x9F00] =	vst v63  }
0x19: {  	_ =	swait.ge [sflag:s10], $0x2800  }
0x1a: {  	[sflag:s10] =	ssyncset.done $0x0  }
0x1b: {  	s16 =	simm.s32 $0x0;
	[sflag:s10] =	ssyncadd.s32 $0xFFFFD800  }
.LBB2_2:
0x1c: {  	s17 =	sshra.s32 s16, $0x2  }
0x1d: {  	v1 =	vld [tilespmem:s17+$0x0];
	_ =	sdelay $0x7  }
0x1e: {  	[tilespmem:v1+s9+$0x0] =	vst.idx.add.f32.msk $0xffff, v0  }
0x1f: {  	v1 =	vld [tilespmem:s17+$0x2800];
	_ =	sdelay $0x7  }
0x20: {  	[tilespmem:v1+s11+$0x0] =	vst.idx.add.f32.msk $0xffff, v0  }
0x21: {  	v1 =	vld [tilespmem:s17+$0x10];
	_ =	sdelay $0x7  }
0x22: {  	[tilespmem:v1+s9+$0x0] =	vst.idx.add.f32.msk $0xffff, v0  }
0x23: {  	v1 =	vld [tilespmem:s17+$0x2810];
	_ =	sdelay $0x7  }
0x24: {  	[tilespmem:v1+s11+$0x0] =	vst.idx.add.f32.msk $0xffff, v0  }
0x25: {  	v1 =	vld [tilespmem:s17+$0x20];
	_ =	sdelay $0x7  }
0x26: {  	[tilespmem:v1+s9+$0x0] =	vst.idx.add.f32.msk $0xffff, v0  }
0x27: {  	v1 =	vld [tilespmem:s17+$0x2820];
	_ =	sdelay $0x7  }
0x28: {  	[tilespmem:v1+s11+$0x0] =	vst.idx.add.f32.msk $0xffff, v0  }
0x29: {  	v1 =	vld [tilespmem:s17+$0x30];
	_ =	sdelay $0x7  }
0x2a: {  	[tilespmem:v1+s9+$0x0] =	vst.idx.add.f32.msk $0xffff, v0  }
0x2b: {  	v1 =	vld [tilespmem:s17+$0x2830];
	_ =	sdelay $0x7  }
0x2c: {  	[tilespmem:v1+s11+$0x0] =	vst.idx.add.f32.msk $0xffff, v0  }
0x2d: {  	v1 =	vld [tilespmem:s17+$0x40];
	_ =	sdelay $0x7  }
0x2e: {  	[tilespmem:v1+s9+$0x0] =	vst.idx.add.f32.msk $0xffff, v0  }
0x2f: {  	v1 =	vld [tilespmem:s17+$0x2840];
	_ =	sdelay $0x7  }
0x30: {  	[tilespmem:v1+s11+$0x0] =	vst.idx.add.f32.msk $0xffff, v0  }
0x31: {  	v1 =	vld [tilespmem:s17+$0x50];
	_ =	sdelay $0x7  }
0x32: {  	[tilespmem:v1+s9+$0x0] =	vst.idx.add.f32.msk $0xffff, v0  }
0x33: {  	v1 =	vld [tilespmem:s17+$0x2850];
	_ =	sdelay $0x7  }
0x34: {  	[tilespmem:v1+s11+$0x0] =	vst.idx.add.f32.msk $0xffff, v0  }
0x35: {  	v1 =	vld [tilespmem:s17+$0x60];
	_ =	sdelay $0x7  }
0x36: {  	[tilespmem:v1+s9+$0x0] =	vst.idx.add.f32.msk $0xffff, v0  }
0x37: {  	v1 =	vld [tilespmem:s17+$0x2860];
	_ =	sdelay $0x7  }
0x38: {  	[tilespmem:v1+s11+$0x0] =	vst.idx.add.f32.msk $0xffff, v0  }
0x39: {  	v1 =	vld [tilespmem:s17+$0x70];
	_ =	sdelay $0x7  }
0x3a: {  	[tilespmem:v1+s9+$0x0] =	vst.idx.add.f32.msk $0xffff, v0  }
0x3b: {  	v1 =	vld [tilespmem:s17+$0x2870];
	_ =	sdelay $0x2  }
0x3c: {  	p0 =	sne.s32 s16, $0x9E00  }
.Ltmp0:
0x3d: {  	_ = 	snop;
	(pc) =	sbr.rel @p0 .LBB2_2-.Ltmp0, $2  }
0x3e: {  	_ =	sdelay $0x2  }
0x3f: {  	s16 =	sadd.s32 $0x200, s16;
	[tilespmem:v1+s11+$0x0] =	vst.idx.add.f32.msk $0xffff, v0  }
0x40: {  	[hbm4b:s6+s13] =	stream.strided.scatter [tilespmem:s9], [sflag:$0x1], $0x2780, s14, s13, $0x38;
	[tilespmem:$0x9F00] =	vst v63  }
0x41: {  	s15 =	sadd.s32 $0x1, s15;
	_ =	swait.ge [sflag:s10], $0x2780  }
0x42: {  	p0 =	sne.s32 s15, s8;
	[sflag:s10] =	ssyncset.done $0x0  }
.Ltmp1:
0x43: {  	[sflag:s10] =	ssyncadd.s32 $0xFFFFD880;
	(pc) =	sbr.rel @p0 .LBB2_1-.Ltmp1, $4  }
0x44: {  	[hbm4b:s7+s13] =	stream.strided.scatter [tilespmem:s11], [sflag:$0x1], $0x2780, s14, s13, $0x38;
	[tilespmem:$0x9F00] =	vst v63  }
0x45: {  	_ =	swait.ge [sflag:s10], $0x2780  }
0x46: {  	[sflag:s10] =	ssyncset.done $0x0  }
0x47: {  	[sflag:s10] =	ssyncadd.s32 $0xFFFFD880  }
0x48: {  	_ =	sfence.sel $0x180000  }
0x49: {  	[bflag:$0x0] =	sbarrier.arrive $0xFFFF  }
0x4a: {  	p0 =	sne.s32 s0, $0x0;
	_ =	strace $0x90000047  }
0x4b: {  	s0 =	sadd.s32 @!p0 $0x100000, s1;
	[bflag:$0x2] =	sbarrier.arrive $0xFFFF  }
0x4c: {  	[sflag:s0] =	ssyncadd.tile.s32 @!p0 $0x1;
	_ =	shalt  }
.Lfunc_end2:
_tile_overlayer_lowered:
.L_overlay_start_2:
0x4d: {  	(tag) =	ssettag $0x2  }
0x4e: {  	s0 =	rddreg [dreg:$0x0];
	s2 =	stileid.u32  }
0x4f: {  	s1 =	rddreg [dreg:$0x1];
	p0 =	sne.s32 s2, $0x0  }
0x50: {  	s3 =	rddreg [dreg:$0x2];
	[bflag:$0x3] =	sbarrier.arrive $0xFFFF;
	s2 =	simm.s32 @!p0 $0x1C01  }
0x51: {  	[timem:s3], [sflag:s2] =	dma.local @!p0 [hbm:s0], s1  }
0x52: {  	s0 =	simm.s32 @!p0 $0x1  }
0x53: {  	_ =	swait.ge @!p0 [sflag:s0], s1  }
0x54: {  	s1 =	ssub.s32 @!p0 $0x0, s1;
	[sflag:s0] =	ssyncset.done @!p0 $0x0  }
0x55: {  	[sflag:s0] =	ssyncadd.s32 @!p0 s1  }
0x56: {  	[bflag:$0x3] =	sbarrier.arrive $0xFFFF  }
0x57: {  	_ =	shalt  }

// kernel: kernel.9.cloned.1.call-start
scs
__scs_entry_jumppad:
0x0: {  	(pc) =	sbr.rel $0x88, $3  }
0x1: {  	(tag) =	ssettag $0x0;
	lr =	simm.s32 $0x1  }
0x2: {  	[smem:$0x3F9B] =	sst lr;
	_ =	strace $0xD0000000  }
0x3: {  	_ = 	snop  }
0x4: {  	_ = 	snop  }
0x5: {  	_ = 	snop  }
0x6: {  	_ = 	snop  }
0x7: {  	_ = 	snop  }
__scs_overlays_trampoline_lowered:
0x8: {  	[smem:$0x3FAA] =	sst s0  }
0x9: {  	[smem:$0x3FAB] =	sst s1  }
0xa: {  	[smem:$0x3FAC] =	sst s2  }
0xb: {  	[smem:$0x3FAD] =	sst s3  }
0xc: {  	[smem:$0x3FAE] =	sst s4  }
0xd: {  	[smem:$0x3FAF] =	sst s5  }
0xe: {  	[smem:$0x3FB0] =	sst s6  }
0xf: {  	[smem:$0x3FB1] =	sst s7  }
0x10: {  	[smem:$0x3FB2] =	sst s8  }
0x11: {  	[smem:$0x3FB3] =	sst s9;
	s0 =	simm.s32 @!p0 $0x0  }
0x12: {  	s1 =	sld [smem:$0x3F99];
	s0 =	simm.s32 @p0 $0x1  }
0x13: {  	[smem:$0x3FB4] =	sst s0;
	s0 =	simm.s32 @!p1 $0x0  }
0x14: {  	s2 =	sld [smem:$0x3F98];
	s0 =	simm.s32 @p1 $0x1  }
0x15: {  	[smem:$0x3FB5] =	sst s0;
	s0 =	simm.s32 @!p2 $0x0  }
0x16: {  	s3 =	sld [smem:$0x3FDB];
	s0 =	simm.s32 @p2 $0x1  }
0x17: {  	s4 =	simm.s32 $0x1BF5;
	[smem:$0x3FB7] =	sst s0  }
0x18: {  	s0 =	sld [smem:$0x3F9A];
	_ =	swait.ge [sflag:s4], $0x0  }
0x19: {  	s7 =	sld [smem:$0x3F9B]  }
0x1a: {  	s8 =	sadd.s32 $0xFFFFE003, lr  }
0x1b: {  	s9 =	sadd.s32 $0xFFFFFEF7, lr;
	s5 =	simm.s32 $0xFFFFFFFF;
	p2 =	slt.u32 s8, $0xFFFFF086  }
0x1c: {  	p1 =	slt.u32 s9, $0xF7A;
	s5 =	simm.s32 @!p2 $0x0  }
0x1d: {  	s5 =	simm.s32 @p1 $0x1;
	p0 =	seq.s32 s7, s2  }
0x1e: {  	s7 =	smul.u32 @!p0 $0xF7A, s2;
	p2 =	seq.s32 @!p0 s5, $0x0  }
0x1f: {  	s9 =	smul.u32 $0xF7A, s1;
	s8 =	simm.s32 @!p0 $0x1BF5;
	p2 =	por !p2, p0  }
0x20: {  	[sflag:s8] =	ssyncset.s32 @!p0 $0xFFFFF086;
	s6 =	sadd.s32 @!p0 s3, s7;
	s7 =	simm.s32 @!p0 $0x108  }
0x21: {  	s3 =	sadd.s32 s3, s9;
	s6 =	sadd.s32 @!p0 $0x88, s6;
	s7 =	simm.s32 @p2 $0x1082  }
0x22: {  	[simem:s7], [sflag:s8] =	dma.local @!p0 [hbm:s6], $0xF7A  }
0x23: {  	s9 =	sor.u32 $0xD0000000, s2;
	s6 =	simm.s32 $0x108;
	_ =	swait.ge @!p0 [sflag:s8], $0x0  }
0x24: {  	s3 =	sadd.s32 $0x88, s3;
	s6 =	simm.s32 @!p1 $0x1082;
	[sflag:s4] =	ssyncset.s32 $0xFFFFF086  }
0x25: {  	[simem:s6], [sflag:s4] =	dma.local [hbm:s3], $0xF7A  }
0x26: {  	[smem:$0x3F9B] =	sst s1;
	(tag) =	ssettag s2;
	_ =	strace s9  }
0x27: {  	s1 =	sld [smem:$0x3FAB]  }
0x28: {  	s2 =	sld [smem:$0x3FAC]  }
0x29: {  	s4 =	sld [smem:$0x3FAE]  }
0x2a: {  	p0 =	seq.s32 s5, $0x0;
	s5 =	sld [smem:$0x3FAF]  }
0x2b: {  	s6 =	sld [smem:$0x3FB0]  }
0x2c: {  	s7 =	sld [smem:$0x3FB1]  }
0x2d: {  	s3 =	simm.s32 $0x108;
	s8 =	sld [smem:$0x3FB2]  }
0x2e: {  	s3 =	simm.s32 @!p0 $0x1082;
	s9 =	sld [smem:$0x3FB3]  }
0x2f: {  	lr =	sadd.s32 s0, s3;
	s0 =	sld [smem:$0x3FAA]  }
0x30: {  	s3 =	sld [smem:$0x3FAD]  }
0x31: {  	[smem:$0x3FB6] =	sst s10  }
0x32: {  	s10 =	sld [smem:$0x3FB4];
	_ =	sdelay $0x3  }
0x33: {  	p0 =	seq.s32 s10, $0x1;
	s10 =	sld [smem:$0x3FB6];
	_ =	sdelay $0x3  }
0x34: {  	[smem:$0x3FB6] =	sst s10  }
0x35: {  	s10 =	sld [smem:$0x3FB5];
	_ =	sdelay $0x3  }
0x36: {  	p1 =	seq.s32 s10, $0x1;
	s10 =	sld [smem:$0x3FB6];
	_ =	sdelay $0x3  }
0x37: {  	[smem:$0x3FB6] =	sst s10  }
0x38: {  	s10 =	sld [smem:$0x3FB7]  }
0x39: {  	_ = 	snop;
	(pc) =	sbr.ind lr, $3  }
0x3a: {  	_ = 	snop  }
0x3b: {  	_ = 	snop  }
0x3c: {  	p2 =	seq.s32 s10, $0x1;
	s10 =	sld [smem:$0x3FB6]  }
0x3d: {  	_ =	shalt  }
0x3e: {  	_ =	shalt  }
0x3f: {  	_ =	shalt  }
0x40: {  	_ =	shalt  }
0x41: {  	_ =	shalt  }
0x42: {  	_ =	shalt  }
0x43: {  	_ =	shalt  }
0x44: {  	_ =	shalt  }
0x45: {  	_ =	shalt  }
0x46: {  	_ =	shalt  }
0x47: {  	_ =	shalt  }
0x48: {  	_ =	shalt  }
0x49: {  	_ =	shalt  }
0x4a: {  	_ =	shalt  }
0x4b: {  	_ =	shalt  }
0x4c: {  	_ =	shalt  }
0x4d: {  	_ =	shalt  }
0x4e: {  	_ =	shalt  }
0x4f: {  	_ =	shalt  }
0x50: {  	_ =	shalt  }
0x51: {  	_ =	shalt  }
0x52: {  	_ =	shalt  }
0x53: {  	_ =	shalt  }
0x54: {  	_ =	shalt  }
0x55: {  	_ =	shalt  }
0x56: {  	_ =	shalt  }
0x57: {  	_ =	shalt  }
0x58: {  	_ =	shalt  }
0x59: {  	_ =	shalt  }
0x5a: {  	_ =	shalt  }
0x5b: {  	_ =	shalt  }
0x5c: {  	_ =	shalt  }
0x5d: {  	_ =	shalt  }
0x5e: {  	_ =	shalt  }
0x5f: {  	_ =	shalt  }
0x60: {  	_ =	shalt  }
0x61: {  	_ =	shalt  }
0x62: {  	_ =	shalt  }
0x63: {  	_ =	shalt  }
0x64: {  	_ =	shalt  }
0x65: {  	_ =	shalt  }
0x66: {  	_ =	shalt  }
0x67: {  	_ =	shalt  }
0x68: {  	_ =	shalt  }
0x69: {  	_ =	shalt  }
0x6a: {  	_ =	shalt  }
0x6b: {  	_ =	shalt  }
0x6c: {  	_ =	shalt  }
0x6d: {  	_ =	shalt  }
0x6e: {  	_ =	shalt  }
0x6f: {  	_ =	shalt  }
0x70: {  	_ =	shalt  }
0x71: {  	_ =	shalt  }
0x72: {  	_ =	shalt  }
0x73: {  	_ =	shalt  }
0x74: {  	_ =	shalt  }
0x75: {  	_ =	shalt  }
0x76: {  	_ =	shalt  }
0x77: {  	_ =	shalt  }
0x78: {  	_ =	shalt  }
0x79: {  	_ =	shalt  }
0x7a: {  	_ =	shalt  }
0x7b: {  	_ =	shalt  }
0x7c: {  	_ =	shalt  }
0x7d: {  	_ =	shalt  }
0x7e: {  	_ =	shalt  }
0x7f: {  	_ =	shalt  }
0x80: {  	_ =	shalt  }
0x81: {  	_ =	shalt  }
0x82: {  	_ =	shalt  }
0x83: {  	_ =	shalt  }
0x84: {  	_ =	shalt  }
0x85: {  	_ =	shalt  }
0x86: {  	_ =	shalt  }
0x87: {  	_ =	shalt  }
.Lfunc_end0:
.L_simem_size_0:
called_computation.1_lowered:
.L_overlay_start_0:
0x88: {  	s2 =	sld [smem:$0x3FD9]  }
0x89: {  	s3 =	sld [smem:$0x3FFE];
	_ =	sdelay $0x1  }
0x8a: {  	s1 =	srdreg.scid  }
0x8b: {  	s0 =	sand.u32 $0x1, s1  }
0x8c: {  	s16 =	sshll.u32 s0, $0xA;
	s2 =	sadd.s32 s3, s2  }
0x8d: {  	s2 =	sadd.s32 s2, s16  }
0x8e: {  	[smem:$0x3FC2] =	sst s2  }
0x8f: {  	_ = 	snop  }
0x90: {  	(tm) =	ssettm $0x1  }
0x91: {  	s17 =	sld [smem:$0x3FFB];
	_ =	sdelay $0x3  }
0x92: {  	_ =	strace s17  }
0x93: {  	s2 =	sld [smem:$0x3FFC];
	_ =	sdelay $0x3  }
0x94: {  	_ =	strace s2  }
0x95: {  	s2 =	sld [smem:$0x3FFD];
	_ =	sdelay $0x3  }
0x96: {  	_ =	strace s2  }
0x97: {  	_ =	strace $0x8FFFFFFF  }
0x98: {  	s18 =	sld [smem:$0x3FDB];
	_ =	sdelay $0x1  }
0x99: {  	s19 =	simm.s32 $_scs_section_size  }
0x9a: {  	s4 =	simm.s32 $_size__tile_overlayer_lowered;
	s5 =	simm.s32 $_tile_overlayer_lowered  }
0x9b: {  	s22 =	simm.s32 $0x1BFF;
	s21 =	sshll.u32 s5, $0x1;
	s2 =	sadd.s32 s19, s18  }
0x9c: {  	s6 =	simm.s32 $0x0;
	s20 =	sshll.u32 s4, $0x1;
	s4 =	sadd.s32 s21, s2  }
0x9d: {  	[timem:s6], [sflag:s22] =	dma.local [hbm:s4], s20  }
0x9e: {  	_ =	swait.ge [sflag:s22], s20  }
0x9f: {  	s3 =	ssub.s32 $0x0, s20;
	[sflag:s22] =	ssyncset.done $0x0  }
0xa0: {  	[sflag:s22] =	ssyncadd.s32 s3;
	_ =	sdelay $0x1  }
0xa1: {  	s23 =	simm.s32 $0x1B8B  }
0xa2: {  	_ =	swait.ge [sflag:s23], $0x1  }
0xa3: {  	[sflag:s23] =	ssyncset.done $0x0  }
0xa4: {  	s25 =	simm.s32 $0x1B8E;
	s24 =	sld [smem:$0x3FFE];
	[sflag:s23] =	ssyncadd.s32 $0xFFFFFFFF  }
0xa5: {  	s26 =	simm.s32 $execute0_lowered;
	[smem:$0x3FD2] =	sst s25  }
0xa6: {  	s4 =	sshll.u32 s26, $0x1;
	_ =	strace $0x80000049;
	[dreg:$0x1] =	wrdreg $0xFFFFFFFF  }
0xa7: {  	s28 =	simm.s32 $_size_execute0_lowered;
	s2 =	sadd.s32 s2, s4;
	[dreg:$0x0] =	wrdreg $0x0  }
0xa8: {  	s4 =	sshll.u32 s28, $0x1;
	[dreg:$0x2] =	wrdreg s2  }
0xa9: {  	[dreg:$0x3] =	wrdreg s4  }
0xaa: {  	[dreg:$0x4] =	wrdreg $0xC0  }
0xab: {  	_ =	task [dreg:s6], $0x5FFFF  }
0xac: {  	[dreg:$0x1] =	wrdreg $0xFFFFFFFF  }
0xad: {  	[dreg:$0x0] =	wrdreg $0x60  }
0xae: {  	[dreg:$0x2] =	wrdreg s24  }
0xaf: {  	[dreg:$0x3] =	wrdreg $0xB0800  }
0xb0: {  	[dreg:$0x4] =	wrdreg $0x1EC800  }
0xb1: {  	[dreg:$0x5] =	wrdreg $0x9  }
0xb2: {  	_ =	task.clear_ibuf [dreg:s6], $0x6FFFF;
	_ =	strace $0x90000049  }
0xb3: {  	s29 =	simm.s32 $0x9;
	_ =	strace $0x8000004B  }
0xb4: {  	_ =	swait.ge [sflag:s29], $0x1  }
0xb5: {  	[sflag:s29] =	ssyncadd.s32 $0xFFFFFFFF  }
0xb6: {  	_ =	strace $0x9000004B  }
0xb7: {  	_ =	sfence  }
0xb8: {  	s30 =	sld [smem:$0x0];
	_ =	sdelay $0x2  }
0xb9: {  	s31 =	sshll.u32 s1, $0xD;
	s1 =	sshrl.u32 s1, $0x2  }
0xba: {  	s3 =	sand.u32 $0x4000, s31;
	s1 =	sadd.s32 s1, s30  }
0xbb: {  	s0 =	sor.u32 s3, s0;
	s1 =	sshll.u32 s1, $0x11  }
0xbc: {  	s0 =	sor.u32 s1, s0  }
0xbd: {  	s0 =	sadd.s32 $0x8F2B, s0  }
0xbe: {  	[sflag:s0] =	ssyncadd.remote.s32 $0x1  }
0xbf: {  	_ =	sfence.sel $0xFFFF  }
0xc0: {  	[dreg:$0x0] =	wrdreg $0xFFFFFFFF;
	(pc) =	sbr.abs _section_cstart, $3  }
0xc1: {  	[dreg:$0x1] =	wrdreg $0xFFFFFFFF  }
0xc2: {  	_ =	task.clear_ibuf [dreg:s6], $0x2FFFF;
	_ =	strace $0x9FFFFFFF  }
0xc3: {  	(tm) =	ssettm $0x7FFFFFFF  }
tec
execute0_lowered:
.L_overlay_start_1:
0x0: {  	(tag) =	ssettag $0x1  }
0x1: {  	s0 =	rddreg [dreg:$0x0];
	s2 =	srdreg.scid  }
0x2: {  	s3 =	stileid.u32;
	s1 =	rddreg [dreg:$0x1];
	s6 =	simm.s32 $0x0  }
0x3: {  	s28 =	simm.s32 $0x1;
	s29 =	simm.s32 $0xB000;
	s30 =	simm.s32 $0x2  }
0x4: {  	s5 =	sand.u32 $0x1, s2;
	s4 =	sshll.u32 s3, $0x1;
	s2 =	rddreg [dreg:$0x2]  }
0x5: {  	[smem:$0x7FF] =	sst s6;
	s7 =	smul.u32 $0x13C00, s3;
	s15 =	sadd.s32 $0x1A00, s0  }
0x6: {  	s6 =	sadd.s32 $0x3D800, s0;
	s16 =	sadd.s32 $0x15A00, s0;
	s12 =	smul.u32 $0x4F000, s3  }
0x7: {  	s13 =	smul.u32 $0x5000, s3;
	s19 =	sshll.u32 s3, $0x6;
	p0 =	sne.s32 s3, $0x0  }
0x8: {  	s4 =	sor.u32 s5, s4;
	_ =	strace $0x8000004A;
	s9 =	smul.u32 $0x13C000, s5  }
0x9: {  	[dreg:$0x5] =	wrdreg s16;
	s17 =	sshll.u32 s5, $0x4;
	s18 =	ssub.s32 $0x2, s5  }
0xa: {  	s5 =	smul.u32 $0x2800, s5;
	s21 =	sor.u32 $0x1C05, s19;
	[dreg:$0x4] =	wrdreg s15  }
0xb: {  	s19 =	simm.s32 $0x5;
	s16 =	simm.s32 $0x2D00;
	s4 =	smul.u32 $0x2800, s4  }
0xc: {  	s11 =	sshrl.u32 s7, $0x3;
	s14 =	sshrl.u32 s18, $0x1;
	s12 =	sshrl.u32 s12, $0x2  }
0xd: {  	[dreg:$0x7] =	wrdreg s21;
	s7 =	sadd.s32 s7, s9;
	s31 =	sadd.s32 s11, s0  }
0xe: {  	s11 =	ssub.s32 s18, s14;
	s12 =	sadd.s32 s12, s1;
	s5 =	sadd.s32 s5, s13  }
0xf: {  	s13 =	simm.s32 $0x2800;
	s14 =	simm.s32 $0x4;
	s18 =	simm.s32 $0x2E80  }
0x10: {  	s8 =	sshrl.u32 s4, $0x3;
	s4 =	sadd.s32 $0x16000, s0;
	s7 =	sshrl.u32 s7, $0x3  }
0x11: {  	s9 =	sadd.s32 $0x3DE00, s31;
	s23 =	sadd.s32 $0xC00, s5;
	s25 =	smax.u32 s11, $0x1  }
0x12: {  	s31 =	sadd.s32 $0x800, s5;
	s5 =	sshrl.u32 @!p0 s2, $0x3;
	[dreg:$0x6] =	wrdreg s9  }
0x13: {  	s11 =	simm.s32 $0x2E00;
	s10 =	sadd.s32 s8, s0;
	[dreg:$0xd] =	wrdreg s25  }
0x14: {  	s7 =	sadd.s32 s7, s0;
	s0 =	sadd.s32 s17, s0;
	[dreg:$0xf] =	wrdreg s31  }
0x15: {  	s22 =	sadd.s32 s15, s8;
	s24 =	sshrl.u32 s23, $0x3;
	[dreg:$0x11] =	wrdreg s5  }
0x16: {  	s8 =	sshrl.u32 s12, $0x3;
	s23 =	simm.s32 $0x80;
	[dreg:$0x9] =	wrdreg s22  }
0x17: {  	s25 =	simm.s32 $0x7000;
	s20 =	sadd.s32 $0xBA00, s10;
	[dreg:$0x10] =	wrdreg s8  }
0x18: {  	s17 =	simm.s32 $0x2D80;
	s9 =	sadd.s32 $0x80, s22;
	[dreg:$0x8] =	wrdreg s20  }
.Ltmp0:
0x19: {  	s7 =	sadd.s32 $0x65600, s7;
	[dreg:$0xa] =	wrdreg s9;
	(pc) =	sbr.rel .LBB2_1-.Ltmp0, $4  }
0x1a: {  	s0 =	sadd.s32 $0xB4600, s0;
	s26 =	sadd.s32 s24, s15;
	[dreg:$0xb] =	wrdreg s7  }
0x1b: {  	s22 =	simm.s32 $0x2C00;
	s24 =	simm.s32 $0x3000;
	[dreg:$0xc] =	wrdreg s0  }
0x1c: {  	s15 =	simm.s32 $0x2C80;
	[dreg:$0xe] =	wrdreg s26;
	s26 =	simm.s32 $0x3  }
0x1d: {  	s20 =	simm.s32 $0x2F00;
	s9 =	simm.s32 $0x2F80;
	s7 =	simm.s32 $0x0  }
.LBB2_4:
0x1e: {  	[tilespmem:s29], [sflag:$0x5] =	stream.indirect.gather [hbm4b:s6+s23], $0x1, s9, s23, $0xb8;
	[tilespmem:$0x1EEF8] =	vst v63  }
0x1f: {  	_ =	swait.ge [sflag:s19], $0x80  }
0x20: {  	[sflag:s19] =	ssyncset.done $0x0  }
0x21: {  	[sflag:s19] =	ssyncadd.s32 $0xFFFFFF80  }
0x22: {  	[spmem:s2] =	stream.indirect.scatter.add.f32 [tilespmem:s29], [sflag:$0x5], $0x1, s0, s23, $0xb8;
	[tilespmem:$0x1EEF8] =	vst v63  }
0x23: {  	_ =	swait.ge [sflag:s19], $0x80  }
0x24: {  	[sflag:s19] =	ssyncset.done $0x0  }
0x25: {  	[sflag:s19] =	ssyncadd.s32 $0xFFFFFF80  }
0x26: {  	[bflag:$0x0] =	sbarrier.arrive $0xFFFF  }
0x27: {  	s21 =	rddreg [dreg:$0x7]  }
0x28: {  	s10 =	rddreg [dreg:$0xb]  }
0x29: {  	s8 =	rddreg [dreg:$0x10]  }
0x2a: {  	[hbm:s10], [sflag:s21] =	dma.local [spmem:s8], $0x2780  }
0x2b: {  	s3 =	simm.s32 @!p0 $0x20;
	_ =	swait.ge [sflag:s19], $0x2780  }
0x2c: {  	s5 =	simm.s32 @!p0 $0x10;
	[sflag:s19] =	ssyncset.done $0x0;
	s7 =	rddreg [dreg:$0xc]  }
0x2d: {  	s0 =	simm.s32 @!p0 $0x1;
	s10 =	rddreg [dreg:$0x11];
	[sflag:s19] =	ssyncadd.s32 $0xFFFFD880  }
0x2e: {  	[hbm:s7@s3], [sflag:s21] =	dma.strided @!p0 [spmem:s10@s5], $0x4F0, s0, $0x10   }
0x2f: {  	s0 =	simm.s32 @!p0 $0x5  }
0x30: {  	_ =	swait.ge @!p0 [sflag:s0], $0x4F0  }
0x31: {  	s12 =	rddreg [dreg:$0x12]  }
0x32: {  	s31 =	rddreg [dreg:$0xd];
	s7 =	sadd.s32 $0x1, s12  }
0x33: {  	p1 =	sne.s32 s7, s31  }
.Ltmp1:
0x34: {  	_ = 	snop;
	(pc) =	sbr.rel @!p1 .LBB2_5-.Ltmp1, $3  }
0x35: {  	_ =	sdelay $0x1  }
0x36: {  	[sflag:s0] =	ssyncset.done @!p0 $0x0  }
0x37: {  	s5 =	smov.u32 s10;
	[sflag:s0] =	ssyncadd.s32 @!p0 $0xFFFFFB10  }
.LBB2_1:
0x38: {  	[dreg:$0x12] =	wrdreg s7  }
0x39: {  	s0 =	rddreg [dreg:$0x6]  }
0x3a: {  	[spmem:s8], [sflag:s21] =	dma.local [hbm:s0], $0x2780  }
0x3b: {  	_ =	swait.ge [sflag:s19], $0x2780  }
0x3c: {  	[sflag:s19] =	ssyncset.done $0x0  }
0x3d: {  	s0 =	rddreg [dreg:$0x5];
	[sflag:s19] =	ssyncadd.s32 $0xFFFFD880  }
0x3e: {  	[spmem:s5], [sflag:s21] =	dma.local @!p0 [hbm:s0], $0x4F0  }
0x3f: {  	s0 =	simm.s32 @!p0 $0x5  }
0x40: {  	_ =	swait.ge @!p0 [sflag:s0], $0x4F0  }
0x41: {  	[sflag:s0] =	ssyncset.done @!p0 $0x0  }
0x42: {  	s12 =	simm.s32 $0x0;
	s3 =	rddreg [dreg:$0x8];
	[sflag:s0] =	ssyncadd.s32 @!p0 $0xFFFFFB10  }
0x43: {  	[tilespmem:s12], [sflag:$0x5] =	stream.linear.gather [hbm4b:s3+s12], $0x2800, $0x38;
	[tilespmem:$0x1EEF8] =	vst v63  }
0x44: {  	_ =	swait.ge [sflag:s19], $0x2800  }
0x45: {  	[sflag:s19] =	ssyncset.done $0x0  }
0x46: {  	s21 =	rddreg [dreg:$0x9];
	[sflag:s19] =	ssyncadd.s32 $0xFFFFD800  }
0x47: {  	[tilespmem:s13], [sflag:$0x3] =	stream.linear.gather [hbm4b:s21+s12], $0x400, $0x38;
	[tilespmem:$0x1EEF8] =	vst v63  }
0x48: {  	s31 =	rddreg [dreg:$0xa]  }
0x49: {  	[tilespmem:s22], [sflag:$0x4] =	stream.linear.gather [hbm4b:s31+s12], $0x400, $0x38;
	[tilespmem:$0x1EEF8] =	vst v63  }
0x4a: {  	[bflag:$0x0] =	sbarrier.arrive $0xFFFF  }
0x4b: {  	[tilespmem:s24], [sflag:$0x1] =	stream.indirect.gather [hbm4b:s4+s23], $0x80, s12, s23, $0xb8;
	[tilespmem:$0x1EEF8] =	vst v63  }
0x4c: {  	s3 =	rddreg [dreg:$0xf]  }
0x4d: {  	s21 =	simm.s32 $0x0;
	s5 =	rddreg [dreg:$0xe]  }
0x4e: {  	[tilespmem:s25], [sflag:$0x2] =	stream.indirect.gather [hbm4b:s4+s23], $0x80, s23, s23, $0xb8;
	[tilespmem:$0x1EEF8] =	vst v63  }
.LBB2_2:
0x4f: {  	_ =	swait.ge [sflag:s26], $0x400  }
0x50: {  	[sflag:s26] =	ssyncset.done $0x0  }
0x51: {  	[sflag:s26] =	ssyncadd.s32 $0xFFFFFC00  }
0x52: {  	_ =	swait.ge [sflag:s28], $0x4000  }
0x53: {  	[sflag:s28] =	ssyncset.done $0x0  }
0x54: {  	s7 =	simm.s32 $0x2800;
	[sflag:s28] =	ssyncadd.s32 $0xFFFFC000  }
0x55: {  	[spmem:s1] =	stream.indirect.scatter.add.f32 [tilespmem:s24], [sflag:$0x5], $0x80, s7, s23, $0xb8;
	[tilespmem:$0x1EEF8] =	vst v63  }
0x56: {  	_ =	swait.ge [sflag:s19], $0x4000  }
0x57: {  	s31 =	sshra.s32 s21, $0x2;
	[sflag:s19] =	ssyncset.done $0x0  }
0x58: {  	s0 =	sadd.s32 $0x100, s31;
	[sflag:s19] =	ssyncadd.s32 $0xFFFFC000  }
0x59: {  	[tilespmem:s24], [sflag:$0x1] =	stream.indirect.gather [hbm4b:s4+s23], $0x80, s0, s23, $0xb8;
	[tilespmem:$0x1EEF8] =	vst v63  }
0x5a: {  	_ = 	snop  }
0x5b: {  	[tilespmem:s29], [sflag:$0x5] =	stream.indirect.gather [hbm4b:s6+s23], $0x1, s7, s23, $0xb8;
	[tilespmem:$0x1EEF8] =	vst v63  }
0x5c: {  	_ =	swait.ge [sflag:s19], $0x80  }
0x5d: {  	[sflag:s19] =	ssyncset.done $0x0  }
0x5e: {  	[sflag:s19] =	ssyncadd.s32 $0xFFFFFF80  }
0x5f: {  	[spmem:s2] =	stream.indirect.scatter.add.f32 [tilespmem:s29], [sflag:$0x5], $0x1, s31, s23, $0xb8;
	[tilespmem:$0x1EEF8] =	vst v63  }
0x60: {  	_ =	swait.ge [sflag:s19], $0x80  }
0x61: {  	[sflag:s19] =	ssyncset.done $0x0  }
0x62: {  	[sflag:s19] =	ssyncadd.s32 $0xFFFFFF80  }
0x63: {  	_ =	swait.ge [sflag:s30], $0x4000  }
0x64: {  	[sflag:s30] =	ssyncset.done $0x0  }
0x65: {  	s8 =	simm.s32 $0x2880;
	[sflag:s30] =	ssyncadd.s32 $0xFFFFC000  }
0x66: {  	[spmem:s1] =	stream.indirect.scatter.add.f32 [tilespmem:s25], [sflag:$0x5], $0x80, s8, s23, $0xb8;
	[tilespmem:$0x1EEF8] =	vst v63  }
0x67: {  	_ =	swait.ge [sflag:s19], $0x4000  }
0x68: {  	[sflag:s19] =	ssyncset.done $0x0  }
0x69: {  	s7 =	sadd.s32 $0x180, s31;
	[sflag:s19] =	ssyncadd.s32 $0xFFFFC000  }
0x6a: {  	[tilespmem:s25], [sflag:$0x2] =	stream.indirect.gather [hbm4b:s4+s23], $0x80, s7, s23, $0xb8;
	[tilespmem:$0x1EEF8] =	vst v63  }
0x6b: {  	_ = 	snop  }
0x6c: {  	[tilespmem:s29], [sflag:$0x5] =	stream.indirect.gather [hbm4b:s6+s23], $0x1, s8, s23, $0xb8;
	[tilespmem:$0x1EEF8] =	vst v63  }
0x6d: {  	_ =	swait.ge [sflag:s19], $0x80  }
0x6e: {  	[sflag:s19] =	ssyncset.done $0x0  }
0x6f: {  	s10 =	sadd.s32 $0x80, s31;
	[sflag:s19] =	ssyncadd.s32 $0xFFFFFF80  }
0x70: {  	[spmem:s2] =	stream.indirect.scatter.add.f32 [tilespmem:s29], [sflag:$0x5], $0x1, s10, s23, $0xb8;
	[tilespmem:$0x1EEF8] =	vst v63  }
0x71: {  	_ =	swait.ge [sflag:s19], $0x80  }
0x72: {  	[sflag:s19] =	ssyncset.done $0x0  }
0x73: {  	[sflag:s19] =	ssyncadd.s32 $0xFFFFFF80  }
0x74: {  	_ =	swait.ge [sflag:s28], $0x4000  }
0x75: {  	[sflag:s28] =	ssyncset.done $0x0  }
0x76: {  	s10 =	simm.s32 $0x2900;
	[sflag:s28] =	ssyncadd.s32 $0xFFFFC000  }
0x77: {  	[spmem:s1] =	stream.indirect.scatter.add.f32 [tilespmem:s24], [sflag:$0x5], $0x80, s10, s23, $0xb8;
	[tilespmem:$0x1EEF8] =	vst v63  }
0x78: {  	_ =	swait.ge [sflag:s19], $0x4000  }
0x79: {  	[sflag:s19] =	ssyncset.done $0x0  }
0x7a: {  	s8 =	sadd.s32 $0x200, s31;
	[sflag:s19] =	ssyncadd.s32 $0xFFFFC000  }
0x7b: {  	[tilespmem:s24], [sflag:$0x1] =	stream.indirect.gather [hbm4b:s4+s23], $0x80, s8, s23, $0xb8;
	[tilespmem:$0x1EEF8] =	vst v63  }
0x7c: {  	_ = 	snop  }
0x7d: {  	[tilespmem:s29], [sflag:$0x5] =	stream.indirect.gather [hbm4b:s6+s23], $0x1, s10, s23, $0xb8;
	[tilespmem:$0x1EEF8] =	vst v63  }
0x7e: {  	_ =	swait.ge [sflag:s19], $0x80  }
0x7f: {  	[sflag:s19] =	ssyncset.done $0x0  }
0x80: {  	[sflag:s19] =	ssyncadd.s32 $0xFFFFFF80  }
0x81: {  	[spmem:s2] =	stream.indirect.scatter.add.f32 [tilespmem:s29], [sflag:$0x5], $0x1, s0, s23, $0xb8;
	[tilespmem:$0x1EEF8] =	vst v63  }
0x82: {  	_ =	swait.ge [sflag:s19], $0x80  }
0x83: {  	[sflag:s19] =	ssyncset.done $0x0  }
0x84: {  	[sflag:s19] =	ssyncadd.s32 $0xFFFFFF80  }
0x85: {  	_ =	swait.ge [sflag:s30], $0x4000  }
0x86: {  	[sflag:s30] =	ssyncset.done $0x0  }
0x87: {  	s12 =	simm.s32 $0x2980;
	[sflag:s30] =	ssyncadd.s32 $0xFFFFC000  }
0x88: {  	[spmem:s1] =	stream.indirect.scatter.add.f32 [tilespmem:s25], [sflag:$0x5], $0x80, s12, s23, $0xb8;
	[tilespmem:$0x1EEF8] =	vst v63  }
0x89: {  	_ =	swait.ge [sflag:s19], $0x4000  }
0x8a: {  	[sflag:s19] =	ssyncset.done $0x0  }
0x8b: {  	s0 =	sadd.s32 $0x280, s31;
	[sflag:s19] =	ssyncadd.s32 $0xFFFFC000  }
0x8c: {  	[tilespmem:s25], [sflag:$0x2] =	stream.indirect.gather [hbm4b:s4+s23], $0x80, s0, s23, $0xb8;
	[tilespmem:$0x1EEF8] =	vst v63  }
0x8d: {  	_ = 	snop  }
0x8e: {  	[tilespmem:s29], [sflag:$0x5] =	stream.indirect.gather [hbm4b:s6+s23], $0x1, s12, s23, $0xb8;
	[tilespmem:$0x1EEF8] =	vst v63  }
0x8f: {  	_ =	swait.ge [sflag:s19], $0x80  }
0x90: {  	[sflag:s19] =	ssyncset.done $0x0  }
0x91: {  	[sflag:s19] =	ssyncadd.s32 $0xFFFFFF80  }
0x92: {  	[spmem:s2] =	stream.indirect.scatter.add.f32 [tilespmem:s29], [sflag:$0x5], $0x1, s7, s23, $0xb8;
	[tilespmem:$0x1EEF8] =	vst v63  }
0x93: {  	_ =	swait.ge [sflag:s19], $0x80  }
0x94: {  	[sflag:s19] =	ssyncset.done $0x0  }
0x95: {  	[sflag:s19] =	ssyncadd.s32 $0xFFFFFF80  }
0x96: {  	_ =	swait.ge [sflag:s28], $0x4000  }
0x97: {  	[sflag:s28] =	ssyncset.done $0x0  }
0x98: {  	s12 =	simm.s32 $0x2A00;
	[sflag:s28] =	ssyncadd.s32 $0xFFFFC000  }
0x99: {  	[spmem:s1] =	stream.indirect.scatter.add.f32 [tilespmem:s24], [sflag:$0x5], $0x80, s12, s23, $0xb8;
	[tilespmem:$0x1EEF8] =	vst v63  }
0x9a: {  	_ =	swait.ge [sflag:s19], $0x4000  }
0x9b: {  	[sflag:s19] =	ssyncset.done $0x0  }
0x9c: {  	s7 =	sadd.s32 $0x300, s31;
	[sflag:s19] =	ssyncadd.s32 $0xFFFFC000  }
0x9d: {  	[tilespmem:s24], [sflag:$0x1] =	stream.indirect.gather [hbm4b:s4+s23], $0x80, s7, s23, $0xb8;
	[tilespmem:$0x1EEF8] =	vst v63  }
0x9e: {  	_ = 	snop  }
0x9f: {  	[tilespmem:s29], [sflag:$0x5] =	stream.indirect.gather [hbm4b:s6+s23], $0x1, s12, s23, $0xb8;
	[tilespmem:$0x1EEF8] =	vst v63  }
0xa0: {  	_ =	swait.ge [sflag:s19], $0x80  }
0xa1: {  	[sflag:s19] =	ssyncset.done $0x0  }
0xa2: {  	[sflag:s19] =	ssyncadd.s32 $0xFFFFFF80  }
0xa3: {  	[spmem:s2] =	stream.indirect.scatter.add.f32 [tilespmem:s29], [sflag:$0x5], $0x1, s8, s23, $0xb8;
	[tilespmem:$0x1EEF8] =	vst v63  }
0xa4: {  	_ =	swait.ge [sflag:s19], $0x80  }
0xa5: {  	[sflag:s19] =	ssyncset.done $0x0  }
0xa6: {  	[sflag:s19] =	ssyncadd.s32 $0xFFFFFF80  }
0xa7: {  	_ =	swait.ge [sflag:s30], $0x4000  }
0xa8: {  	[sflag:s30] =	ssyncset.done $0x0  }
0xa9: {  	s12 =	simm.s32 $0x2A80;
	[sflag:s30] =	ssyncadd.s32 $0xFFFFC000  }
0xaa: {  	[spmem:s1] =	stream.indirect.scatter.add.f32 [tilespmem:s25], [sflag:$0x5], $0x80, s12, s23, $0xb8;
	[tilespmem:$0x1EEF8] =	vst v63  }
0xab: {  	_ =	swait.ge [sflag:s19], $0x4000  }
0xac: {  	[sflag:s19] =	ssyncset.done $0x0  }
0xad: {  	s8 =	sadd.s32 $0x380, s31;
	[sflag:s19] =	ssyncadd.s32 $0xFFFFC000  }
0xae: {  	[tilespmem:s25], [sflag:$0x2] =	stream.indirect.gather [hbm4b:s4+s23], $0x80, s8, s23, $0xb8;
	[tilespmem:$0x1EEF8] =	vst v63  }
0xaf: {  	_ = 	snop  }
0xb0: {  	[tilespmem:s29], [sflag:$0x5] =	stream.indirect.gather [hbm4b:s6+s23], $0x1, s12, s23, $0xb8;
	[tilespmem:$0x1EEF8] =	vst v63  }
0xb1: {  	_ =	swait.ge [sflag:s19], $0x80  }
0xb2: {  	[sflag:s19] =	ssyncset.done $0x0  }
0xb3: {  	[sflag:s19] =	ssyncadd.s32 $0xFFFFFF80  }
0xb4: {  	[spmem:s2] =	stream.indirect.scatter.add.f32 [tilespmem:s29], [sflag:$0x5], $0x1, s0, s23, $0xb8;
	[tilespmem:$0x1EEF8] =	vst v63  }
0xb5: {  	_ =	swait.ge [sflag:s19], $0x80  }
0xb6: {  	[sflag:s19] =	ssyncset.done $0x0  }
0xb7: {  	[sflag:s19] =	ssyncadd.s32 $0xFFFFFF80  }
0xb8: {  	_ =	swait.ge [sflag:s28], $0x4000  }
0xb9: {  	[sflag:s28] =	ssyncset.done $0x0  }
0xba: {  	s12 =	simm.s32 $0x2B00;
	[sflag:s28] =	ssyncadd.s32 $0xFFFFC000  }
0xbb: {  	[spmem:s1] =	stream.indirect.scatter.add.f32 [tilespmem:s24], [sflag:$0x5], $0x80, s12, s23, $0xb8;
	[tilespmem:$0x1EEF8] =	vst v63  }
0xbc: {  	_ =	swait.ge [sflag:s19], $0x4000  }
0xbd: {  	[sflag:s19] =	ssyncset.done $0x0  }
0xbe: {  	s0 =	sadd.s32 $0x400, s31;
	[sflag:s19] =	ssyncadd.s32 $0xFFFFC000  }
0xbf: {  	[tilespmem:s24], [sflag:$0x1] =	stream.indirect.gather [hbm4b:s4+s23], $0x80, s0, s23, $0xb8;
	[tilespmem:$0x1EEF8] =	vst v63  }
0xc0: {  	_ = 	snop  }
0xc1: {  	[tilespmem:s29], [sflag:$0x5] =	stream.indirect.gather [hbm4b:s6+s23], $0x1, s12, s23, $0xb8;
	[tilespmem:$0x1EEF8] =	vst v63  }
0xc2: {  	_ =	swait.ge [sflag:s19], $0x80  }
0xc3: {  	[sflag:s19] =	ssyncset.done $0x0  }
0xc4: {  	[sflag:s19] =	ssyncadd.s32 $0xFFFFFF80  }
0xc5: {  	[spmem:s2] =	stream.indirect.scatter.add.f32 [tilespmem:s29], [sflag:$0x5], $0x1, s7, s23, $0xb8;
	[tilespmem:$0x1EEF8] =	vst v63  }
0xc6: {  	_ =	swait.ge [sflag:s19], $0x80  }
0xc7: {  	[sflag:s19] =	ssyncset.done $0x0  }
0xc8: {  	[sflag:s19] =	ssyncadd.s32 $0xFFFFFF80  }
0xc9: {  	_ =	swait.ge [sflag:s30], $0x4000  }
0xca: {  	[sflag:s30] =	ssyncset.done $0x0  }
0xcb: {  	s12 =	simm.s32 $0x2B80;
	[sflag:s30] =	ssyncadd.s32 $0xFFFFC000  }
0xcc: {  	[spmem:s1] =	stream.indirect.scatter.add.f32 [tilespmem:s25], [sflag:$0x5], $0x80, s12, s23, $0xb8;
	[tilespmem:$0x1EEF8] =	vst v63  }
0xcd: {  	_ =	swait.ge [sflag:s19], $0x4000  }
0xce: {  	[sflag:s19] =	ssyncset.done $0x0  }
0xcf: {  	s7 =	sadd.s32 $0x480, s31;
	[sflag:s19] =	ssyncadd.s32 $0xFFFFC000  }
0xd0: {  	[tilespmem:s25], [sflag:$0x2] =	stream.indirect.gather [hbm4b:s4+s23], $0x80, s7, s23, $0xb8;
	[tilespmem:$0x1EEF8] =	vst v63  }
0xd1: {  	_ = 	snop  }
0xd2: {  	[tilespmem:s29], [sflag:$0x5] =	stream.indirect.gather [hbm4b:s6+s23], $0x1, s12, s23, $0xb8;
	[tilespmem:$0x1EEF8] =	vst v63  }
0xd3: {  	_ =	swait.ge [sflag:s19], $0x80  }
0xd4: {  	[sflag:s19] =	ssyncset.done $0x0  }
0xd5: {  	p1 =	seq.s32 s21, $0x8000;
	[sflag:s19] =	ssyncadd.s32 $0xFFFFFF80  }
0xd6: {  	[spmem:s2] =	stream.indirect.scatter.add.f32 [tilespmem:s29], [sflag:$0x5], $0x1, s8, s23, $0xb8;
	[tilespmem:$0x1EEF8] =	vst v63  }
0xd7: {  	s12 =	simm.s32 @!p1 $0x2800;
	_ =	swait.ge [sflag:s19], $0x80  }
0xd8: {  	s8 =	sshrl.u32 @!p1 s3, $0x3;
	[sflag:s19] =	ssyncset.done $0x0;
	s10 =	rddreg [dreg:$0x4]  }
0xd9: {  	[sflag:s19] =	ssyncadd.s32 $0xFFFFFF80;
	s8 =	sadd.s32 @!p1 s10, s8;
	s10 =	simm.s32 @!p1 $0x0  }
0xda: {  	[tilespmem:s12], [sflag:$0x3] =	stream.linear.gather @!p1 [hbm4b:s8+s10], $0x400, $0x38;
	[tilespmem:$0x1EEF8] =	vst v63  }
0xdb: {  	_ =	swait.ge [sflag:s14], $0x400  }
0xdc: {  	[sflag:s14] =	ssyncset.done $0x0  }
0xdd: {  	[sflag:s14] =	ssyncadd.s32 $0xFFFFFC00  }
0xde: {  	_ =	swait.ge [sflag:s28], $0x4000  }
0xdf: {  	[sflag:s28] =	ssyncset.done $0x0  }
0xe0: {  	[sflag:s28] =	ssyncadd.s32 $0xFFFFC000  }
0xe1: {  	[spmem:s1] =	stream.indirect.scatter.add.f32 [tilespmem:s24], [sflag:$0x5], $0x80, s22, s23, $0xb8;
	[tilespmem:$0x1EEF8] =	vst v63  }
0xe2: {  	_ =	swait.ge [sflag:s19], $0x4000  }
0xe3: {  	[sflag:s19] =	ssyncset.done $0x0  }
0xe4: {  	s12 =	sadd.s32 $0x500, s31;
	[sflag:s19] =	ssyncadd.s32 $0xFFFFC000  }
0xe5: {  	[tilespmem:s24], [sflag:$0x1] =	stream.indirect.gather [hbm4b:s4+s23], $0x80, s12, s23, $0xb8;
	[tilespmem:$0x1EEF8] =	vst v63  }
0xe6: {  	_ = 	snop  }
0xe7: {  	[tilespmem:s29], [sflag:$0x5] =	stream.indirect.gather [hbm4b:s6+s23], $0x1, s22, s23, $0xb8;
	[tilespmem:$0x1EEF8] =	vst v63  }
0xe8: {  	_ =	swait.ge [sflag:s19], $0x80  }
0xe9: {  	[sflag:s19] =	ssyncset.done $0x0  }
0xea: {  	[sflag:s19] =	ssyncadd.s32 $0xFFFFFF80  }
0xeb: {  	[spmem:s2] =	stream.indirect.scatter.add.f32 [tilespmem:s29], [sflag:$0x5], $0x1, s0, s23, $0xb8;
	[tilespmem:$0x1EEF8] =	vst v63  }
0xec: {  	_ =	swait.ge [sflag:s19], $0x80  }
0xed: {  	[sflag:s19] =	ssyncset.done $0x0  }
0xee: {  	[sflag:s19] =	ssyncadd.s32 $0xFFFFFF80  }
0xef: {  	_ =	swait.ge [sflag:s30], $0x4000  }
0xf0: {  	[sflag:s30] =	ssyncset.done $0x0  }
0xf1: {  	[sflag:s30] =	ssyncadd.s32 $0xFFFFC000  }
0xf2: {  	[spmem:s1] =	stream.indirect.scatter.add.f32 [tilespmem:s25], [sflag:$0x5], $0x80, s15, s23, $0xb8;
	[tilespmem:$0x1EEF8] =	vst v63  }
0xf3: {  	_ =	swait.ge [sflag:s19], $0x4000  }
0xf4: {  	[sflag:s19] =	ssyncset.done $0x0  }
0xf5: {  	s10 =	sadd.s32 $0x580, s31;
	[sflag:s19] =	ssyncadd.s32 $0xFFFFC000  }
0xf6: {  	[tilespmem:s25], [sflag:$0x2] =	stream.indirect.gather [hbm4b:s4+s23], $0x80, s10, s23, $0xb8;
	[tilespmem:$0x1EEF8] =	vst v63  }
0xf7: {  	_ = 	snop  }
0xf8: {  	[tilespmem:s29], [sflag:$0x5] =	stream.indirect.gather [hbm4b:s6+s23], $0x1, s15, s23, $0xb8;
	[tilespmem:$0x1EEF8] =	vst v63  }
0xf9: {  	_ =	swait.ge [sflag:s19], $0x80  }
0xfa: {  	[sflag:s19] =	ssyncset.done $0x0  }
0xfb: {  	[sflag:s19] =	ssyncadd.s32 $0xFFFFFF80  }
0xfc: {  	[spmem:s2] =	stream.indirect.scatter.add.f32 [tilespmem:s29], [sflag:$0x5], $0x1, s7, s23, $0xb8;
	[tilespmem:$0x1EEF8] =	vst v63  }
0xfd: {  	_ =	swait.ge [sflag:s19], $0x80  }
0xfe: {  	[sflag:s19] =	ssyncset.done $0x0  }
0xff: {  	[sflag:s19] =	ssyncadd.s32 $0xFFFFFF80  }
0x100: {  	_ =	swait.ge [sflag:s28], $0x4000  }
0x101: {  	[sflag:s28] =	ssyncset.done $0x0  }
0x102: {  	[sflag:s28] =	ssyncadd.s32 $0xFFFFC000  }
0x103: {  	[spmem:s1] =	stream.indirect.scatter.add.f32 [tilespmem:s24], [sflag:$0x5], $0x80, s16, s23, $0xb8;
	[tilespmem:$0x1EEF8] =	vst v63  }
0x104: {  	_ =	swait.ge [sflag:s19], $0x4000  }
0x105: {  	[sflag:s19] =	ssyncset.done $0x0  }
0x106: {  	s7 =	sadd.s32 $0x600, s31;
	[sflag:s19] =	ssyncadd.s32 $0xFFFFC000  }
0x107: {  	[tilespmem:s24], [sflag:$0x1] =	stream.indirect.gather [hbm4b:s4+s23], $0x80, s7, s23, $0xb8;
	[tilespmem:$0x1EEF8] =	vst v63  }
0x108: {  	_ = 	snop  }
0x109: {  	[tilespmem:s29], [sflag:$0x5] =	stream.indirect.gather [hbm4b:s6+s23], $0x1, s16, s23, $0xb8;
	[tilespmem:$0x1EEF8] =	vst v63  }
0x10a: {  	_ =	swait.ge [sflag:s19], $0x80  }
0x10b: {  	[sflag:s19] =	ssyncset.done $0x0  }
0x10c: {  	[sflag:s19] =	ssyncadd.s32 $0xFFFFFF80  }
0x10d: {  	[spmem:s2] =	stream.indirect.scatter.add.f32 [tilespmem:s29], [sflag:$0x5], $0x1, s12, s23, $0xb8;
	[tilespmem:$0x1EEF8] =	vst v63  }
0x10e: {  	_ =	swait.ge [sflag:s19], $0x80  }
0x10f: {  	[sflag:s19] =	ssyncset.done $0x0  }
0x110: {  	[sflag:s19] =	ssyncadd.s32 $0xFFFFFF80  }
0x111: {  	_ =	swait.ge [sflag:s30], $0x4000  }
0x112: {  	[sflag:s30] =	ssyncset.done $0x0  }
0x113: {  	[sflag:s30] =	ssyncadd.s32 $0xFFFFC000  }
0x114: {  	[spmem:s1] =	stream.indirect.scatter.add.f32 [tilespmem:s25], [sflag:$0x5], $0x80, s17, s23, $0xb8;
	[tilespmem:$0x1EEF8] =	vst v63  }
0x115: {  	_ =	swait.ge [sflag:s19], $0x4000  }
0x116: {  	[sflag:s19] =	ssyncset.done $0x0  }
0x117: {  	s12 =	sadd.s32 $0x680, s31;
	[sflag:s19] =	ssyncadd.s32 $0xFFFFC000  }
0x118: {  	[tilespmem:s25], [sflag:$0x2] =	stream.indirect.gather [hbm4b:s4+s23], $0x80, s12, s23, $0xb8;
	[tilespmem:$0x1EEF8] =	vst v63  }
0x119: {  	_ = 	snop  }
0x11a: {  	[tilespmem:s29], [sflag:$0x5] =	stream.indirect.gather [hbm4b:s6+s23], $0x1, s17, s23, $0xb8;
	[tilespmem:$0x1EEF8] =	vst v63  }
0x11b: {  	_ =	swait.ge [sflag:s19], $0x80  }
0x11c: {  	[sflag:s19] =	ssyncset.done $0x0  }
0x11d: {  	[sflag:s19] =	ssyncadd.s32 $0xFFFFFF80  }
0x11e: {  	[spmem:s2] =	stream.indirect.scatter.add.f32 [tilespmem:s29], [sflag:$0x5], $0x1, s10, s23, $0xb8;
	[tilespmem:$0x1EEF8] =	vst v63  }
0x11f: {  	_ =	swait.ge [sflag:s19], $0x80  }
0x120: {  	[sflag:s19] =	ssyncset.done $0x0  }
0x121: {  	[sflag:s19] =	ssyncadd.s32 $0xFFFFFF80  }
0x122: {  	_ =	swait.ge [sflag:s28], $0x4000  }
0x123: {  	[sflag:s28] =	ssyncset.done $0x0  }
0x124: {  	[sflag:s28] =	ssyncadd.s32 $0xFFFFC000  }
0x125: {  	[spmem:s1] =	stream.indirect.scatter.add.f32 [tilespmem:s24], [sflag:$0x5], $0x80, s11, s23, $0xb8;
	[tilespmem:$0x1EEF8] =	vst v63  }
0x126: {  	_ =	swait.ge [sflag:s19], $0x4000  }
0x127: {  	[sflag:s19] =	ssyncset.done $0x0  }
0x128: {  	s10 =	sadd.s32 $0x700, s31;
	[sflag:s19] =	ssyncadd.s32 $0xFFFFC000  }
0x129: {  	[tilespmem:s24], [sflag:$0x1] =	stream.indirect.gather [hbm4b:s4+s23], $0x80, s10, s23, $0xb8;
	[tilespmem:$0x1EEF8] =	vst v63  }
0x12a: {  	_ = 	snop  }
0x12b: {  	[tilespmem:s29], [sflag:$0x5] =	stream.indirect.gather [hbm4b:s6+s23], $0x1, s11, s23, $0xb8;
	[tilespmem:$0x1EEF8] =	vst v63  }
0x12c: {  	_ =	swait.ge [sflag:s19], $0x80  }
0x12d: {  	[sflag:s19] =	ssyncset.done $0x0  }
0x12e: {  	[sflag:s19] =	ssyncadd.s32 $0xFFFFFF80  }
0x12f: {  	[spmem:s2] =	stream.indirect.scatter.add.f32 [tilespmem:s29], [sflag:$0x5], $0x1, s7, s23, $0xb8;
	[tilespmem:$0x1EEF8] =	vst v63  }
0x130: {  	_ =	swait.ge [sflag:s19], $0x80  }
0x131: {  	[sflag:s19] =	ssyncset.done $0x0  }
0x132: {  	[sflag:s19] =	ssyncadd.s32 $0xFFFFFF80  }
0x133: {  	_ =	swait.ge [sflag:s30], $0x4000  }
0x134: {  	[sflag:s30] =	ssyncset.done $0x0  }
0x135: {  	[sflag:s30] =	ssyncadd.s32 $0xFFFFC000  }
0x136: {  	[spmem:s1] =	stream.indirect.scatter.add.f32 [tilespmem:s25], [sflag:$0x5], $0x80, s18, s23, $0xb8;
	[tilespmem:$0x1EEF8] =	vst v63  }
0x137: {  	_ =	swait.ge [sflag:s19], $0x4000  }
0x138: {  	[sflag:s19] =	ssyncset.done $0x0  }
0x139: {  	s0 =	sadd.s32 $0x780, s31;
	[sflag:s19] =	ssyncadd.s32 $0xFFFFC000  }
0x13a: {  	[tilespmem:s25], [sflag:$0x2] =	stream.indirect.gather [hbm4b:s4+s23], $0x80, s0, s23, $0xb8;
	[tilespmem:$0x1EEF8] =	vst v63  }
0x13b: {  	_ = 	snop  }
0x13c: {  	[tilespmem:s29], [sflag:$0x5] =	stream.indirect.gather [hbm4b:s6+s23], $0x1, s18, s23, $0xb8;
	[tilespmem:$0x1EEF8] =	vst v63  }
0x13d: {  	_ =	swait.ge [sflag:s19], $0x80  }
0x13e: {  	[sflag:s19] =	ssyncset.done $0x0  }
0x13f: {  	[sflag:s19] =	ssyncadd.s32 $0xFFFFFF80  }
0x140: {  	[spmem:s2] =	stream.indirect.scatter.add.f32 [tilespmem:s29], [sflag:$0x5], $0x1, s12, s23, $0xb8;
	[tilespmem:$0x1EEF8] =	vst v63  }
0x141: {  	_ =	swait.ge [sflag:s19], $0x80  }
0x142: {  	[sflag:s19] =	ssyncset.done $0x0  }
0x143: {  	[sflag:s19] =	ssyncadd.s32 $0xFFFFFF80  }
0x144: {  	_ =	swait.ge [sflag:s28], $0x4000  }
0x145: {  	[sflag:s28] =	ssyncset.done $0x0  }
0x146: {  	[sflag:s28] =	ssyncadd.s32 $0xFFFFC000  }
0x147: {  	[spmem:s1] =	stream.indirect.scatter.add.f32 [tilespmem:s24], [sflag:$0x5], $0x80, s20, s23, $0xb8;
	[tilespmem:$0x1EEF8] =	vst v63  }
0x148: {  	_ =	swait.ge [sflag:s19], $0x4000  }
0x149: {  	s8 =	simm.s32 @!p1 $0x80;
	s7 =	sshra.s32 @!p1 s21, $0x2;
	[sflag:s19] =	ssyncset.done $0x0  }
0x14a: {  	s7 =	sadd.s32 @!p1 $0x800, s7;
	s12 =	simm.s32 @!p1 $0x3000;
	[sflag:s19] =	ssyncadd.s32 $0xFFFFC000  }
0x14b: {  	[tilespmem:s12], [sflag:$0x1] =	stream.indirect.gather @!p1 [hbm4b:s4+s8], $0x80, s7, s8, $0xb8;
	[tilespmem:$0x1EEF8] =	vst v63  }
0x14c: {  	_ = 	snop  }
0x14d: {  	[tilespmem:s29], [sflag:$0x5] =	stream.indirect.gather [hbm4b:s6+s23], $0x1, s20, s23, $0xb8;
	[tilespmem:$0x1EEF8] =	vst v63  }
0x14e: {  	_ =	swait.ge [sflag:s19], $0x80  }
0x14f: {  	[sflag:s19] =	ssyncset.done $0x0  }
0x150: {  	[sflag:s19] =	ssyncadd.s32 $0xFFFFFF80  }
0x151: {  	[spmem:s2] =	stream.indirect.scatter.add.f32 [tilespmem:s29], [sflag:$0x5], $0x1, s10, s23, $0xb8;
	[tilespmem:$0x1EEF8] =	vst v63  }
0x152: {  	_ =	swait.ge [sflag:s19], $0x80  }
0x153: {  	[sflag:s19] =	ssyncset.done $0x0  }
0x154: {  	[sflag:s19] =	ssyncadd.s32 $0xFFFFFF80  }
0x155: {  	_ =	swait.ge [sflag:s30], $0x4000  }
0x156: {  	[sflag:s30] =	ssyncset.done $0x0  }
.Ltmp2:
0x157: {  	[sflag:s30] =	ssyncadd.s32 $0xFFFFC000;
	(pc) =	sbr.rel @p1 .LBB2_4-.Ltmp2, $4  }
0x158: {  	[spmem:s1] =	stream.indirect.scatter.add.f32 [tilespmem:s25], [sflag:$0x5], $0x80, s9, s23, $0xb8;
	[tilespmem:$0x1EEF8] =	vst v63  }
0x159: {  	_ =	swait.ge [sflag:s19], $0x4000  }
0x15a: {  	[sflag:s19] =	ssyncset.done $0x0  }
0x15b: {  	s13 =	simm.s32 $0x2800;
	[sflag:s19] =	ssyncadd.s32 $0xFFFFC000  }
0x15c: {  	s7 =	sadd.s32 $0x880, s31  }
0x15d: {  	[tilespmem:s25], [sflag:$0x2] =	stream.indirect.gather [hbm4b:s4+s23], $0x80, s7, s23, $0xb8;
	[tilespmem:$0x1EEF8] =	vst v63  }
0x15e: {  	_ = 	snop  }
0x15f: {  	[tilespmem:s29], [sflag:$0x5] =	stream.indirect.gather [hbm4b:s6+s23], $0x1, s9, s23, $0xb8;
	[tilespmem:$0x1EEF8] =	vst v63  }
0x160: {  	_ =	swait.ge [sflag:s19], $0x80  }
0x161: {  	[sflag:s19] =	ssyncset.done $0x0  }
0x162: {  	[sflag:s19] =	ssyncadd.s32 $0xFFFFFF80  }
0x163: {  	[spmem:s2] =	stream.indirect.scatter.add.f32 [tilespmem:s29], [sflag:$0x5], $0x1, s0, s23, $0xb8;
	[tilespmem:$0x1EEF8] =	vst v63  }
.Ltmp3:
0x164: {  	_ =	swait.ge [sflag:s19], $0x80;
	(pc) =	sbr.rel .LBB2_2-.Ltmp3, $4  }
0x165: {  	[sflag:s19] =	ssyncset.done $0x0  }
0x166: {  	s31 =	simm.s32 $0x0;
	[sflag:s19] =	ssyncadd.s32 $0xFFFFFF80  }
0x167: {  	[tilespmem:s22], [sflag:$0x4] =	stream.linear.gather [hbm4b:s5+s31], $0x400, $0x38;
	[tilespmem:$0x1EEF8] =	vst v63  }
0x168: {  	s21 =	sadd.s32 $0x2000, s21;
	s3 =	sadd.s32 $0x800, s3;
	s5 =	sadd.s32 $0x100, s5  }
.LBB2_5:
0x169: {  	_ =	sfence.sel $0x180000  }
0x16a: {  	[bflag:$0x0] =	sbarrier.arrive $0xFFFF  }
0x16b: {  	_ =	strace $0x9000004A  }
0x16c: {  	[bflag:$0x2] =	sbarrier.arrive $0xFFFF  }
0x16d: {  	s0 =	rddreg [dreg:$0x3]  }
0x16e: {  	s0 =	sadd.s32 @!p0 $0x100000, s0  }
0x16f: {  	[sflag:s0] =	ssyncadd.tile.s32 @!p0 $0x1;
	_ =	shalt  }
.Lfunc_end2:
_tile_overlayer_lowered:
.L_overlay_start_2:
0x170: {  	(tag) =	ssettag $0x2  }
0x171: {  	s0 =	rddreg [dreg:$0x0];
	s2 =	stileid.u32  }
0x172: {  	s1 =	rddreg [dreg:$0x1];
	p0 =	sne.s32 s2, $0x0  }
0x173: {  	s3 =	rddreg [dreg:$0x2];
	[bflag:$0x3] =	sbarrier.arrive $0xFFFF;
	s2 =	simm.s32 @!p0 $0x1C05  }
0x174: {  	[timem:s3], [sflag:s2] =	dma.local @!p0 [hbm:s0], s1  }
0x175: {  	s0 =	simm.s32 @!p0 $0x5  }
0x176: {  	_ =	swait.ge @!p0 [sflag:s0], s1  }
0x177: {  	s1 =	ssub.s32 @!p0 $0x0, s1;
	[sflag:s0] =	ssyncset.done @!p0 $0x0  }
0x178: {  	[sflag:s0] =	ssyncadd.s32 @!p0 s1  }
0x179: {  	[bflag:$0x3] =	sbarrier.arrive $0xFFFF  }
0x17a: {  	_ =	shalt  }

</sc_bundles>
